<compile_context>
chip_gen: v7x
topology: tpu7x:2x2x1
jax: 0.10.2.dev20260603
libtpu: 0.0.44.dev20260713+nightly
codegen_flags: <defaults>
</compile_context>

<pallas_src>
import functools
import math

import jax
import jax.numpy as jnp
from jax import lax
from jax.experimental import pallas as pl
from jax.experimental.pallas import tpu as pltpu
from jax.experimental.pallas import tpu_sc as plsc

B = 1024
D = 10
NEG = 4
HIST = 20
TL = 15
NEWS_N = NEG + 1 + HIST + D
DIM = 128
SLOT = 1 + TL

NC, NS = 2, 16
NW = NC * NS

W_CH = 224
N_CH = 56


def _make_sc_gather(nb):
    n_word = nb * NEWS_N * SLOT
    n_news = nb * NEWS_N
    n_user = nb * (1 + D)
    w_per = n_word // NW
    n_per = n_news // NW
    u_per = n_user // NW

    def body(widx, nidx, uidx, wtab, ntab, utab, wout, nout, uout,
             widx_v, wbuf, nidx_v, nbuf, uidx_v, ubuf, sem):
        wid = lax.axis_index("s") * NC + lax.axis_index("c")

        wbase = wid * w_per

        def wstep(i, carry):
            base = wbase + i * W_CH
            pltpu.sync_copy(widx.at[pl.ds(base, W_CH)], widx_v)
            pltpu.async_copy(wtab.at[widx_v], wbuf, sem).wait()
            pltpu.sync_copy(wbuf, wout.at[pl.ds(base, W_CH)])
            return carry

        lax.fori_loop(0, w_per // W_CH, wstep, 0)

        nbase = wid * n_per

        def nstep(i, carry):
            base = nbase + i * N_CH
            pltpu.sync_copy(nidx.at[pl.ds(base, N_CH)], nidx_v)
            pltpu.async_copy(ntab.at[nidx_v], nbuf, sem).wait()
            pltpu.sync_copy(nbuf, nout.at[pl.ds(base, N_CH)])
            return carry

        lax.fori_loop(0, n_per // N_CH, nstep, 0)

        ubase = wid * u_per
        pltpu.sync_copy(uidx.at[pl.ds(ubase, u_per)], uidx_v)
        pltpu.async_copy(utab.at[uidx_v], ubuf, sem).wait()
        pltpu.sync_copy(ubuf, uout.at[pl.ds(ubase, u_per)])

    return functools.partial(
        pl.kernel,
        out_type=[
            jax.ShapeDtypeStruct((n_word, DIM), jnp.float32),
            jax.ShapeDtypeStruct((n_news, DIM), jnp.float32),
            jax.ShapeDtypeStruct((n_user, DIM), jnp.float32),
        ],
        mesh=plsc.VectorSubcoreMesh(
            core_axis_name="c", subcore_axis_name="s",
            num_cores=NC, num_subcores=NS),
        scratch_types=[
            pltpu.VMEM((W_CH,), jnp.int32),
            pltpu.VMEM((W_CH, DIM), jnp.float32),
            pltpu.VMEM((N_CH,), jnp.int32),
            pltpu.VMEM((N_CH, DIM), jnp.float32),
            pltpu.VMEM((u_per,), jnp.int32),
            pltpu.VMEM((u_per, DIM), jnp.float32),
            pltpu.SemaphoreType.DMA,
        ],
    )(body)


BB = 16
IB = BB * NEWS_N
TR = IB * SLOT
NG = IB // 8
UB = BB * (1 + D)

_INV_SQRT_D = 1.0 / math.sqrt(DIM)


def _tc_body(w_ref, n_ref, u_ref, wq_ref, wk_ref, wv_ref, qp_ref, bias_ref,
             seg_ref, out_ref, q_s, k_s, v_s, p_s, s_s, info_s):
    w = w_ref[...].astype(jnp.bfloat16)
    wq = (wq_ref[...] * _INV_SQRT_D).astype(jnp.bfloat16)
    wk = wk_ref[...].astype(jnp.bfloat16)
    wv = wv_ref[...].astype(jnp.bfloat16)
    q_s[...] = jnp.dot(w, wq,
                       preferred_element_type=jnp.float32).astype(jnp.bfloat16)
    k_s[...] = jnp.dot(w, wk,
                       preferred_element_type=jnp.float32).astype(jnp.bfloat16)
    v_s[...] = jnp.dot(w, wv,
                       preferred_element_type=jnp.float32).astype(jnp.bfloat16)
    bias = bias_ref[...]
    qp = qp_ref[...]

    def smm(g, carry):
        qg = q_s[pl.ds(g * 128, 128), :]
        kg = k_s[pl.ds(g * 128, 128), :]
        s_s[pl.ds(g * 128, 128), :] = lax.dot_general(
            qg, kg, (((1,), (1,)), ((), ())),
            preferred_element_type=jnp.float32)
        return carry

    lax.fori_loop(0, NG, smm, 0, unroll=NG)

    pe = jnp.exp(s_s[...].reshape(NG, 128, 128) + bias[None, :, :])
    rec = 1.0 / jnp.sum(pe, axis=2, keepdims=True)
    p_s[...] = (pe * rec).astype(jnp.bfloat16).reshape(TR, DIM)

    p3 = p_s[...].reshape(NG, 128, 128)
    v4 = v_s[...].reshape(NG, 128, DIM)
    qp_b = jnp.broadcast_to(qp.astype(jnp.bfloat16)[None], (NG, 1, DIM))
    u_b = lax.dot_general(qp_b, v4, (((2,), (2,)), ((0,), (0,))),
                          preferred_element_type=jnp.float32)
    ps = lax.dot_general(u_b.astype(jnp.bfloat16), p3,
                         (((2,), (2,)), ((0,), (0,))),
                         preferred_element_type=jnp.float32
                         ).reshape(NG, 128)
    lane = lax.broadcasted_iota(jnp.int32, (NG, 128), 1)
    ae = jnp.exp(jnp.where(lane % SLOT != 0, ps, -1e30))
    den = jnp.dot(ae.astype(jnp.bfloat16), seg_ref[...],
                  preferred_element_type=jnp.float32)
    alpha = (ae / den).astype(jnp.bfloat16)
    blk = lax.broadcasted_iota(jnp.int32, (8, 128), 0)
    lane8 = lax.broadcasted_iota(jnp.int32, (8, 128), 1)
    bmask = (lane8 // SLOT == blk).astype(jnp.bfloat16)
    w_alpha = alpha[:, None, :] * bmask[None]
    c_b = lax.dot_general(w_alpha, p3, (((2,), (1,)), ((0,), (0,))),
                          preferred_element_type=jnp.float32)
    info_s[...] = lax.dot_general(
        c_b.astype(jnp.bfloat16), v4, (((2,), (1,)), ((0,), (0,))),
        preferred_element_type=jnp.float32).reshape(IB, DIM)

    x = info_s[...] + n_ref[...]

    r2 = lax.broadcasted_iota(jnp.int32, (BB, IB), 0)
    c2 = lax.broadcasted_iota(jnp.int32, (BB, IB), 1)
    j = c2 - r2 * NEWS_N
    wnews = jnp.where((j >= NEG + 1) & (j < NEG + 1 + HIST), 1.0 / HIST,
                      jnp.where((j >= NEG + 1 + HIST) & (j < NEWS_N),
                                1.0 / D, 0.0))
    user_vec = jnp.dot(wnews, x, preferred_element_type=jnp.float32)

    r3 = lax.broadcasted_iota(jnp.int32, (BB, UB), 0)
    c3 = lax.broadcasted_iota(jnp.int32, (BB, UB), 1)
    ju = c3 - r3 * (1 + D)
    wuser = jnp.where(ju == 0, 1.0,
                      jnp.where((ju >= 1) & (ju < 1 + D), 1.0 / D, 0.0))
    user_vec = user_vec + jnp.dot(wuser, u_ref[...],
                                  preferred_element_type=jnp.float32)

    cand = x.reshape(BB, NEWS_N, DIM)[:, :NEG + 1, :]
    logits = jnp.sum(user_vec[:, None, :] * cand, axis=2)
    out_ref[...] = logits


def _attn_bias():
    r = jnp.arange(128)[:, None]
    c = jnp.arange(128)[None, :]
    valid = ((r // SLOT) == (c // SLOT)) & ((c % SLOT) != 0)
    return jnp.where(valid, 0.0, -1e30).astype(jnp.float32)


def _seg_mat():
    r = jnp.arange(128)[:, None]
    c = jnp.arange(128)[None, :]
    return ((r // SLOT) == (c // SLOT)).astype(jnp.bfloat16)


def _tc_forward(wrows, nrows, urows, Wq, Wk, Wv, q_pool):
    nb = urows.shape[0] // (1 + D)
    grid = (nb // BB,)
    return pl.pallas_call(
        _tc_body,
        grid=grid,
        in_specs=[
            pl.BlockSpec((TR, DIM), lambda i: (i, 0)),
            pl.BlockSpec((IB, DIM), lambda i: (i, 0)),
            pl.BlockSpec((UB, DIM), lambda i: (i, 0)),
            pl.BlockSpec((DIM, DIM), lambda i: (0, 0)),
            pl.BlockSpec((DIM, DIM), lambda i: (0, 0)),
            pl.BlockSpec((DIM, DIM), lambda i: (0, 0)),
            pl.BlockSpec((1, DIM), lambda i: (0, 0)),
            pl.BlockSpec((128, 128), lambda i: (0, 0)),
            pl.BlockSpec((128, 128), lambda i: (0, 0)),
        ],
        out_specs=pl.BlockSpec((BB, NEG + 1), lambda i: (i, 0)),
        out_shape=jax.ShapeDtypeStruct((nb, NEG + 1), jnp.float32),
        scratch_shapes=[
            pltpu.VMEM((TR, DIM), jnp.bfloat16),
            pltpu.VMEM((TR, DIM), jnp.bfloat16),
            pltpu.VMEM((TR, DIM), jnp.bfloat16),
            pltpu.VMEM((TR, DIM), jnp.bfloat16),
            pltpu.VMEM((TR, DIM), jnp.float32),
            pltpu.VMEM((IB, DIM), jnp.float32),
        ],
    )(wrows, nrows, urows, Wq, Wk, Wv, q_pool.reshape(1, DIM), _attn_bias(),
      _seg_mat())


def kernel(data, user_emb, news_emb, word_emb, Wq, Wk, Wv, q_pool):
    nb = B // 4
    sc = _make_sc_gather(nb)
    halves = []
    for h in range(4):
        d = data[h * nb:(h + 1) * nb]
        uidx = d[:, : 1 + D].reshape(-1)
        nidx = d[:, 1 + D: 1 + D + NEWS_N].reshape(-1)
        widx = d[:, 1 + D + NEWS_N:].reshape(-1)
        halves.append(sc(widx, nidx, uidx, word_emb, news_emb, user_emb))
    outs = [_tc_forward(wr, nr, ur, Wq, Wk, Wv, q_pool)
            for wr, nr, ur in halves]
    return jnp.concatenate(outs, axis=0)

# --- scband reference (transcript-rebuilt; emitter-appended) ---
"""Pipeline reference for scband-gerl-9921374454294 (READ-ONLY COPY).

The authoritative reference and input builder live on the scoring server;
editing this copy changes nothing except your own understanding.
"""

import jax, jax.numpy as jnp
import numpy as np

B = 1024
USER_NUM = 100000
NEWS_NUM = 100000
WORD_NUM = 100000
ID_DIM = 128
WORD_DIM = 128
NEG = 4
D = 10
HIST = 20
TL = 15
NEWS_N = NEG + 1 + HIST + D
TOTAL = 1 + D + NEWS_N + NEWS_N * (1 + TL)


def setup_inputs(seed: int = 0):
    key = jax.random.key(seed)
    ks = jax.random.split(key, 8)
    data = jax.random.randint(ks[0], (B, TOTAL), 0, 100000, dtype=jnp.int32)
    user_emb = jax.random.normal(ks[1], (USER_NUM, ID_DIM), dtype=jnp.float32) * 0.02
    news_emb = jax.random.normal(ks[2], (NEWS_NUM, ID_DIM), dtype=jnp.float32) * 0.02
    word_emb = jax.random.normal(ks[3], (WORD_NUM, WORD_DIM), dtype=jnp.float32) * 0.02
    Wq = jax.random.normal(ks[4], (WORD_DIM, WORD_DIM), dtype=jnp.float32) * 0.05
    Wk = jax.random.normal(ks[5], (WORD_DIM, WORD_DIM), dtype=jnp.float32) * 0.05
    Wv = jax.random.normal(ks[6], (WORD_DIM, WORD_DIM), dtype=jnp.float32) * 0.05
    q_pool = jax.random.normal(ks[7], (WORD_DIM,), dtype=jnp.float32) * 0.05
    return {"data": data, "user_emb": user_emb, "news_emb": news_emb, "word_emb": word_emb, "Wq": Wq, "Wk": Wk, "Wv": Wv, "q_pool": q_pool}


def reference(data, user_emb, news_emb, word_emb, Wq, Wk, Wv, q_pool):
    b = data.shape[0]
    # user ID embedding lookups: target user + D neighbor users
    all_user = user_emb[data[:, : 1 + D]]
    target_user = all_user[:, 0, :]
    neighbor_user = all_user[:, 1:, :]
    # news ID embedding lookups: candidates, history, neighbor news
    all_news_ID = news_emb[data[:, 1 + D : 1 + D + NEWS_N]]
    cand_ID = all_news_ID[:, : NEG + 1, :]
    his_ID = all_news_ID[:, NEG + 1 : NEG + 1 + HIST, :]
    neigh_ID = all_news_ID[:, NEG + 1 + HIST :, :]
    # transformer news encoder over title tokens
    info = data[:, 1 + D + NEWS_N :].reshape(b, NEWS_N, 1 + TL)
    titles = info[:, :, 1:]
    w = word_emb[titles]
    q = w @ Wq
    k = w @ Wk
    v = w @ Wv
    att = jnp.einsum("bnld,bnmd->bnlm", q, k) / jnp.sqrt(jnp.float32(WORD_DIM))
    att = jax.nn.softmax(att, axis=-1)
    h = jnp.einsum("bnlm,bnmd->bnld", att, v)
    alpha = jax.nn.softmax(h @ q_pool, axis=-1)
    news_info = jnp.einsum("bnl,bnld->bnd", alpha, h)
    cand_info = news_info[:, : NEG + 1, :]
    his_info = news_info[:, NEG + 1 : NEG + 1 + HIST, :]
    neigh_info = news_info[:, NEG + 1 + HIST :, :]
    user_vec = (target_user + neighbor_user.mean(axis=1) + his_ID.mean(axis=1)
                + his_info.mean(axis=1) + neigh_ID.mean(axis=1) + neigh_info.mean(axis=1))
    news_vec = cand_ID + cand_info
    logits = jnp.einsum("bd,bcd->bc", user_vec, news_vec)
    return logits

if __name__ == "__main__":
    import jax
    _d = setup_inputs()
    print(jax.jit(kernel)(*tuple(_d.values())))

</pallas_src>

<mosaic_0001>
#map = affine_map<(d0, d1) -> (0)>
#map1 = affine_map<(d0, d1) -> (0, 0)>
module attributes {stable_mosaic.version = 14 : i64} {
  func.func @body(%arg0: i32, %arg1: i32, %arg2: memref<143360xi32, #tpu.memory_space<hbm>>, %arg3: memref<8960xi32, #tpu.memory_space<hbm>>, %arg4: memref<2816xi32, #tpu.memory_space<hbm>>, %arg5: memref<100000x128xf32, #tpu.memory_space<hbm>>, %arg6: memref<100000x128xf32, #tpu.memory_space<hbm>>, %arg7: memref<100000x128xf32, #tpu.memory_space<hbm>>, %arg8: memref<143360x128xf32, #tpu.memory_space<hbm>>, %arg9: memref<8960x128xf32, #tpu.memory_space<hbm>>, %arg10: memref<2816x128xf32, #tpu.memory_space<hbm>>, %arg11: memref<224xi32, #tpu.memory_space<vmem>>, %arg12: memref<224x128xf32, #tpu.memory_space<vmem>>, %arg13: memref<56xi32, #tpu.memory_space<vmem>>, %arg14: memref<56x128xf32, #tpu.memory_space<vmem>>, %arg15: memref<88xi32, #tpu.memory_space<vmem>>, %arg16: memref<88x128xf32, #tpu.memory_space<vmem>>, %arg17: memref<!tpu.dma_semaphore, #tpu.memory_space<semaphore_mem>>) attributes {dimension_semantics = [#tpu.dimension_semantics<core_parallel>, #tpu.dimension_semantics<subcore_parallel>], iteration_bounds = array<i64: 2, 16>, scalar_prefetch = 0 : i64, scratch_operands = 7 : i64, tpu.core_type = #tpu.core_type<sc_vector_subcore>, window_params = [{transform_indices = #map}, {transform_indices = #map}, {transform_indices = #map}, {transform_indices = #map1}, {transform_indices = #map1}, {transform_indices = #map1}, {transform_indices = #map1}, {transform_indices = #map1}, {transform_indices = #map1}]} {
    %mul3A = arith.constant 2 : i32
    %mul3A_0 = arith.muli %arg1, %mul3A : i32
    %add3A = arith.addi %mul3A_0, %arg0 : i32
    %mul3A_1 = arith.constant 4480 : i32
    %mul3A_2 = arith.muli %add3A, %mul3A_1 : i32
    %scan3A = arith.constant 0 : i32
    %scan3A_3 = arith.constant 0 : i32
    %scan3A_4 = arith.constant 20 : i32
    %scan3A_5 = arith.addi %scan3A_3, %scan3A_4 : i32
    %scan3A_6 = arith.constant 1 : i32
    scf.for %scan3A_22 = %scan3A_3 to %scan3A_5 step %scan3A_6  : i32 {
      %mul3A_23 = arith.constant 224 : i32
      %mul3A_24 = arith.muli %scan3A_22, %mul3A_23 : i32
      %add3A_25 = arith.addi %mul3A_2, %mul3A_24 : i32
      "tpu.region"() ({
        %run_scoped3A = tpu.sem_alloc : memref<!tpu.dma_semaphore, #tpu.memory_space<semaphore_mem>>
        %dma_start3A_32 = tpu.memref_slice %arg2[%add3A_25] : memref<143360xi32, #tpu.memory_space<hbm>> -> memref<224xi32, #tpu.memory_space<hbm>>
        %dma_start3A_33 = tpu.memref_slice %arg2[%add3A_25] : memref<143360xi32, #tpu.memory_space<hbm>> -> memref<224xi32, #tpu.memory_space<hbm>>
        tpu.enqueue_dma source(%dma_start3A_33 : memref<224xi32, #tpu.memory_space<hbm>>) target(%arg11 : memref<224xi32, #tpu.memory_space<vmem>>) target_semaphore(%run_scoped3A : memref<!tpu.dma_semaphore, #tpu.memory_space<semaphore_mem>>)
        %dma_wait3A_34 = tpu.memref_slice %arg2[%add3A_25] : memref<143360xi32, #tpu.memory_space<hbm>> -> memref<224xi32, #tpu.memory_space<hbm>>
        %dma_wait3A_35 = tpu.memref_slice %arg2[%add3A_25] : memref<143360xi32, #tpu.memory_space<hbm>> -> memref<224xi32, #tpu.memory_space<hbm>>
        tpu.wait_dma2 semaphore(%run_scoped3A : memref<!tpu.dma_semaphore, #tpu.memory_space<semaphore_mem>>) src(%dma_wait3A_35 : memref<224xi32, #tpu.memory_space<hbm>>) dst(%arg11 : memref<224xi32, #tpu.memory_space<vmem>>)
        tpu.yield
      }) : () -> ()
      %dma_start3A_26 = arith.constant 0 : i32
      %dma_start3A_27 = arith.constant 0 : i32
      %dma_start3A_28 = tpu.memref_slice %arg5[%dma_start3A_26, %dma_start3A_27] : memref<100000x128xf32, #tpu.memory_space<hbm>> -> memref<100000x128xf32, #tpu.memory_space<hbm>>
      tpu.enqueue_indirect_dma source(%dma_start3A_28 : memref<100000x128xf32, #tpu.memory_space<hbm>>) target(%arg12 : memref<224x128xf32, #tpu.memory_space<vmem>>) offsets(%arg11 : memref<224xi32, #tpu.memory_space<vmem>>) semaphore(%arg17 : memref<!tpu.dma_semaphore, #tpu.memory_space<semaphore_mem>>)
      %dma_wait3A_29 = arith.constant 0 : i32
      %dma_wait3A_30 = arith.constant 0 : i32
      %dma_wait3A_31 = tpu.memref_slice %arg5[%dma_wait3A_29, %dma_wait3A_30] : memref<100000x128xf32, #tpu.memory_space<hbm>> -> memref<100000x128xf32, #tpu.memory_space<hbm>>
      tpu.wait_indirect_dma semaphore(%arg17 : memref<!tpu.dma_semaphore, #tpu.memory_space<semaphore_mem>>) src(%dma_wait3A_31 : memref<100000x128xf32, #tpu.memory_space<hbm>>) dst(%arg12 : memref<224x128xf32, #tpu.memory_space<vmem>>)
      "tpu.region"() ({
        %run_scoped3A = tpu.sem_alloc : memref<!tpu.dma_semaphore, #tpu.memory_space<semaphore_mem>>
        %dma_start3A_32 = arith.constant 0 : i32
        %dma_start3A_33 = tpu.memref_slice %arg8[%add3A_25, %dma_start3A_32] : memref<143360x128xf32, #tpu.memory_space<hbm>> -> memref<224x128xf32, #tpu.memory_space<hbm>>
        %dma_start3A_34 = arith.constant 0 : i32
        %dma_start3A_35 = tpu.memref_slice %arg8[%add3A_25, %dma_start3A_34] : memref<143360x128xf32, #tpu.memory_space<hbm>> -> memref<224x128xf32, #tpu.memory_space<hbm>>
        tpu.enqueue_dma source(%arg12 : memref<224x128xf32, #tpu.memory_space<vmem>>) target(%dma_start3A_35 : memref<224x128xf32, #tpu.memory_space<hbm>>) target_semaphore(%run_scoped3A : memref<!tpu.dma_semaphore, #tpu.memory_space<semaphore_mem>>)
        %dma_wait3A_36 = arith.constant 0 : i32
        %dma_wait3A_37 = tpu.memref_slice %arg8[%add3A_25, %dma_wait3A_36] : memref<143360x128xf32, #tpu.memory_space<hbm>> -> memref<224x128xf32, #tpu.memory_space<hbm>>
        %dma_wait3A_38 = arith.constant 0 : i32
        %dma_wait3A_39 = tpu.memref_slice %arg8[%add3A_25, %dma_wait3A_38] : memref<143360x128xf32, #tpu.memory_space<hbm>> -> memref<224x128xf32, #tpu.memory_space<hbm>>
        tpu.wait_dma2 semaphore(%run_scoped3A : memref<!tpu.dma_semaphore, #tpu.memory_space<semaphore_mem>>) src(%arg12 : memref<224x128xf32, #tpu.memory_space<vmem>>) dst(%dma_wait3A_39 : memref<224x128xf32, #tpu.memory_space<hbm>>)
        tpu.yield
      }) : () -> ()
    }
    %scan3A_7 = arith.constant 20 : i32
    %mul3A_8 = arith.constant 280 : i32
    %mul3A_9 = arith.muli %add3A, %mul3A_8 : i32
    %scan3A_10 = arith.constant 0 : i32
    %scan3A_11 = arith.constant 0 : i32
    %scan3A_12 = arith.constant 5 : i32
    %scan3A_13 = arith.addi %scan3A_11, %scan3A_12 : i32
    %scan3A_14 = arith.constant 1 : i32
    scf.for %scan3A_22 = %scan3A_11 to %scan3A_13 step %scan3A_14  : i32 {
      %mul3A_23 = arith.constant 56 : i32
      %mul3A_24 = arith.muli %scan3A_22, %mul3A_23 : i32
      %add3A_25 = arith.addi %mul3A_9, %mul3A_24 : i32
      "tpu.region"() ({
        %run_scoped3A = tpu.sem_alloc : memref<!tpu.dma_semaphore, #tpu.memory_space<semaphore_mem>>
        %dma_start3A_32 = tpu.memref_slice %arg3[%add3A_25] : memref<8960xi32, #tpu.memory_space<hbm>> -> memref<56xi32, #tpu.memory_space<hbm>>
        %dma_start3A_33 = tpu.memref_slice %arg3[%add3A_25] : memref<8960xi32, #tpu.memory_space<hbm>> -> memref<56xi32, #tpu.memory_space<hbm>>
        tpu.enqueue_dma source(%dma_start3A_33 : memref<56xi32, #tpu.memory_space<hbm>>) target(%arg13 : memref<56xi32, #tpu.memory_space<vmem>>) target_semaphore(%run_scoped3A : memref<!tpu.dma_semaphore, #tpu.memory_space<semaphore_mem>>)
        %dma_wait3A_34 = tpu.memref_slice %arg3[%add3A_25] : memref<8960xi32, #tpu.memory_space<hbm>> -> memref<56xi32, #tpu.memory_space<hbm>>
        %dma_wait3A_35 = tpu.memref_slice %arg3[%add3A_25] : memref<8960xi32, #tpu.memory_space<hbm>> -> memref<56xi32, #tpu.memory_space<hbm>>
        tpu.wait_dma2 semaphore(%run_scoped3A : memref<!tpu.dma_semaphore, #tpu.memory_space<semaphore_mem>>) src(%dma_wait3A_35 : memref<56xi32, #tpu.memory_space<hbm>>) dst(%arg13 : memref<56xi32, #tpu.memory_space<vmem>>)
        tpu.yield
      }) : () -> ()
      %dma_start3A_26 = arith.constant 0 : i32
      %dma_start3A_27 = arith.constant 0 : i32
      %dma_start3A_28 = tpu.memref_slice %arg6[%dma_start3A_26, %dma_start3A_27] : memref<100000x128xf32, #tpu.memory_space<hbm>> -> memref<100000x128xf32, #tpu.memory_space<hbm>>
      tpu.enqueue_indirect_dma source(%dma_start3A_28 : memref<100000x128xf32, #tpu.memory_space<hbm>>) target(%arg14 : memref<56x128xf32, #tpu.memory_space<vmem>>) offsets(%arg13 : memref<56xi32, #tpu.memory_space<vmem>>) semaphore(%arg17 : memref<!tpu.dma_semaphore, #tpu.memory_space<semaphore_mem>>)
      %dma_wait3A_29 = arith.constant 0 : i32
      %dma_wait3A_30 = arith.constant 0 : i32
      %dma_wait3A_31 = tpu.memref_slice %arg6[%dma_wait3A_29, %dma_wait3A_30] : memref<100000x128xf32, #tpu.memory_space<hbm>> -> memref<100000x128xf32, #tpu.memory_space<hbm>>
      tpu.wait_indirect_dma semaphore(%arg17 : memref<!tpu.dma_semaphore, #tpu.memory_space<semaphore_mem>>) src(%dma_wait3A_31 : memref<100000x128xf32, #tpu.memory_space<hbm>>) dst(%arg14 : memref<56x128xf32, #tpu.memory_space<vmem>>)
      "tpu.region"() ({
        %run_scoped3A = tpu.sem_alloc : memref<!tpu.dma_semaphore, #tpu.memory_space<semaphore_mem>>
        %dma_start3A_32 = arith.constant 0 : i32
        %dma_start3A_33 = tpu.memref_slice %arg9[%add3A_25, %dma_start3A_32] : memref<8960x128xf32, #tpu.memory_space<hbm>> -> memref<56x128xf32, #tpu.memory_space<hbm>>
        %dma_start3A_34 = arith.constant 0 : i32
        %dma_start3A_35 = tpu.memref_slice %arg9[%add3A_25, %dma_start3A_34] : memref<8960x128xf32, #tpu.memory_space<hbm>> -> memref<56x128xf32, #tpu.memory_space<hbm>>
        tpu.enqueue_dma source(%arg14 : memref<56x128xf32, #tpu.memory_space<vmem>>) target(%dma_start3A_35 : memref<56x128xf32, #tpu.memory_space<hbm>>) target_semaphore(%run_scoped3A : memref<!tpu.dma_semaphore, #tpu.memory_space<semaphore_mem>>)
        %dma_wait3A_36 = arith.constant 0 : i32
        %dma_wait3A_37 = tpu.memref_slice %arg9[%add3A_25, %dma_wait3A_36] : memref<8960x128xf32, #tpu.memory_space<hbm>> -> memref<56x128xf32, #tpu.memory_space<hbm>>
        %dma_wait3A_38 = arith.constant 0 : i32
        %dma_wait3A_39 = tpu.memref_slice %arg9[%add3A_25, %dma_wait3A_38] : memref<8960x128xf32, #tpu.memory_space<hbm>> -> memref<56x128xf32, #tpu.memory_space<hbm>>
        tpu.wait_dma2 semaphore(%run_scoped3A : memref<!tpu.dma_semaphore, #tpu.memory_space<semaphore_mem>>) src(%arg14 : memref<56x128xf32, #tpu.memory_space<vmem>>) dst(%dma_wait3A_39 : memref<56x128xf32, #tpu.memory_space<hbm>>)
        tpu.yield
      }) : () -> ()
    }
    %scan3A_15 = arith.constant 5 : i32
    %mul3A_16 = arith.constant 88 : i32
    %mul3A_17 = arith.muli %add3A, %mul3A_16 : i32
    "tpu.region"() ({
      %run_scoped3A = tpu.sem_alloc : memref<!tpu.dma_semaphore, #tpu.memory_space<semaphore_mem>>
      %dma_start3A_22 = tpu.memref_slice %arg4[%mul3A_17] : memref<2816xi32, #tpu.memory_space<hbm>> -> memref<88xi32, #tpu.memory_space<hbm>>
      %dma_start3A_23 = tpu.memref_slice %arg4[%mul3A_17] : memref<2816xi32, #tpu.memory_space<hbm>> -> memref<88xi32, #tpu.memory_space<hbm>>
      tpu.enqueue_dma source(%dma_start3A_23 : memref<88xi32, #tpu.memory_space<hbm>>) target(%arg15 : memref<88xi32, #tpu.memory_space<vmem>>) target_semaphore(%run_scoped3A : memref<!tpu.dma_semaphore, #tpu.memory_space<semaphore_mem>>)
      %dma_wait3A_24 = tpu.memref_slice %arg4[%mul3A_17] : memref<2816xi32, #tpu.memory_space<hbm>> -> memref<88xi32, #tpu.memory_space<hbm>>
      %dma_wait3A_25 = tpu.memref_slice %arg4[%mul3A_17] : memref<2816xi32, #tpu.memory_space<hbm>> -> memref<88xi32, #tpu.memory_space<hbm>>
      tpu.wait_dma2 semaphore(%run_scoped3A : memref<!tpu.dma_semaphore, #tpu.memory_space<semaphore_mem>>) src(%dma_wait3A_25 : memref<88xi32, #tpu.memory_space<hbm>>) dst(%arg15 : memref<88xi32, #tpu.memory_space<vmem>>)
      tpu.yield
    }) : () -> ()
    %dma_start3A = arith.constant 0 : i32
    %dma_start3A_18 = arith.constant 0 : i32
    %dma_start3A_19 = tpu.memref_slice %arg7[%dma_start3A, %dma_start3A_18] : memref<100000x128xf32, #tpu.memory_space<hbm>> -> memref<100000x128xf32, #tpu.memory_space<hbm>>
    tpu.enqueue_indirect_dma source(%dma_start3A_19 : memref<100000x128xf32, #tpu.memory_space<hbm>>) target(%arg16 : memref<88x128xf32, #tpu.memory_space<vmem>>) offsets(%arg15 : memref<88xi32, #tpu.memory_space<vmem>>) semaphore(%arg17 : memref<!tpu.dma_semaphore, #tpu.memory_space<semaphore_mem>>)
    %dma_wait3A = arith.constant 0 : i32
    %dma_wait3A_20 = arith.constant 0 : i32
    %dma_wait3A_21 = tpu.memref_slice %arg7[%dma_wait3A, %dma_wait3A_20] : memref<100000x128xf32, #tpu.memory_space<hbm>> -> memref<100000x128xf32, #tpu.memory_space<hbm>>
    tpu.wait_indirect_dma semaphore(%arg17 : memref<!tpu.dma_semaphore, #tpu.memory_space<semaphore_mem>>) src(%dma_wait3A_21 : memref<100000x128xf32, #tpu.memory_space<hbm>>) dst(%arg16 : memref<88x128xf32, #tpu.memory_space<vmem>>)
    "tpu.region"() ({
      %run_scoped3A = tpu.sem_alloc : memref<!tpu.dma_semaphore, #tpu.memory_space<semaphore_mem>>
      %dma_start3A_22 = arith.constant 0 : i32
      %dma_start3A_23 = tpu.memref_slice %arg10[%mul3A_17, %dma_start3A_22] : memref<2816x128xf32, #tpu.memory_space<hbm>> -> memref<88x128xf32, #tpu.memory_space<hbm>>
      %dma_start3A_24 = arith.constant 0 : i32
      %dma_start3A_25 = tpu.memref_slice %arg10[%mul3A_17, %dma_start3A_24] : memref<2816x128xf32, #tpu.memory_space<hbm>> -> memref<88x128xf32, #tpu.memory_space<hbm>>
      tpu.enqueue_dma source(%arg16 : memref<88x128xf32, #tpu.memory_space<vmem>>) target(%dma_start3A_25 : memref<88x128xf32, #tpu.memory_space<hbm>>) target_semaphore(%run_scoped3A : memref<!tpu.dma_semaphore, #tpu.memory_space<semaphore_mem>>)
      %dma_wait3A_26 = arith.constant 0 : i32
      %dma_wait3A_27 = tpu.memref_slice %arg10[%mul3A_17, %dma_wait3A_26] : memref<2816x128xf32, #tpu.memory_space<hbm>> -> memref<88x128xf32, #tpu.memory_space<hbm>>
      %dma_wait3A_28 = arith.constant 0 : i32
      %dma_wait3A_29 = tpu.memref_slice %arg10[%mul3A_17, %dma_wait3A_28] : memref<2816x128xf32, #tpu.memory_space<hbm>> -> memref<88x128xf32, #tpu.memory_space<hbm>>
      tpu.wait_dma2 semaphore(%run_scoped3A : memref<!tpu.dma_semaphore, #tpu.memory_space<semaphore_mem>>) src(%arg16 : memref<88x128xf32, #tpu.memory_space<vmem>>) dst(%dma_wait3A_29 : memref<88x128xf32, #tpu.memory_space<hbm>>)
      tpu.yield
    }) : () -> ()
    return
  }
}

#map = affine_map<(d0, d1) -> (0)>
#map1 = affine_map<(d0, d1) -> (0, 0)>
module attributes {stable_mosaic.version = 14 : i64} {
  func.func @body(%arg0: i32, %arg1: i32, %arg2: memref<143360xi32, #tpu.memory_space<hbm>>, %arg3: memref<8960xi32, #tpu.memory_space<hbm>>, %arg4: memref<2816xi32, #tpu.memory_space<hbm>>, %arg5: memref<100000x128xf32, #tpu.memory_space<hbm>>, %arg6: memref<100000x128xf32, #tpu.memory_space<hbm>>, %arg7: memref<100000x128xf32, #tpu.memory_space<hbm>>, %arg8: memref<143360x128xf32, #tpu.memory_space<hbm>>, %arg9: memref<8960x128xf32, #tpu.memory_space<hbm>>, %arg10: memref<2816x128xf32, #tpu.memory_space<hbm>>, %arg11: memref<224xi32, #tpu.memory_space<vmem>>, %arg12: memref<224x128xf32, #tpu.memory_space<vmem>>, %arg13: memref<56xi32, #tpu.memory_space<vmem>>, %arg14: memref<56x128xf32, #tpu.memory_space<vmem>>, %arg15: memref<88xi32, #tpu.memory_space<vmem>>, %arg16: memref<88x128xf32, #tpu.memory_space<vmem>>, %arg17: memref<!tpu.dma_semaphore, #tpu.memory_space<semaphore_mem>>) attributes {dimension_semantics = [#tpu.dimension_semantics<core_parallel>, #tpu.dimension_semantics<subcore_parallel>], iteration_bounds = array<i64: 2, 16>, scalar_prefetch = 0 : i64, scratch_operands = 7 : i64, tpu.core_type = #tpu.core_type<sc_vector_subcore>, window_params = [{transform_indices = #map}, {transform_indices = #map}, {transform_indices = #map}, {transform_indices = #map1}, {transform_indices = #map1}, {transform_indices = #map1}, {transform_indices = #map1}, {transform_indices = #map1}, {transform_indices = #map1}]} {
    %mul3A = arith.constant 2 : i32
    %mul3A_0 = arith.muli %arg1, %mul3A : i32
    %add3A = arith.addi %mul3A_0, %arg0 : i32
    %mul3A_1 = arith.constant 4480 : i32
    %mul3A_2 = arith.muli %add3A, %mul3A_1 : i32
    %scan3A = arith.constant 0 : i32
    %scan3A_3 = arith.constant 0 : i32
    %scan3A_4 = arith.constant 20 : i32
    %scan3A_5 = arith.addi %scan3A_3, %scan3A_4 : i32
    %scan3A_6 = arith.constant 1 : i32
    scf.for %scan3A_22 = %scan3A_3 to %scan3A_5 step %scan3A_6  : i32 {
      %mul3A_23 = arith.constant 224 : i32
      %mul3A_24 = arith.muli %scan3A_22, %mul3A_23 : i32
      %add3A_25 = arith.addi %mul3A_2, %mul3A_24 : i32
      "tpu.region"() ({
        %run_scoped3A = tpu.sem_alloc : memref<!tpu.dma_semaphore, #tpu.memory_space<semaphore_mem>>
        %dma_start3A_32 = tpu.memref_slice %arg2[%add3A_25] : memref<143360xi32, #tpu.memory_space<hbm>> -> memref<224xi32, #tpu.memory_space<hbm>>
        %dma_start3A_33 = tpu.memref_slice %arg2[%add3A_25] : memref<143360xi32, #tpu.memory_space<hbm>> -> memref<224xi32, #tpu.memory_space<hbm>>
        tpu.enqueue_dma source(%dma_start3A_33 : memref<224xi32, #tpu.memory_space<hbm>>) target(%arg11 : memref<224xi32, #tpu.memory_space<vmem>>) target_semaphore(%run_scoped3A : memref<!tpu.dma_semaphore, #tpu.memory_space<semaphore_mem>>)
        %dma_wait3A_34 = tpu.memref_slice %arg2[%add3A_25] : memref<143360xi32, #tpu.memory_space<hbm>> -> memref<224xi32, #tpu.memory_space<hbm>>
        %dma_wait3A_35 = tpu.memref_slice %arg2[%add3A_25] : memref<143360xi32, #tpu.memory_space<hbm>> -> memref<224xi32, #tpu.memory_space<hbm>>
        tpu.wait_dma2 semaphore(%run_scoped3A : memref<!tpu.dma_semaphore, #tpu.memory_space<semaphore_mem>>) src(%dma_wait3A_35 : memref<224xi32, #tpu.memory_space<hbm>>) dst(%arg11 : memref<224xi32, #tpu.memory_space<vmem>>)
        tpu.yield
      }) : () -> ()
      %dma_start3A_26 = arith.constant 0 : i32
      %dma_start3A_27 = arith.constant 0 : i32
      %dma_start3A_28 = tpu.memref_slice %arg5[%dma_start3A_26, %dma_start3A_27] : memref<100000x128xf32, #tpu.memory_space<hbm>> -> memref<100000x128xf32, #tpu.memory_space<hbm>>
      tpu.enqueue_indirect_dma source(%dma_start3A_28 : memref<100000x128xf32, #tpu.memory_space<hbm>>) target(%arg12 : memref<224x128xf32, #tpu.memory_space<vmem>>) offsets(%arg11 : memref<224xi32, #tpu.memory_space<vmem>>) semaphore(%arg17 : memref<!tpu.dma_semaphore, #tpu.memory_space<semaphore_mem>>)
      %dma_wait3A_29 = arith.constant 0 : i32
      %dma_wait3A_30 = arith.constant 0 : i32
      %dma_wait3A_31 = tpu.memref_slice %arg5[%dma_wait3A_29, %dma_wait3A_30] : memref<100000x128xf32, #tpu.memory_space<hbm>> -> memref<100000x128xf32, #tpu.memory_space<hbm>>
      tpu.wait_indirect_dma semaphore(%arg17 : memref<!tpu.dma_semaphore, #tpu.memory_space<semaphore_mem>>) src(%dma_wait3A_31 : memref<100000x128xf32, #tpu.memory_space<hbm>>) dst(%arg12 : memref<224x128xf32, #tpu.memory_space<vmem>>)
      "tpu.region"() ({
        %run_scoped3A = tpu.sem_alloc : memref<!tpu.dma_semaphore, #tpu.memory_space<semaphore_mem>>
        %dma_start3A_32 = arith.constant 0 : i32
        %dma_start3A_33 = tpu.memref_slice %arg8[%add3A_25, %dma_start3A_32] : memref<143360x128xf32, #tpu.memory_space<hbm>> -> memref<224x128xf32, #tpu.memory_space<hbm>>
        %dma_start3A_34 = arith.constant 0 : i32
        %dma_start3A_35 = tpu.memref_slice %arg8[%add3A_25, %dma_start3A_34] : memref<143360x128xf32, #tpu.memory_space<hbm>> -> memref<224x128xf32, #tpu.memory_space<hbm>>
        tpu.enqueue_dma source(%arg12 : memref<224x128xf32, #tpu.memory_space<vmem>>) target(%dma_start3A_35 : memref<224x128xf32, #tpu.memory_space<hbm>>) target_semaphore(%run_scoped3A : memref<!tpu.dma_semaphore, #tpu.memory_space<semaphore_mem>>)
        %dma_wait3A_36 = arith.constant 0 : i32
        %dma_wait3A_37 = tpu.memref_slice %arg8[%add3A_25, %dma_wait3A_36] : memref<143360x128xf32, #tpu.memory_space<hbm>> -> memref<224x128xf32, #tpu.memory_space<hbm>>
        %dma_wait3A_38 = arith.constant 0 : i32
        %dma_wait3A_39 = tpu.memref_slice %arg8[%add3A_25, %dma_wait3A_38] : memref<143360x128xf32, #tpu.memory_space<hbm>> -> memref<224x128xf32, #tpu.memory_space<hbm>>
        tpu.wait_dma2 semaphore(%run_scoped3A : memref<!tpu.dma_semaphore, #tpu.memory_space<semaphore_mem>>) src(%arg12 : memref<224x128xf32, #tpu.memory_space<vmem>>) dst(%dma_wait3A_39 : memref<224x128xf32, #tpu.memory_space<hbm>>)
        tpu.yield
      }) : () -> ()
    }
    %scan3A_7 = arith.constant 20 : i32
    %mul3A_8 = arith.constant 280 : i32
    %mul3A_9 = arith.muli %add3A, %mul3A_8 : i32
    %scan3A_10 = arith.constant 0 : i32
    %scan3A_11 = arith.constant 0 : i32
    %scan3A_12 = arith.constant 5 : i32
    %scan3A_13 = arith.addi %scan3A_11, %scan3A_12 : i32
    %scan3A_14 = arith.constant 1 : i32
    scf.for %scan3A_22 = %scan3A_11 to %scan3A_13 step %scan3A_14  : i32 {
      %mul3A_23 = arith.constant 56 : i32
      %mul3A_24 = arith.muli %scan3A_22, %mul3A_23 : i32
      %add3A_25 = arith.addi %mul3A_9, %mul3A_24 : i32
      "tpu.region"() ({
        %run_scoped3A = tpu.sem_alloc : memref<!tpu.dma_semaphore, #tpu.memory_space<semaphore_mem>>
        %dma_start3A_32 = tpu.memref_slice %arg3[%add3A_25] : memref<8960xi32, #tpu.memory_space<hbm>> -> memref<56xi32, #tpu.memory_space<hbm>>
        %dma_start3A_33 = tpu.memref_slice %arg3[%add3A_25] : memref<8960xi32, #tpu.memory_space<hbm>> -> memref<56xi32, #tpu.memory_space<hbm>>
        tpu.enqueue_dma source(%dma_start3A_33 : memref<56xi32, #tpu.memory_space<hbm>>) target(%arg13 : memref<56xi32, #tpu.memory_space<vmem>>) target_semaphore(%run_scoped3A : memref<!tpu.dma_semaphore, #tpu.memory_space<semaphore_mem>>)
        %dma_wait3A_34 = tpu.memref_slice %arg3[%add3A_25] : memref<8960xi32, #tpu.memory_space<hbm>> -> memref<56xi32, #tpu.memory_space<hbm>>
        %dma_wait3A_35 = tpu.memref_slice %arg3[%add3A_25] : memref<8960xi32, #tpu.memory_space<hbm>> -> memref<56xi32, #tpu.memory_space<hbm>>
        tpu.wait_dma2 semaphore(%run_scoped3A : memref<!tpu.dma_semaphore, #tpu.memory_space<semaphore_mem>>) src(%dma_wait3A_35 : memref<56xi32, #tpu.memory_space<hbm>>) dst(%arg13 : memref<56xi32, #tpu.memory_space<vmem>>)
        tpu.yield
      }) : () -> ()
      %dma_start3A_26 = arith.constant 0 : i32
      %dma_start3A_27 = arith.constant 0 : i32
      %dma_start3A_28 = tpu.memref_slice %arg6[%dma_start3A_26, %dma_start3A_27] : memref<100000x128xf32, #tpu.memory_space<hbm>> -> memref<100000x128xf32, #tpu.memory_space<hbm>>
      tpu.enqueue_indirect_dma source(%dma_start3A_28 : memref<100000x128xf32, #tpu.memory_space<hbm>>) target(%arg14 : memref<56x128xf32, #tpu.memory_space<vmem>>) offsets(%arg13 : memref<56xi32, #tpu.memory_space<vmem>>) semaphore(%arg17 : memref<!tpu.dma_semaphore, #tpu.memory_space<semaphore_mem>>)
      %dma_wait3A_29 = arith.constant 0 : i32
      %dma_wait3A_30 = arith.constant 0 : i32
      %dma_wait3A_31 = tpu.memref_slice %arg6[%dma_wait3A_29, %dma_wait3A_30] : memref<100000x128xf32, #tpu.memory_space<hbm>> -> memref<100000x128xf32, #tpu.memory_space<hbm>>
      tpu.wait_indirect_dma semaphore(%arg17 : memref<!tpu.dma_semaphore, #tpu.memory_space<semaphore_mem>>) src(%dma_wait3A_31 : memref<100000x128xf32, #tpu.memory_space<hbm>>) dst(%arg14 : memref<56x128xf32, #tpu.memory_space<vmem>>)
      "tpu.region"() ({
        %run_scoped3A = tpu.sem_alloc : memref<!tpu.dma_semaphore, #tpu.memory_space<semaphore_mem>>
        %dma_start3A_32 = arith.constant 0 : i32
        %dma_start3A_33 = tpu.memref_slice %arg9[%add3A_25, %dma_start3A_32] : memref<8960x128xf32, #tpu.memory_space<hbm>> -> memref<56x128xf32, #tpu.memory_space<hbm>>
        %dma_start3A_34 = arith.constant 0 : i32
        %dma_start3A_35 = tpu.memref_slice %arg9[%add3A_25, %dma_start3A_34] : memref<8960x128xf32, #tpu.memory_space<hbm>> -> memref<56x128xf32, #tpu.memory_space<hbm>>
        tpu.enqueue_dma source(%arg14 : memref<56x128xf32, #tpu.memory_space<vmem>>) target(%dma_start3A_35 : memref<56x128xf32, #tpu.memory_space<hbm>>) target_semaphore(%run_scoped3A : memref<!tpu.dma_semaphore, #tpu.memory_space<semaphore_mem>>)
        %dma_wait3A_36 = arith.constant 0 : i32
        %dma_wait3A_37 = tpu.memref_slice %arg9[%add3A_25, %dma_wait3A_36] : memref<8960x128xf32, #tpu.memory_space<hbm>> -> memref<56x128xf32, #tpu.memory_space<hbm>>
        %dma_wait3A_38 = arith.constant 0 : i32
        %dma_wait3A_39 = tpu.memref_slice %arg9[%add3A_25, %dma_wait3A_38] : memref<8960x128xf32, #tpu.memory_space<hbm>> -> memref<56x128xf32, #tpu.memory_space<hbm>>
        tpu.wait_dma2 semaphore(%run_scoped3A : memref<!tpu.dma_semaphore, #tpu.memory_space<semaphore_mem>>) src(%arg14 : memref<56x128xf32, #tpu.memory_space<vmem>>) dst(%dma_wait3A_39 : memref<56x128xf32, #tpu.memory_space<hbm>>)
        tpu.yield
      }) : () -> ()
    }
    %scan3A_15 = arith.constant 5 : i32
    %mul3A_16 = arith.constant 88 : i32
    %mul3A_17 = arith.muli %add3A, %mul3A_16 : i32
    "tpu.region"() ({
      %run_scoped3A = tpu.sem_alloc : memref<!tpu.dma_semaphore, #tpu.memory_space<semaphore_mem>>
      %dma_start3A_22 = tpu.memref_slice %arg4[%mul3A_17] : memref<2816xi32, #tpu.memory_space<hbm>> -> memref<88xi32, #tpu.memory_space<hbm>>
      %dma_start3A_23 = tpu.memref_slice %arg4[%mul3A_17] : memref<2816xi32, #tpu.memory_space<hbm>> -> memref<88xi32, #tpu.memory_space<hbm>>
      tpu.enqueue_dma source(%dma_start3A_23 : memref<88xi32, #tpu.memory_space<hbm>>) target(%arg15 : memref<88xi32, #tpu.memory_space<vmem>>) target_semaphore(%run_scoped3A : memref<!tpu.dma_semaphore, #tpu.memory_space<semaphore_mem>>)
      %dma_wait3A_24 = tpu.memref_slice %arg4[%mul3A_17] : memref<2816xi32, #tpu.memory_space<hbm>> -> memref<88xi32, #tpu.memory_space<hbm>>
      %dma_wait3A_25 = tpu.memref_slice %arg4[%mul3A_17] : memref<2816xi32, #tpu.memory_space<hbm>> -> memref<88xi32, #tpu.memory_space<hbm>>
      tpu.wait_dma2 semaphore(%run_scoped3A : memref<!tpu.dma_semaphore, #tpu.memory_space<semaphore_mem>>) src(%dma_wait3A_25 : memref<88xi32, #tpu.memory_space<hbm>>) dst(%arg15 : memref<88xi32, #tpu.memory_space<vmem>>)
      tpu.yield
    }) : () -> ()
    %dma_start3A = arith.constant 0 : i32
    %dma_start3A_18 = arith.constant 0 : i32
    %dma_start3A_19 = tpu.memref_slice %arg7[%dma_start3A, %dma_start3A_18] : memref<100000x128xf32, #tpu.memory_space<hbm>> -> memref<100000x128xf32, #tpu.memory_space<hbm>>
    tpu.enqueue_indirect_dma source(%dma_start3A_19 : memref<100000x128xf32, #tpu.memory_space<hbm>>) target(%arg16 : memref<88x128xf32, #tpu.memory_space<vmem>>) offsets(%arg15 : memref<88xi32, #tpu.memory_space<vmem>>) semaphore(%arg17 : memref<!tpu.dma_semaphore, #tpu.memory_space<semaphore_mem>>)
    %dma_wait3A = arith.constant 0 : i32
    %dma_wait3A_20 = arith.constant 0 : i32
    %dma_wait3A_21 = tpu.memref_slice %arg7[%dma_wait3A, %dma_wait3A_20] : memref<100000x128xf32, #tpu.memory_space<hbm>> -> memref<100000x128xf32, #tpu.memory_space<hbm>>
    tpu.wait_indirect_dma semaphore(%arg17 : memref<!tpu.dma_semaphore, #tpu.memory_space<semaphore_mem>>) src(%dma_wait3A_21 : memref<100000x128xf32, #tpu.memory_space<hbm>>) dst(%arg16 : memref<88x128xf32, #tpu.memory_space<vmem>>)
    "tpu.region"() ({
      %run_scoped3A = tpu.sem_alloc : memref<!tpu.dma_semaphore, #tpu.memory_space<semaphore_mem>>
      %dma_start3A_22 = arith.constant 0 : i32
      %dma_start3A_23 = tpu.memref_slice %arg10[%mul3A_17, %dma_start3A_22] : memref<2816x128xf32, #tpu.memory_space<hbm>> -> memref<88x128xf32, #tpu.memory_space<hbm>>
      %dma_start3A_24 = arith.constant 0 : i32
      %dma_start3A_25 = tpu.memref_slice %arg10[%mul3A_17, %dma_start3A_24] : memref<2816x128xf32, #tpu.memory_space<hbm>> -> memref<88x128xf32, #tpu.memory_space<hbm>>
      tpu.enqueue_dma source(%arg16 : memref<88x128xf32, #tpu.memory_space<vmem>>) target(%dma_start3A_25 : memref<88x128xf32, #tpu.memory_space<hbm>>) target_semaphore(%run_scoped3A : memref<!tpu.dma_semaphore, #tpu.memory_space<semaphore_mem>>)
      %dma_wait3A_26 = arith.constant 0 : i32
      %dma_wait3A_27 = tpu.memref_slice %arg10[%mul3A_17, %dma_wait3A_26] : memref<2816x128xf32, #tpu.memory_space<hbm>> -> memref<88x128xf32, #tpu.memory_space<hbm>>
      %dma_wait3A_28 = arith.constant 0 : i32
      %dma_wait3A_29 = tpu.memref_slice %arg10[%mul3A_17, %dma_wait3A_28] : memref<2816x128xf32, #tpu.memory_space<hbm>> -> memref<88x128xf32, #tpu.memory_space<hbm>>
      tpu.wait_dma2 semaphore(%run_scoped3A : memref<!tpu.dma_semaphore, #tpu.memory_space<semaphore_mem>>) src(%arg16 : memref<88x128xf32, #tpu.memory_space<vmem>>) dst(%dma_wait3A_29 : memref<88x128xf32, #tpu.memory_space<hbm>>)
      tpu.yield
    }) : () -> ()
    return
  }
}

#map = affine_map<(d0, d1) -> (0)>
#map1 = affine_map<(d0, d1) -> (0, 0)>
module attributes {stable_mosaic.version = 14 : i64} {
  func.func @body(%arg0: i32, %arg1: i32, %arg2: memref<143360xi32, #tpu.memory_space<hbm>>, %arg3: memref<8960xi32, #tpu.memory_space<hbm>>, %arg4: memref<2816xi32, #tpu.memory_space<hbm>>, %arg5: memref<100000x128xf32, #tpu.memory_space<hbm>>, %arg6: memref<100000x128xf32, #tpu.memory_space<hbm>>, %arg7: memref<100000x128xf32, #tpu.memory_space<hbm>>, %arg8: memref<143360x128xf32, #tpu.memory_space<hbm>>, %arg9: memref<8960x128xf32, #tpu.memory_space<hbm>>, %arg10: memref<2816x128xf32, #tpu.memory_space<hbm>>, %arg11: memref<224xi32, #tpu.memory_space<vmem>>, %arg12: memref<224x128xf32, #tpu.memory_space<vmem>>, %arg13: memref<56xi32, #tpu.memory_space<vmem>>, %arg14: memref<56x128xf32, #tpu.memory_space<vmem>>, %arg15: memref<88xi32, #tpu.memory_space<vmem>>, %arg16: memref<88x128xf32, #tpu.memory_space<vmem>>, %arg17: memref<!tpu.dma_semaphore, #tpu.memory_space<semaphore_mem>>) attributes {dimension_semantics = [#tpu.dimension_semantics<core_parallel>, #tpu.dimension_semantics<subcore_parallel>], iteration_bounds = array<i64: 2, 16>, scalar_prefetch = 0 : i64, scratch_operands = 7 : i64, tpu.core_type = #tpu.core_type<sc_vector_subcore>, window_params = [{transform_indices = #map}, {transform_indices = #map}, {transform_indices = #map}, {transform_indices = #map1}, {transform_indices = #map1}, {transform_indices = #map1}, {transform_indices = #map1}, {transform_indices = #map1}, {transform_indices = #map1}]} {
    %mul3A = arith.constant 2 : i32
    %mul3A_0 = arith.muli %arg1, %mul3A : i32
    %add3A = arith.addi %mul3A_0, %arg0 : i32
    %mul3A_1 = arith.constant 4480 : i32
    %mul3A_2 = arith.muli %add3A, %mul3A_1 : i32
    %scan3A = arith.constant 0 : i32
    %scan3A_3 = arith.constant 0 : i32
    %scan3A_4 = arith.constant 20 : i32
    %scan3A_5 = arith.addi %scan3A_3, %scan3A_4 : i32
    %scan3A_6 = arith.constant 1 : i32
    scf.for %scan3A_22 = %scan3A_3 to %scan3A_5 step %scan3A_6  : i32 {
      %mul3A_23 = arith.constant 224 : i32
      %mul3A_24 = arith.muli %scan3A_22, %mul3A_23 : i32
      %add3A_25 = arith.addi %mul3A_2, %mul3A_24 : i32
      "tpu.region"() ({
        %run_scoped3A = tpu.sem_alloc : memref<!tpu.dma_semaphore, #tpu.memory_space<semaphore_mem>>
        %dma_start3A_32 = tpu.memref_slice %arg2[%add3A_25] : memref<143360xi32, #tpu.memory_space<hbm>> -> memref<224xi32, #tpu.memory_space<hbm>>
        %dma_start3A_33 = tpu.memref_slice %arg2[%add3A_25] : memref<143360xi32, #tpu.memory_space<hbm>> -> memref<224xi32, #tpu.memory_space<hbm>>
        tpu.enqueue_dma source(%dma_start3A_33 : memref<224xi32, #tpu.memory_space<hbm>>) target(%arg11 : memref<224xi32, #tpu.memory_space<vmem>>) target_semaphore(%run_scoped3A : memref<!tpu.dma_semaphore, #tpu.memory_space<semaphore_mem>>)
        %dma_wait3A_34 = tpu.memref_slice %arg2[%add3A_25] : memref<143360xi32, #tpu.memory_space<hbm>> -> memref<224xi32, #tpu.memory_space<hbm>>
        %dma_wait3A_35 = tpu.memref_slice %arg2[%add3A_25] : memref<143360xi32, #tpu.memory_space<hbm>> -> memref<224xi32, #tpu.memory_space<hbm>>
        tpu.wait_dma2 semaphore(%run_scoped3A : memref<!tpu.dma_semaphore, #tpu.memory_space<semaphore_mem>>) src(%dma_wait3A_35 : memref<224xi32, #tpu.memory_space<hbm>>) dst(%arg11 : memref<224xi32, #tpu.memory_space<vmem>>)
        tpu.yield
      }) : () -> ()
      %dma_start3A_26 = arith.constant 0 : i32
      %dma_start3A_27 = arith.constant 0 : i32
      %dma_start3A_28 = tpu.memref_slice %arg5[%dma_start3A_26, %dma_start3A_27] : memref<100000x128xf32, #tpu.memory_space<hbm>> -> memref<100000x128xf32, #tpu.memory_space<hbm>>
      tpu.enqueue_indirect_dma source(%dma_start3A_28 : memref<100000x128xf32, #tpu.memory_space<hbm>>) target(%arg12 : memref<224x128xf32, #tpu.memory_space<vmem>>) offsets(%arg11 : memref<224xi32, #tpu.memory_space<vmem>>) semaphore(%arg17 : memref<!tpu.dma_semaphore, #tpu.memory_space<semaphore_mem>>)
      %dma_wait3A_29 = arith.constant 0 : i32
      %dma_wait3A_30 = arith.constant 0 : i32
      %dma_wait3A_31 = tpu.memref_slice %arg5[%dma_wait3A_29, %dma_wait3A_30] : memref<100000x128xf32, #tpu.memory_space<hbm>> -> memref<100000x128xf32, #tpu.memory_space<hbm>>
      tpu.wait_indirect_dma semaphore(%arg17 : memref<!tpu.dma_semaphore, #tpu.memory_space<semaphore_mem>>) src(%dma_wait3A_31 : memref<100000x128xf32, #tpu.memory_space<hbm>>) dst(%arg12 : memref<224x128xf32, #tpu.memory_space<vmem>>)
      "tpu.region"() ({
        %run_scoped3A = tpu.sem_alloc : memref<!tpu.dma_semaphore, #tpu.memory_space<semaphore_mem>>
        %dma_start3A_32 = arith.constant 0 : i32
        %dma_start3A_33 = tpu.memref_slice %arg8[%add3A_25, %dma_start3A_32] : memref<143360x128xf32, #tpu.memory_space<hbm>> -> memref<224x128xf32, #tpu.memory_space<hbm>>
        %dma_start3A_34 = arith.constant 0 : i32
        %dma_start3A_35 = tpu.memref_slice %arg8[%add3A_25, %dma_start3A_34] : memref<143360x128xf32, #tpu.memory_space<hbm>> -> memref<224x128xf32, #tpu.memory_space<hbm>>
        tpu.enqueue_dma source(%arg12 : memref<224x128xf32, #tpu.memory_space<vmem>>) target(%dma_start3A_35 : memref<224x128xf32, #tpu.memory_space<hbm>>) target_semaphore(%run_scoped3A : memref<!tpu.dma_semaphore, #tpu.memory_space<semaphore_mem>>)
        %dma_wait3A_36 = arith.constant 0 : i32
        %dma_wait3A_37 = tpu.memref_slice %arg8[%add3A_25, %dma_wait3A_36] : memref<143360x128xf32, #tpu.memory_space<hbm>> -> memref<224x128xf32, #tpu.memory_space<hbm>>
        %dma_wait3A_38 = arith.constant 0 : i32
        %dma_wait3A_39 = tpu.memref_slice %arg8[%add3A_25, %dma_wait3A_38] : memref<143360x128xf32, #tpu.memory_space<hbm>> -> memref<224x128xf32, #tpu.memory_space<hbm>>
        tpu.wait_dma2 semaphore(%run_scoped3A : memref<!tpu.dma_semaphore, #tpu.memory_space<semaphore_mem>>) src(%arg12 : memref<224x128xf32, #tpu.memory_space<vmem>>) dst(%dma_wait3A_39 : memref<224x128xf32, #tpu.memory_space<hbm>>)
        tpu.yield
      }) : () -> ()
    }
    %scan3A_7 = arith.constant 20 : i32
    %mul3A_8 = arith.constant 280 : i32
    %mul3A_9 = arith.muli %add3A, %mul3A_8 : i32
    %scan3A_10 = arith.constant 0 : i32
    %scan3A_11 = arith.constant 0 : i32
    %scan3A_12 = arith.constant 5 : i32
    %scan3A_13 = arith.addi %scan3A_11, %scan3A_12 : i32
    %scan3A_14 = arith.constant 1 : i32
    scf.for %scan3A_22 = %scan3A_11 to %scan3A_13 step %scan3A_14  : i32 {
      %mul3A_23 = arith.constant 56 : i32
      %mul3A_24 = arith.muli %scan3A_22, %mul3A_23 : i32
      %add3A_25 = arith.addi %mul3A_9, %mul3A_24 : i32
      "tpu.region"() ({
        %run_scoped3A = tpu.sem_alloc : memref<!tpu.dma_semaphore, #tpu.memory_space<semaphore_mem>>
        %dma_start3A_32 = tpu.memref_slice %arg3[%add3A_25] : memref<8960xi32, #tpu.memory_space<hbm>> -> memref<56xi32, #tpu.memory_space<hbm>>
        %dma_start3A_33 = tpu.memref_slice %arg3[%add3A_25] : memref<8960xi32, #tpu.memory_space<hbm>> -> memref<56xi32, #tpu.memory_space<hbm>>
        tpu.enqueue_dma source(%dma_start3A_33 : memref<56xi32, #tpu.memory_space<hbm>>) target(%arg13 : memref<56xi32, #tpu.memory_space<vmem>>) target_semaphore(%run_scoped3A : memref<!tpu.dma_semaphore, #tpu.memory_space<semaphore_mem>>)
        %dma_wait3A_34 = tpu.memref_slice %arg3[%add3A_25] : memref<8960xi32, #tpu.memory_space<hbm>> -> memref<56xi32, #tpu.memory_space<hbm>>
        %dma_wait3A_35 = tpu.memref_slice %arg3[%add3A_25] : memref<8960xi32, #tpu.memory_space<hbm>> -> memref<56xi32, #tpu.memory_space<hbm>>
        tpu.wait_dma2 semaphore(%run_scoped3A : memref<!tpu.dma_semaphore, #tpu.memory_space<semaphore_mem>>) src(%dma_wait3A_35 : memref<56xi32, #tpu.memory_space<hbm>>) dst(%arg13 : memref<56xi32, #tpu.memory_space<vmem>>)
        tpu.yield
      }) : () -> ()
      %dma_start3A_26 = arith.constant 0 : i32
      %dma_start3A_27 = arith.constant 0 : i32
      %dma_start3A_28 = tpu.memref_slice %arg6[%dma_start3A_26, %dma_start3A_27] : memref<100000x128xf32, #tpu.memory_space<hbm>> -> memref<100000x128xf32, #tpu.memory_space<hbm>>
      tpu.enqueue_indirect_dma source(%dma_start3A_28 : memref<100000x128xf32, #tpu.memory_space<hbm>>) target(%arg14 : memref<56x128xf32, #tpu.memory_space<vmem>>) offsets(%arg13 : memref<56xi32, #tpu.memory_space<vmem>>) semaphore(%arg17 : memref<!tpu.dma_semaphore, #tpu.memory_space<semaphore_mem>>)
      %dma_wait3A_29 = arith.constant 0 : i32
      %dma_wait3A_30 = arith.constant 0 : i32
      %dma_wait3A_31 = tpu.memref_slice %arg6[%dma_wait3A_29, %dma_wait3A_30] : memref<100000x128xf32, #tpu.memory_space<hbm>> -> memref<100000x128xf32, #tpu.memory_space<hbm>>
      tpu.wait_indirect_dma semaphore(%arg17 : memref<!tpu.dma_semaphore, #tpu.memory_space<semaphore_mem>>) src(%dma_wait3A_31 : memref<100000x128xf32, #tpu.memory_space<hbm>>) dst(%arg14 : memref<56x128xf32, #tpu.memory_space<vmem>>)
      "tpu.region"() ({
        %run_scoped3A = tpu.sem_alloc : memref<!tpu.dma_semaphore, #tpu.memory_space<semaphore_mem>>
        %dma_start3A_32 = arith.constant 0 : i32
        %dma_start3A_33 = tpu.memref_slice %arg9[%add3A_25, %dma_start3A_32] : memref<8960x128xf32, #tpu.memory_space<hbm>> -> memref<56x128xf32, #tpu.memory_space<hbm>>
        %dma_start3A_34 = arith.constant 0 : i32
        %dma_start3A_35 = tpu.memref_slice %arg9[%add3A_25, %dma_start3A_34] : memref<8960x128xf32, #tpu.memory_space<hbm>> -> memref<56x128xf32, #tpu.memory_space<hbm>>
        tpu.enqueue_dma source(%arg14 : memref<56x128xf32, #tpu.memory_space<vmem>>) target(%dma_start3A_35 : memref<56x128xf32, #tpu.memory_space<hbm>>) target_semaphore(%run_scoped3A : memref<!tpu.dma_semaphore, #tpu.memory_space<semaphore_mem>>)
        %dma_wait3A_36 = arith.constant 0 : i32
        %dma_wait3A_37 = tpu.memref_slice %arg9[%add3A_25, %dma_wait3A_36] : memref<8960x128xf32, #tpu.memory_space<hbm>> -> memref<56x128xf32, #tpu.memory_space<hbm>>
        %dma_wait3A_38 = arith.constant 0 : i32
        %dma_wait3A_39 = tpu.memref_slice %arg9[%add3A_25, %dma_wait3A_38] : memref<8960x128xf32, #tpu.memory_space<hbm>> -> memref<56x128xf32, #tpu.memory_space<hbm>>
        tpu.wait_dma2 semaphore(%run_scoped3A : memref<!tpu.dma_semaphore, #tpu.memory_space<semaphore_mem>>) src(%arg14 : memref<56x128xf32, #tpu.memory_space<vmem>>) dst(%dma_wait3A_39 : memref<56x128xf32, #tpu.memory_space<hbm>>)
        tpu.yield
      }) : () -> ()
    }
    %scan3A_15 = arith.constant 5 : i32
    %mul3A_16 = arith.constant 88 : i32
    %mul3A_17 = arith.muli %add3A, %mul3A_16 : i32
    "tpu.region"() ({
      %run_scoped3A = tpu.sem_alloc : memref<!tpu.dma_semaphore, #tpu.memory_space<semaphore_mem>>
      %dma_start3A_22 = tpu.memref_slice %arg4[%mul3A_17] : memref<2816xi32, #tpu.memory_space<hbm>> -> memref<88xi32, #tpu.memory_space<hbm>>
      %dma_start3A_23 = tpu.memref_slice %arg4[%mul3A_17] : memref<2816xi32, #tpu.memory_space<hbm>> -> memref<88xi32, #tpu.memory_space<hbm>>
      tpu.enqueue_dma source(%dma_start3A_23 : memref<88xi32, #tpu.memory_space<hbm>>) target(%arg15 : memref<88xi32, #tpu.memory_space<vmem>>) target_semaphore(%run_scoped3A : memref<!tpu.dma_semaphore, #tpu.memory_space<semaphore_mem>>)
      %dma_wait3A_24 = tpu.memref_slice %arg4[%mul3A_17] : memref<2816xi32, #tpu.memory_space<hbm>> -> memref<88xi32, #tpu.memory_space<hbm>>
      %dma_wait3A_25 = tpu.memref_slice %arg4[%mul3A_17] : memref<2816xi32, #tpu.memory_space<hbm>> -> memref<88xi32, #tpu.memory_space<hbm>>
      tpu.wait_dma2 semaphore(%run_scoped3A : memref<!tpu.dma_semaphore, #tpu.memory_space<semaphore_mem>>) src(%dma_wait3A_25 : memref<88xi32, #tpu.memory_space<hbm>>) dst(%arg15 : memref<88xi32, #tpu.memory_space<vmem>>)
      tpu.yield
    }) : () -> ()
    %dma_start3A = arith.constant 0 : i32
    %dma_start3A_18 = arith.constant 0 : i32
    %dma_start3A_19 = tpu.memref_slice %arg7[%dma_start3A, %dma_start3A_18] : memref<100000x128xf32, #tpu.memory_space<hbm>> -> memref<100000x128xf32, #tpu.memory_space<hbm>>
    tpu.enqueue_indirect_dma source(%dma_start3A_19 : memref<100000x128xf32, #tpu.memory_space<hbm>>) target(%arg16 : memref<88x128xf32, #tpu.memory_space<vmem>>) offsets(%arg15 : memref<88xi32, #tpu.memory_space<vmem>>) semaphore(%arg17 : memref<!tpu.dma_semaphore, #tpu.memory_space<semaphore_mem>>)
    %dma_wait3A = arith.constant 0 : i32
    %dma_wait3A_20 = arith.constant 0 : i32
    %dma_wait3A_21 = tpu.memref_slice %arg7[%dma_wait3A, %dma_wait3A_20] : memref<100000x128xf32, #tpu.memory_space<hbm>> -> memref<100000x128xf32, #tpu.memory_space<hbm>>
    tpu.wait_indirect_dma semaphore(%arg17 : memref<!tpu.dma_semaphore, #tpu.memory_space<semaphore_mem>>) src(%dma_wait3A_21 : memref<100000x128xf32, #tpu.memory_space<hbm>>) dst(%arg16 : memref<88x128xf32, #tpu.memory_space<vmem>>)
    "tpu.region"() ({
      %run_scoped3A = tpu.sem_alloc : memref<!tpu.dma_semaphore, #tpu.memory_space<semaphore_mem>>
      %dma_start3A_22 = arith.constant 0 : i32
      %dma_start3A_23 = tpu.memref_slice %arg10[%mul3A_17, %dma_start3A_22] : memref<2816x128xf32, #tpu.memory_space<hbm>> -> memref<88x128xf32, #tpu.memory_space<hbm>>
      %dma_start3A_24 = arith.constant 0 : i32
      %dma_start3A_25 = tpu.memref_slice %arg10[%mul3A_17, %dma_start3A_24] : memref<2816x128xf32, #tpu.memory_space<hbm>> -> memref<88x128xf32, #tpu.memory_space<hbm>>
      tpu.enqueue_dma source(%arg16 : memref<88x128xf32, #tpu.memory_space<vmem>>) target(%dma_start3A_25 : memref<88x128xf32, #tpu.memory_space<hbm>>) target_semaphore(%run_scoped3A : memref<!tpu.dma_semaphore, #tpu.memory_space<semaphore_mem>>)
      %dma_wait3A_26 = arith.constant 0 : i32
      %dma_wait3A_27 = tpu.memref_slice %arg10[%mul3A_17, %dma_wait3A_26] : memref<2816x128xf32, #tpu.memory_space<hbm>> -> memref<88x128xf32, #tpu.memory_space<hbm>>
      %dma_wait3A_28 = arith.constant 0 : i32
      %dma_wait3A_29 = tpu.memref_slice %arg10[%mul3A_17, %dma_wait3A_28] : memref<2816x128xf32, #tpu.memory_space<hbm>> -> memref<88x128xf32, #tpu.memory_space<hbm>>
      tpu.wait_dma2 semaphore(%run_scoped3A : memref<!tpu.dma_semaphore, #tpu.memory_space<semaphore_mem>>) src(%arg16 : memref<88x128xf32, #tpu.memory_space<vmem>>) dst(%dma_wait3A_29 : memref<88x128xf32, #tpu.memory_space<hbm>>)
      tpu.yield
    }) : () -> ()
    return
  }
}

#map = affine_map<(d0, d1) -> (0)>
#map1 = affine_map<(d0, d1) -> (0, 0)>
module attributes {stable_mosaic.version = 14 : i64} {
  func.func @body(%arg0: i32, %arg1: i32, %arg2: memref<143360xi32, #tpu.memory_space<hbm>>, %arg3: memref<8960xi32, #tpu.memory_space<hbm>>, %arg4: memref<2816xi32, #tpu.memory_space<hbm>>, %arg5: memref<100000x128xf32, #tpu.memory_space<hbm>>, %arg6: memref<100000x128xf32, #tpu.memory_space<hbm>>, %arg7: memref<100000x128xf32, #tpu.memory_space<hbm>>, %arg8: memref<143360x128xf32, #tpu.memory_space<hbm>>, %arg9: memref<8960x128xf32, #tpu.memory_space<hbm>>, %arg10: memref<2816x128xf32, #tpu.memory_space<hbm>>, %arg11: memref<224xi32, #tpu.memory_space<vmem>>, %arg12: memref<224x128xf32, #tpu.memory_space<vmem>>, %arg13: memref<56xi32, #tpu.memory_space<vmem>>, %arg14: memref<56x128xf32, #tpu.memory_space<vmem>>, %arg15: memref<88xi32, #tpu.memory_space<vmem>>, %arg16: memref<88x128xf32, #tpu.memory_space<vmem>>, %arg17: memref<!tpu.dma_semaphore, #tpu.memory_space<semaphore_mem>>) attributes {dimension_semantics = [#tpu.dimension_semantics<core_parallel>, #tpu.dimension_semantics<subcore_parallel>], iteration_bounds = array<i64: 2, 16>, scalar_prefetch = 0 : i64, scratch_operands = 7 : i64, tpu.core_type = #tpu.core_type<sc_vector_subcore>, window_params = [{transform_indices = #map}, {transform_indices = #map}, {transform_indices = #map}, {transform_indices = #map1}, {transform_indices = #map1}, {transform_indices = #map1}, {transform_indices = #map1}, {transform_indices = #map1}, {transform_indices = #map1}]} {
    %mul3A = arith.constant 2 : i32
    %mul3A_0 = arith.muli %arg1, %mul3A : i32
    %add3A = arith.addi %mul3A_0, %arg0 : i32
    %mul3A_1 = arith.constant 4480 : i32
    %mul3A_2 = arith.muli %add3A, %mul3A_1 : i32
    %scan3A = arith.constant 0 : i32
    %scan3A_3 = arith.constant 0 : i32
    %scan3A_4 = arith.constant 20 : i32
    %scan3A_5 = arith.addi %scan3A_3, %scan3A_4 : i32
    %scan3A_6 = arith.constant 1 : i32
    scf.for %scan3A_22 = %scan3A_3 to %scan3A_5 step %scan3A_6  : i32 {
      %mul3A_23 = arith.constant 224 : i32
      %mul3A_24 = arith.muli %scan3A_22, %mul3A_23 : i32
      %add3A_25 = arith.addi %mul3A_2, %mul3A_24 : i32
      "tpu.region"() ({
        %run_scoped3A = tpu.sem_alloc : memref<!tpu.dma_semaphore, #tpu.memory_space<semaphore_mem>>
        %dma_start3A_32 = tpu.memref_slice %arg2[%add3A_25] : memref<143360xi32, #tpu.memory_space<hbm>> -> memref<224xi32, #tpu.memory_space<hbm>>
        %dma_start3A_33 = tpu.memref_slice %arg2[%add3A_25] : memref<143360xi32, #tpu.memory_space<hbm>> -> memref<224xi32, #tpu.memory_space<hbm>>
        tpu.enqueue_dma source(%dma_start3A_33 : memref<224xi32, #tpu.memory_space<hbm>>) target(%arg11 : memref<224xi32, #tpu.memory_space<vmem>>) target_semaphore(%run_scoped3A : memref<!tpu.dma_semaphore, #tpu.memory_space<semaphore_mem>>)
        %dma_wait3A_34 = tpu.memref_slice %arg2[%add3A_25] : memref<143360xi32, #tpu.memory_space<hbm>> -> memref<224xi32, #tpu.memory_space<hbm>>
        %dma_wait3A_35 = tpu.memref_slice %arg2[%add3A_25] : memref<143360xi32, #tpu.memory_space<hbm>> -> memref<224xi32, #tpu.memory_space<hbm>>
        tpu.wait_dma2 semaphore(%run_scoped3A : memref<!tpu.dma_semaphore, #tpu.memory_space<semaphore_mem>>) src(%dma_wait3A_35 : memref<224xi32, #tpu.memory_space<hbm>>) dst(%arg11 : memref<224xi32, #tpu.memory_space<vmem>>)
        tpu.yield
      }) : () -> ()
      %dma_start3A_26 = arith.constant 0 : i32
      %dma_start3A_27 = arith.constant 0 : i32
      %dma_start3A_28 = tpu.memref_slice %arg5[%dma_start3A_26, %dma_start3A_27] : memref<100000x128xf32, #tpu.memory_space<hbm>> -> memref<100000x128xf32, #tpu.memory_space<hbm>>
      tpu.enqueue_indirect_dma source(%dma_start3A_28 : memref<100000x128xf32, #tpu.memory_space<hbm>>) target(%arg12 : memref<224x128xf32, #tpu.memory_space<vmem>>) offsets(%arg11 : memref<224xi32, #tpu.memory_space<vmem>>) semaphore(%arg17 : memref<!tpu.dma_semaphore, #tpu.memory_space<semaphore_mem>>)
      %dma_wait3A_29 = arith.constant 0 : i32
      %dma_wait3A_30 = arith.constant 0 : i32
      %dma_wait3A_31 = tpu.memref_slice %arg5[%dma_wait3A_29, %dma_wait3A_30] : memref<100000x128xf32, #tpu.memory_space<hbm>> -> memref<100000x128xf32, #tpu.memory_space<hbm>>
      tpu.wait_indirect_dma semaphore(%arg17 : memref<!tpu.dma_semaphore, #tpu.memory_space<semaphore_mem>>) src(%dma_wait3A_31 : memref<100000x128xf32, #tpu.memory_space<hbm>>) dst(%arg12 : memref<224x128xf32, #tpu.memory_space<vmem>>)
      "tpu.region"() ({
        %run_scoped3A = tpu.sem_alloc : memref<!tpu.dma_semaphore, #tpu.memory_space<semaphore_mem>>
        %dma_start3A_32 = arith.constant 0 : i32
        %dma_start3A_33 = tpu.memref_slice %arg8[%add3A_25, %dma_start3A_32] : memref<143360x128xf32, #tpu.memory_space<hbm>> -> memref<224x128xf32, #tpu.memory_space<hbm>>
        %dma_start3A_34 = arith.constant 0 : i32
        %dma_start3A_35 = tpu.memref_slice %arg8[%add3A_25, %dma_start3A_34] : memref<143360x128xf32, #tpu.memory_space<hbm>> -> memref<224x128xf32, #tpu.memory_space<hbm>>
        tpu.enqueue_dma source(%arg12 : memref<224x128xf32, #tpu.memory_space<vmem>>) target(%dma_start3A_35 : memref<224x128xf32, #tpu.memory_space<hbm>>) target_semaphore(%run_scoped3A : memref<!tpu.dma_semaphore, #tpu.memory_space<semaphore_mem>>)
        %dma_wait3A_36 = arith.constant 0 : i32
        %dma_wait3A_37 = tpu.memref_slice %arg8[%add3A_25, %dma_wait3A_36] : memref<143360x128xf32, #tpu.memory_space<hbm>> -> memref<224x128xf32, #tpu.memory_space<hbm>>
        %dma_wait3A_38 = arith.constant 0 : i32
        %dma_wait3A_39 = tpu.memref_slice %arg8[%add3A_25, %dma_wait3A_38] : memref<143360x128xf32, #tpu.memory_space<hbm>> -> memref<224x128xf32, #tpu.memory_space<hbm>>
        tpu.wait_dma2 semaphore(%run_scoped3A : memref<!tpu.dma_semaphore, #tpu.memory_space<semaphore_mem>>) src(%arg12 : memref<224x128xf32, #tpu.memory_space<vmem>>) dst(%dma_wait3A_39 : memref<224x128xf32, #tpu.memory_space<hbm>>)
        tpu.yield
      }) : () -> ()
    }
    %scan3A_7 = arith.constant 20 : i32
    %mul3A_8 = arith.constant 280 : i32
    %mul3A_9 = arith.muli %add3A, %mul3A_8 : i32
    %scan3A_10 = arith.constant 0 : i32
    %scan3A_11 = arith.constant 0 : i32
    %scan3A_12 = arith.constant 5 : i32
    %scan3A_13 = arith.addi %scan3A_11, %scan3A_12 : i32
    %scan3A_14 = arith.constant 1 : i32
    scf.for %scan3A_22 = %scan3A_11 to %scan3A_13 step %scan3A_14  : i32 {
      %mul3A_23 = arith.constant 56 : i32
      %mul3A_24 = arith.muli %scan3A_22, %mul3A_23 : i32
      %add3A_25 = arith.addi %mul3A_9, %mul3A_24 : i32
      "tpu.region"() ({
        %run_scoped3A = tpu.sem_alloc : memref<!tpu.dma_semaphore, #tpu.memory_space<semaphore_mem>>
        %dma_start3A_32 = tpu.memref_slice %arg3[%add3A_25] : memref<8960xi32, #tpu.memory_space<hbm>> -> memref<56xi32, #tpu.memory_space<hbm>>
        %dma_start3A_33 = tpu.memref_slice %arg3[%add3A_25] : memref<8960xi32, #tpu.memory_space<hbm>> -> memref<56xi32, #tpu.memory_space<hbm>>
        tpu.enqueue_dma source(%dma_start3A_33 : memref<56xi32, #tpu.memory_space<hbm>>) target(%arg13 : memref<56xi32, #tpu.memory_space<vmem>>) target_semaphore(%run_scoped3A : memref<!tpu.dma_semaphore, #tpu.memory_space<semaphore_mem>>)
        %dma_wait3A_34 = tpu.memref_slice %arg3[%add3A_25] : memref<8960xi32, #tpu.memory_space<hbm>> -> memref<56xi32, #tpu.memory_space<hbm>>
        %dma_wait3A_35 = tpu.memref_slice %arg3[%add3A_25] : memref<8960xi32, #tpu.memory_space<hbm>> -> memref<56xi32, #tpu.memory_space<hbm>>
        tpu.wait_dma2 semaphore(%run_scoped3A : memref<!tpu.dma_semaphore, #tpu.memory_space<semaphore_mem>>) src(%dma_wait3A_35 : memref<56xi32, #tpu.memory_space<hbm>>) dst(%arg13 : memref<56xi32, #tpu.memory_space<vmem>>)
        tpu.yield
      }) : () -> ()
      %dma_start3A_26 = arith.constant 0 : i32
      %dma_start3A_27 = arith.constant 0 : i32
      %dma_start3A_28 = tpu.memref_slice %arg6[%dma_start3A_26, %dma_start3A_27] : memref<100000x128xf32, #tpu.memory_space<hbm>> -> memref<100000x128xf32, #tpu.memory_space<hbm>>
      tpu.enqueue_indirect_dma source(%dma_start3A_28 : memref<100000x128xf32, #tpu.memory_space<hbm>>) target(%arg14 : memref<56x128xf32, #tpu.memory_space<vmem>>) offsets(%arg13 : memref<56xi32, #tpu.memory_space<vmem>>) semaphore(%arg17 : memref<!tpu.dma_semaphore, #tpu.memory_space<semaphore_mem>>)
      %dma_wait3A_29 = arith.constant 0 : i32
      %dma_wait3A_30 = arith.constant 0 : i32
      %dma_wait3A_31 = tpu.memref_slice %arg6[%dma_wait3A_29, %dma_wait3A_30] : memref<100000x128xf32, #tpu.memory_space<hbm>> -> memref<100000x128xf32, #tpu.memory_space<hbm>>
      tpu.wait_indirect_dma semaphore(%arg17 : memref<!tpu.dma_semaphore, #tpu.memory_space<semaphore_mem>>) src(%dma_wait3A_31 : memref<100000x128xf32, #tpu.memory_space<hbm>>) dst(%arg14 : memref<56x128xf32, #tpu.memory_space<vmem>>)
      "tpu.region"() ({
        %run_scoped3A = tpu.sem_alloc : memref<!tpu.dma_semaphore, #tpu.memory_space<semaphore_mem>>
        %dma_start3A_32 = arith.constant 0 : i32
        %dma_start3A_33 = tpu.memref_slice %arg9[%add3A_25, %dma_start3A_32] : memref<8960x128xf32, #tpu.memory_space<hbm>> -> memref<56x128xf32, #tpu.memory_space<hbm>>
        %dma_start3A_34 = arith.constant 0 : i32
        %dma_start3A_35 = tpu.memref_slice %arg9[%add3A_25, %dma_start3A_34] : memref<8960x128xf32, #tpu.memory_space<hbm>> -> memref<56x128xf32, #tpu.memory_space<hbm>>
        tpu.enqueue_dma source(%arg14 : memref<56x128xf32, #tpu.memory_space<vmem>>) target(%dma_start3A_35 : memref<56x128xf32, #tpu.memory_space<hbm>>) target_semaphore(%run_scoped3A : memref<!tpu.dma_semaphore, #tpu.memory_space<semaphore_mem>>)
        %dma_wait3A_36 = arith.constant 0 : i32
        %dma_wait3A_37 = tpu.memref_slice %arg9[%add3A_25, %dma_wait3A_36] : memref<8960x128xf32, #tpu.memory_space<hbm>> -> memref<56x128xf32, #tpu.memory_space<hbm>>
        %dma_wait3A_38 = arith.constant 0 : i32
        %dma_wait3A_39 = tpu.memref_slice %arg9[%add3A_25, %dma_wait3A_38] : memref<8960x128xf32, #tpu.memory_space<hbm>> -> memref<56x128xf32, #tpu.memory_space<hbm>>
        tpu.wait_dma2 semaphore(%run_scoped3A : memref<!tpu.dma_semaphore, #tpu.memory_space<semaphore_mem>>) src(%arg14 : memref<56x128xf32, #tpu.memory_space<vmem>>) dst(%dma_wait3A_39 : memref<56x128xf32, #tpu.memory_space<hbm>>)
        tpu.yield
      }) : () -> ()
    }
    %scan3A_15 = arith.constant 5 : i32
    %mul3A_16 = arith.constant 88 : i32
    %mul3A_17 = arith.muli %add3A, %mul3A_16 : i32
    "tpu.region"() ({
      %run_scoped3A = tpu.sem_alloc : memref<!tpu.dma_semaphore, #tpu.memory_space<semaphore_mem>>
      %dma_start3A_22 = tpu.memref_slice %arg4[%mul3A_17] : memref<2816xi32, #tpu.memory_space<hbm>> -> memref<88xi32, #tpu.memory_space<hbm>>
      %dma_start3A_23 = tpu.memref_slice %arg4[%mul3A_17] : memref<2816xi32, #tpu.memory_space<hbm>> -> memref<88xi32, #tpu.memory_space<hbm>>
      tpu.enqueue_dma source(%dma_start3A_23 : memref<88xi32, #tpu.memory_space<hbm>>) target(%arg15 : memref<88xi32, #tpu.memory_space<vmem>>) target_semaphore(%run_scoped3A : memref<!tpu.dma_semaphore, #tpu.memory_space<semaphore_mem>>)
      %dma_wait3A_24 = tpu.memref_slice %arg4[%mul3A_17] : memref<2816xi32, #tpu.memory_space<hbm>> -> memref<88xi32, #tpu.memory_space<hbm>>
      %dma_wait3A_25 = tpu.memref_slice %arg4[%mul3A_17] : memref<2816xi32, #tpu.memory_space<hbm>> -> memref<88xi32, #tpu.memory_space<hbm>>
      tpu.wait_dma2 semaphore(%run_scoped3A : memref<!tpu.dma_semaphore, #tpu.memory_space<semaphore_mem>>) src(%dma_wait3A_25 : memref<88xi32, #tpu.memory_space<hbm>>) dst(%arg15 : memref<88xi32, #tpu.memory_space<vmem>>)
      tpu.yield
    }) : () -> ()
    %dma_start3A = arith.constant 0 : i32
    %dma_start3A_18 = arith.constant 0 : i32
    %dma_start3A_19 = tpu.memref_slice %arg7[%dma_start3A, %dma_start3A_18] : memref<100000x128xf32, #tpu.memory_space<hbm>> -> memref<100000x128xf32, #tpu.memory_space<hbm>>
    tpu.enqueue_indirect_dma source(%dma_start3A_19 : memref<100000x128xf32, #tpu.memory_space<hbm>>) target(%arg16 : memref<88x128xf32, #tpu.memory_space<vmem>>) offsets(%arg15 : memref<88xi32, #tpu.memory_space<vmem>>) semaphore(%arg17 : memref<!tpu.dma_semaphore, #tpu.memory_space<semaphore_mem>>)
    %dma_wait3A = arith.constant 0 : i32
    %dma_wait3A_20 = arith.constant 0 : i32
    %dma_wait3A_21 = tpu.memref_slice %arg7[%dma_wait3A, %dma_wait3A_20] : memref<100000x128xf32, #tpu.memory_space<hbm>> -> memref<100000x128xf32, #tpu.memory_space<hbm>>
    tpu.wait_indirect_dma semaphore(%arg17 : memref<!tpu.dma_semaphore, #tpu.memory_space<semaphore_mem>>) src(%dma_wait3A_21 : memref<100000x128xf32, #tpu.memory_space<hbm>>) dst(%arg16 : memref<88x128xf32, #tpu.memory_space<vmem>>)
    "tpu.region"() ({
      %run_scoped3A = tpu.sem_alloc : memref<!tpu.dma_semaphore, #tpu.memory_space<semaphore_mem>>
      %dma_start3A_22 = arith.constant 0 : i32
      %dma_start3A_23 = tpu.memref_slice %arg10[%mul3A_17, %dma_start3A_22] : memref<2816x128xf32, #tpu.memory_space<hbm>> -> memref<88x128xf32, #tpu.memory_space<hbm>>
      %dma_start3A_24 = arith.constant 0 : i32
      %dma_start3A_25 = tpu.memref_slice %arg10[%mul3A_17, %dma_start3A_24] : memref<2816x128xf32, #tpu.memory_space<hbm>> -> memref<88x128xf32, #tpu.memory_space<hbm>>
      tpu.enqueue_dma source(%arg16 : memref<88x128xf32, #tpu.memory_space<vmem>>) target(%dma_start3A_25 : memref<88x128xf32, #tpu.memory_space<hbm>>) target_semaphore(%run_scoped3A : memref<!tpu.dma_semaphore, #tpu.memory_space<semaphore_mem>>)
      %dma_wait3A_26 = arith.constant 0 : i32
      %dma_wait3A_27 = tpu.memref_slice %arg10[%mul3A_17, %dma_wait3A_26] : memref<2816x128xf32, #tpu.memory_space<hbm>> -> memref<88x128xf32, #tpu.memory_space<hbm>>
      %dma_wait3A_28 = arith.constant 0 : i32
      %dma_wait3A_29 = tpu.memref_slice %arg10[%mul3A_17, %dma_wait3A_28] : memref<2816x128xf32, #tpu.memory_space<hbm>> -> memref<88x128xf32, #tpu.memory_space<hbm>>
      tpu.wait_dma2 semaphore(%run_scoped3A : memref<!tpu.dma_semaphore, #tpu.memory_space<semaphore_mem>>) src(%arg16 : memref<88x128xf32, #tpu.memory_space<vmem>>) dst(%dma_wait3A_29 : memref<88x128xf32, #tpu.memory_space<hbm>>)
      tpu.yield
    }) : () -> ()
    return
  }
}

module attributes {stable_mosaic.version = 14 : i64} {
  func.func @_tc_body(%arg0: i32, %arg1: memref<8960x128xf32, #tpu.memory_space<vmem>>, %arg2: memref<560x128xf32, #tpu.memory_space<vmem>>, %arg3: memref<176x128xf32, #tpu.memory_space<vmem>>, %arg4: memref<128x128xf32, #tpu.memory_space<vmem>>, %arg5: memref<128x128xf32, #tpu.memory_space<vmem>>, %arg6: memref<128x128xf32, #tpu.memory_space<vmem>>, %arg7: memref<1x128xf32, #tpu.memory_space<vmem>>, %arg8: memref<128x128xf32, #tpu.memory_space<vmem>>, %arg9: memref<128x128xbf16, #tpu.memory_space<vmem>>, %arg10: memref<16x5xf32, #tpu.memory_space<vmem>>, %arg11: memref<8960x128xbf16, #tpu.memory_space<vmem>>, %arg12: memref<8960x128xbf16, #tpu.memory_space<vmem>>, %arg13: memref<8960x128xbf16, #tpu.memory_space<vmem>>, %arg14: memref<8960x128xbf16, #tpu.memory_space<vmem>>, %arg15: memref<8960x128xf32, #tpu.memory_space<vmem>>, %arg16: memref<560x128xf32, #tpu.memory_space<vmem>>) attributes {dimension_semantics = [#tpu.dimension_semantics<arbitrary>], iteration_bounds = array<i64: 16>, scalar_prefetch = 0 : i64, scratch_operands = 6 : i64, tpu.core_type = #tpu.core_type<tc>, window_params = [{transform_indices = @transform_0, window_bounds = array<i64: 8960, 128>}, {transform_indices = @transform_1, window_bounds = array<i64: 560, 128>}, {transform_indices = @transform_2, window_bounds = array<i64: 176, 128>}, {pipeline_mode = #tpu.pipeline_mode<synchronous>, transform_indices = @transform_3, window_bounds = array<i64: 128, 128>}, {pipeline_mode = #tpu.pipeline_mode<synchronous>, transform_indices = @transform_4, window_bounds = array<i64: 128, 128>}, {pipeline_mode = #tpu.pipeline_mode<synchronous>, transform_indices = @transform_5, window_bounds = array<i64: 128, 128>}, {pipeline_mode = #tpu.pipeline_mode<synchronous>, transform_indices = @transform_6, window_bounds = array<i64: 1, 128>}, {pipeline_mode = #tpu.pipeline_mode<synchronous>, transform_indices = @transform_7, window_bounds = array<i64: 128, 128>}, {pipeline_mode = #tpu.pipeline_mode<synchronous>, transform_indices = @transform_8, window_bounds = array<i64: 128, 128>}, {transform_indices = @transform_9, window_bounds = array<i64: 16, 5>}]} {
    %get3A = arith.constant 0 : index
    %get3A_0 = arith.constant 0 : index
    %get3A_1 = vector.load %arg1[%get3A, %get3A_0] : memref<8960x128xf32, #tpu.memory_space<vmem>>, vector<8960x128xf32>
    %convert_element_type3A = arith.truncf %get3A_1 : vector<8960x128xf32> to vector<8960x128xbf16>
    %get3A_2 = arith.constant 0 : index
    %get3A_3 = arith.constant 0 : index
    %get3A_4 = vector.load %arg4[%get3A_2, %get3A_3] : memref<128x128xf32, #tpu.memory_space<vmem>>, vector<128x128xf32>
    %mul3A = arith.constant 0.0883883461 : f32
    %mul3A_5 = vector.broadcast %mul3A : f32 to vector<128x128xf32>
    %mul3A_6 = arith.mulf %get3A_4, %mul3A_5 : vector<128x128xf32>
    %convert_element_type3A_7 = arith.truncf %mul3A_6 : vector<128x128xf32> to vector<128x128xbf16>
    %get3A_8 = arith.constant 0 : index
    %get3A_9 = arith.constant 0 : index
    %get3A_10 = vector.load %arg5[%get3A_8, %get3A_9] : memref<128x128xf32, #tpu.memory_space<vmem>>, vector<128x128xf32>
    %convert_element_type3A_11 = arith.truncf %get3A_10 : vector<128x128xf32> to vector<128x128xbf16>
    %get3A_12 = arith.constant 0 : index
    %get3A_13 = arith.constant 0 : index
    %get3A_14 = vector.load %arg6[%get3A_12, %get3A_13] : memref<128x128xf32, #tpu.memory_space<vmem>>, vector<128x128xf32>
    %convert_element_type3A_15 = arith.truncf %get3A_14 : vector<128x128xf32> to vector<128x128xbf16>
    %dot_general3A = arith.constant dense<0.000000e+00> : vector<8960x128xf32>
    %dot_general3A_16 = tpu.matmul %convert_element_type3A, %convert_element_type3A_7, %dot_general3A {dimension_numbers = #tpu.dot_dimension_numbers<[1], [0], [0], [1], [0, 0, 1, 1], [], []>, transpose_lhs_hint = false} : vector<8960x128xbf16>, vector<128x128xbf16>, vector<8960x128xf32> -> vector<8960x128xf32>
    %convert_element_type3A_17 = arith.truncf %dot_general3A_16 : vector<8960x128xf32> to vector<8960x128xbf16>
    %swap3A = arith.constant 0 : index
    %swap3A_18 = arith.constant 0 : index
    %swap3A_19 = vector.load %arg11[%swap3A, %swap3A_18] : memref<8960x128xbf16, #tpu.memory_space<vmem>>, vector<8960x128xbf16>
    tpu.vector_store %arg11[%swap3A, %swap3A_18], %convert_element_type3A_17 {strides = array<i32>} : memref<8960x128xbf16, #tpu.memory_space<vmem>>, vector<8960x128xbf16>,
    %dot_general3A_20 = arith.constant dense<0.000000e+00> : vector<8960x128xf32>
    %dot_general3A_21 = tpu.matmul %convert_element_type3A, %convert_element_type3A_11, %dot_general3A_20 {dimension_numbers = #tpu.dot_dimension_numbers<[1], [0], [0], [1], [0, 0, 1, 1], [], []>, transpose_lhs_hint = false} : vector<8960x128xbf16>, vector<128x128xbf16>, vector<8960x128xf32> -> vector<8960x128xf32>
    %convert_element_type3A_22 = arith.truncf %dot_general3A_21 : vector<8960x128xf32> to vector<8960x128xbf16>
    %swap3A_23 = arith.constant 0 : index
    %swap3A_24 = arith.constant 0 : index
    %swap3A_25 = vector.load %arg12[%swap3A_23, %swap3A_24] : memref<8960x128xbf16, #tpu.memory_space<vmem>>, vector<8960x128xbf16>
    tpu.vector_store %arg12[%swap3A_23, %swap3A_24], %convert_element_type3A_22 {strides = array<i32>} : memref<8960x128xbf16, #tpu.memory_space<vmem>>, vector<8960x128xbf16>,
    %dot_general3A_26 = arith.constant dense<0.000000e+00> : vector<8960x128xf32>
    %dot_general3A_27 = tpu.matmul %convert_element_type3A, %convert_element_type3A_15, %dot_general3A_26 {dimension_numbers = #tpu.dot_dimension_numbers<[1], [0], [0], [1], [0, 0, 1, 1], [], []>, transpose_lhs_hint = false} : vector<8960x128xbf16>, vector<128x128xbf16>, vector<8960x128xf32> -> vector<8960x128xf32>
    %convert_element_type3A_28 = arith.truncf %dot_general3A_27 : vector<8960x128xf32> to vector<8960x128xbf16>
    %swap3A_29 = arith.constant 0 : index
    %swap3A_30 = arith.constant 0 : index
    %swap3A_31 = vector.load %arg13[%swap3A_29, %swap3A_30] : memref<8960x128xbf16, #tpu.memory_space<vmem>>, vector<8960x128xbf16>
    tpu.vector_store %arg13[%swap3A_29, %swap3A_30], %convert_element_type3A_28 {strides = array<i32>} : memref<8960x128xbf16, #tpu.memory_space<vmem>>, vector<8960x128xbf16>,
    %get3A_32 = arith.constant 0 : index
    %get3A_33 = arith.constant 0 : index
    %get3A_34 = vector.load %arg8[%get3A_32, %get3A_33] : memref<128x128xf32, #tpu.memory_space<vmem>>, vector<128x128xf32>
    %get3A_35 = arith.constant 0 : index
    %get3A_36 = arith.constant 0 : index
    %get3A_37 = vector.load %arg7[%get3A_35, %get3A_36] : memref<1x128xf32, #tpu.memory_space<vmem>>, vector<1x128xf32>
    %scan3A = arith.constant 0 : i32
    %mul3A_38 = arith.constant 128 : i32
    %mul3A_39 = arith.muli %scan3A, %mul3A_38 : i32
    %get3A_40 = arith.index_cast %mul3A_39 : i32 to index
    %get3A_41 = arith.constant 0 : index
    %get3A_42 = vector.load %arg11[%get3A_40, %get3A_41] : memref<8960x128xbf16, #tpu.memory_space<vmem>>, vector<128x128xbf16>
    %mul3A_43 = arith.constant 128 : i32
    %mul3A_44 = arith.muli %scan3A, %mul3A_43 : i32
    %get3A_45 = arith.index_cast %mul3A_44 : i32 to index
    %get3A_46 = arith.constant 0 : index
    %get3A_47 = vector.load %arg12[%get3A_45, %get3A_46] : memref<8960x128xbf16, #tpu.memory_space<vmem>>, vector<128x128xbf16>
    %dot_general3A_48 = arith.constant dense<0.000000e+00> : vector<128x128xf32>
    %dot_general3A_49 = tpu.matmul %get3A_42, %get3A_47, %dot_general3A_48 {dimension_numbers = #tpu.dot_dimension_numbers<[1], [1], [0], [0], [0, 0, 1, 0], [], []>, transpose_lhs_hint = false} : vector<128x128xbf16>, vector<128x128xbf16>, vector<128x128xf32> -> vector<128x128xf32>
    %mul3A_50 = arith.constant 128 : i32
    %mul3A_51 = arith.muli %scan3A, %mul3A_50 : i32
    %swap3A_52 = arith.index_cast %mul3A_51 : i32 to index
    %swap3A_53 = arith.constant 0 : index
    %swap3A_54 = vector.load %arg15[%swap3A_52, %swap3A_53] : memref<8960x128xf32, #tpu.memory_space<vmem>>, vector<128x128xf32>
    tpu.vector_store %arg15[%swap3A_52, %swap3A_53], %dot_general3A_49 {strides = array<i32>} : memref<8960x128xf32, #tpu.memory_space<vmem>>, vector<128x128xf32>,
    %scan3A_55 = arith.constant 1 : i32
    %mul3A_56 = arith.constant 128 : i32
    %mul3A_57 = arith.muli %scan3A_55, %mul3A_56 : i32
    %get3A_58 = arith.index_cast %mul3A_57 : i32 to index
    %get3A_59 = arith.constant 0 : index
    %get3A_60 = vector.load %arg11[%get3A_58, %get3A_59] : memref<8960x128xbf16, #tpu.memory_space<vmem>>, vector<128x128xbf16>
    %mul3A_61 = arith.constant 128 : i32
    %mul3A_62 = arith.muli %scan3A_55, %mul3A_61 : i32
    %get3A_63 = arith.index_cast %mul3A_62 : i32 to index
    %get3A_64 = arith.constant 0 : index
    %get3A_65 = vector.load %arg12[%get3A_63, %get3A_64] : memref<8960x128xbf16, #tpu.memory_space<vmem>>, vector<128x128xbf16>
    %dot_general3A_66 = arith.constant dense<0.000000e+00> : vector<128x128xf32>
    %dot_general3A_67 = tpu.matmul %get3A_60, %get3A_65, %dot_general3A_66 {dimension_numbers = #tpu.dot_dimension_numbers<[1], [1], [0], [0], [0, 0, 1, 0], [], []>, transpose_lhs_hint = false} : vector<128x128xbf16>, vector<128x128xbf16>, vector<128x128xf32> -> vector<128x128xf32>
    %mul3A_68 = arith.constant 128 : i32
    %mul3A_69 = arith.muli %scan3A_55, %mul3A_68 : i32
    %swap3A_70 = arith.index_cast %mul3A_69 : i32 to index
    %swap3A_71 = arith.constant 0 : index
    %swap3A_72 = vector.load %arg15[%swap3A_70, %swap3A_71] : memref<8960x128xf32, #tpu.memory_space<vmem>>, vector<128x128xf32>
    tpu.vector_store %arg15[%swap3A_70, %swap3A_71], %dot_general3A_67 {strides = array<i32>} : memref<8960x128xf32, #tpu.memory_space<vmem>>, vector<128x128xf32>,
    %scan3A_73 = arith.constant 2 : i32
    %mul3A_74 = arith.constant 128 : i32
    %mul3A_75 = arith.muli %scan3A_73, %mul3A_74 : i32
    %get3A_76 = arith.index_cast %mul3A_75 : i32 to index
    %get3A_77 = arith.constant 0 : index
    %get3A_78 = vector.load %arg11[%get3A_76, %get3A_77] : memref<8960x128xbf16, #tpu.memory_space<vmem>>, vector<128x128xbf16>
    %mul3A_79 = arith.constant 128 : i32
    %mul3A_80 = arith.muli %scan3A_73, %mul3A_79 : i32
    %get3A_81 = arith.index_cast %mul3A_80 : i32 to index
    %get3A_82 = arith.constant 0 : index
    %get3A_83 = vector.load %arg12[%get3A_81, %get3A_82] : memref<8960x128xbf16, #tpu.memory_space<vmem>>, vector<128x128xbf16>
    %dot_general3A_84 = arith.constant dense<0.000000e+00> : vector<128x128xf32>
    %dot_general3A_85 = tpu.matmul %get3A_78, %get3A_83, %dot_general3A_84 {dimension_numbers = #tpu.dot_dimension_numbers<[1], [1], [0], [0], [0, 0, 1, 0], [], []>, transpose_lhs_hint = false} : vector<128x128xbf16>, vector<128x128xbf16>, vector<128x128xf32> -> vector<128x128xf32>
    %mul3A_86 = arith.constant 128 : i32
    %mul3A_87 = arith.muli %scan3A_73, %mul3A_86 : i32
    %swap3A_88 = arith.index_cast %mul3A_87 : i32 to index
    %swap3A_89 = arith.constant 0 : index
    %swap3A_90 = vector.load %arg15[%swap3A_88, %swap3A_89] : memref<8960x128xf32, #tpu.memory_space<vmem>>, vector<128x128xf32>
    tpu.vector_store %arg15[%swap3A_88, %swap3A_89], %dot_general3A_85 {strides = array<i32>} : memref<8960x128xf32, #tpu.memory_space<vmem>>, vector<128x128xf32>,
    %scan3A_91 = arith.constant 3 : i32
    %mul3A_92 = arith.constant 128 : i32
    %mul3A_93 = arith.muli %scan3A_91, %mul3A_92 : i32
    %get3A_94 = arith.index_cast %mul3A_93 : i32 to index
    %get3A_95 = arith.constant 0 : index
    %get3A_96 = vector.load %arg11[%get3A_94, %get3A_95] : memref<8960x128xbf16, #tpu.memory_space<vmem>>, vector<128x128xbf16>
    %mul3A_97 = arith.constant 128 : i32
    %mul3A_98 = arith.muli %scan3A_91, %mul3A_97 : i32
    %get3A_99 = arith.index_cast %mul3A_98 : i32 to index
    %get3A_100 = arith.constant 0 : index
    %get3A_101 = vector.load %arg12[%get3A_99, %get3A_100] : memref<8960x128xbf16, #tpu.memory_space<vmem>>, vector<128x128xbf16>
    %dot_general3A_102 = arith.constant dense<0.000000e+00> : vector<128x128xf32>
    %dot_general3A_103 = tpu.matmul %get3A_96, %get3A_101, %dot_general3A_102 {dimension_numbers = #tpu.dot_dimension_numbers<[1], [1], [0], [0], [0, 0, 1, 0], [], []>, transpose_lhs_hint = false} : vector<128x128xbf16>, vector<128x128xbf16>, vector<128x128xf32> -> vector<128x128xf32>
    %mul3A_104 = arith.constant 128 : i32
    %mul3A_105 = arith.muli %scan3A_91, %mul3A_104 : i32
    %swap3A_106 = arith.index_cast %mul3A_105 : i32 to index
    %swap3A_107 = arith.constant 0 : index
    %swap3A_108 = vector.load %arg15[%swap3A_106, %swap3A_107] : memref<8960x128xf32, #tpu.memory_space<vmem>>, vector<128x128xf32>
    tpu.vector_store %arg15[%swap3A_106, %swap3A_107], %dot_general3A_103 {strides = array<i32>} : memref<8960x128xf32, #tpu.memory_space<vmem>>, vector<128x128xf32>,
    %scan3A_109 = arith.constant 4 : i32
    %mul3A_110 = arith.constant 128 : i32
    %mul3A_111 = arith.muli %scan3A_109, %mul3A_110 : i32
    %get3A_112 = arith.index_cast %mul3A_111 : i32 to index
    %get3A_113 = arith.constant 0 : index
    %get3A_114 = vector.load %arg11[%get3A_112, %get3A_113] : memref<8960x128xbf16, #tpu.memory_space<vmem>>, vector<128x128xbf16>
    %mul3A_115 = arith.constant 128 : i32
    %mul3A_116 = arith.muli %scan3A_109, %mul3A_115 : i32
    %get3A_117 = arith.index_cast %mul3A_116 : i32 to index
    %get3A_118 = arith.constant 0 : index
    %get3A_119 = vector.load %arg12[%get3A_117, %get3A_118] : memref<8960x128xbf16, #tpu.memory_space<vmem>>, vector<128x128xbf16>
    %dot_general3A_120 = arith.constant dense<0.000000e+00> : vector<128x128xf32>
    %dot_general3A_121 = tpu.matmul %get3A_114, %get3A_119, %dot_general3A_120 {dimension_numbers = #tpu.dot_dimension_numbers<[1], [1], [0], [0], [0, 0, 1, 0], [], []>, transpose_lhs_hint = false} : vector<128x128xbf16>, vector<128x128xbf16>, vector<128x128xf32> -> vector<128x128xf32>
    %mul3A_122 = arith.constant 128 : i32
    %mul3A_123 = arith.muli %scan3A_109, %mul3A_122 : i32
    %swap3A_124 = arith.index_cast %mul3A_123 : i32 to index
    %swap3A_125 = arith.constant 0 : index
    %swap3A_126 = vector.load %arg15[%swap3A_124, %swap3A_125] : memref<8960x128xf32, #tpu.memory_space<vmem>>, vector<128x128xf32>
    tpu.vector_store %arg15[%swap3A_124, %swap3A_125], %dot_general3A_121 {strides = array<i32>} : memref<8960x128xf32, #tpu.memory_space<vmem>>, vector<128x128xf32>,
    %scan3A_127 = arith.constant 5 : i32
    %mul3A_128 = arith.constant 128 : i32
    %mul3A_129 = arith.muli %scan3A_127, %mul3A_128 : i32
    %get3A_130 = arith.index_cast %mul3A_129 : i32 to index
    %get3A_131 = arith.constant 0 : index
    %get3A_132 = vector.load %arg11[%get3A_130, %get3A_131] : memref<8960x128xbf16, #tpu.memory_space<vmem>>, vector<128x128xbf16>
    %mul3A_133 = arith.constant 128 : i32
    %mul3A_134 = arith.muli %scan3A_127, %mul3A_133 : i32
    %get3A_135 = arith.index_cast %mul3A_134 : i32 to index
    %get3A_136 = arith.constant 0 : index
    %get3A_137 = vector.load %arg12[%get3A_135, %get3A_136] : memref<8960x128xbf16, #tpu.memory_space<vmem>>, vector<128x128xbf16>
    %dot_general3A_138 = arith.constant dense<0.000000e+00> : vector<128x128xf32>
    %dot_general3A_139 = tpu.matmul %get3A_132, %get3A_137, %dot_general3A_138 {dimension_numbers = #tpu.dot_dimension_numbers<[1], [1], [0], [0], [0, 0, 1, 0], [], []>, transpose_lhs_hint = false} : vector<128x128xbf16>, vector<128x128xbf16>, vector<128x128xf32> -> vector<128x128xf32>
    %mul3A_140 = arith.constant 128 : i32
    %mul3A_141 = arith.muli %scan3A_127, %mul3A_140 : i32
    %swap3A_142 = arith.index_cast %mul3A_141 : i32 to index
    %swap3A_143 = arith.constant 0 : index
    %swap3A_144 = vector.load %arg15[%swap3A_142, %swap3A_143] : memref<8960x128xf32, #tpu.memory_space<vmem>>, vector<128x128xf32>
    tpu.vector_store %arg15[%swap3A_142, %swap3A_143], %dot_general3A_139 {strides = array<i32>} : memref<8960x128xf32, #tpu.memory_space<vmem>>, vector<128x128xf32>,
    %scan3A_145 = arith.constant 6 : i32
    %mul3A_146 = arith.constant 128 : i32
    %mul3A_147 = arith.muli %scan3A_145, %mul3A_146 : i32
    %get3A_148 = arith.index_cast %mul3A_147 : i32 to index
    %get3A_149 = arith.constant 0 : index
    %get3A_150 = vector.load %arg11[%get3A_148, %get3A_149] : memref<8960x128xbf16, #tpu.memory_space<vmem>>, vector<128x128xbf16>
    %mul3A_151 = arith.constant 128 : i32
    %mul3A_152 = arith.muli %scan3A_145, %mul3A_151 : i32
    %get3A_153 = arith.index_cast %mul3A_152 : i32 to index
    %get3A_154 = arith.constant 0 : index
    %get3A_155 = vector.load %arg12[%get3A_153, %get3A_154] : memref<8960x128xbf16, #tpu.memory_space<vmem>>, vector<128x128xbf16>
    %dot_general3A_156 = arith.constant dense<0.000000e+00> : vector<128x128xf32>
    %dot_general3A_157 = tpu.matmul %get3A_150, %get3A_155, %dot_general3A_156 {dimension_numbers = #tpu.dot_dimension_numbers<[1], [1], [0], [0], [0, 0, 1, 0], [], []>, transpose_lhs_hint = false} : vector<128x128xbf16>, vector<128x128xbf16>, vector<128x128xf32> -> vector<128x128xf32>
    %mul3A_158 = arith.constant 128 : i32
    %mul3A_159 = arith.muli %scan3A_145, %mul3A_158 : i32
    %swap3A_160 = arith.index_cast %mul3A_159 : i32 to index
    %swap3A_161 = arith.constant 0 : index
    %swap3A_162 = vector.load %arg15[%swap3A_160, %swap3A_161] : memref<8960x128xf32, #tpu.memory_space<vmem>>, vector<128x128xf32>
    tpu.vector_store %arg15[%swap3A_160, %swap3A_161], %dot_general3A_157 {strides = array<i32>} : memref<8960x128xf32, #tpu.memory_space<vmem>>, vector<128x128xf32>,
    %scan3A_163 = arith.constant 7 : i32
    %mul3A_164 = arith.constant 128 : i32
    %mul3A_165 = arith.muli %scan3A_163, %mul3A_164 : i32
    %get3A_166 = arith.index_cast %mul3A_165 : i32 to index
    %get3A_167 = arith.constant 0 : index
    %get3A_168 = vector.load %arg11[%get3A_166, %get3A_167] : memref<8960x128xbf16, #tpu.memory_space<vmem>>, vector<128x128xbf16>
    %mul3A_169 = arith.constant 128 : i32
    %mul3A_170 = arith.muli %scan3A_163, %mul3A_169 : i32
    %get3A_171 = arith.index_cast %mul3A_170 : i32 to index
    %get3A_172 = arith.constant 0 : index
    %get3A_173 = vector.load %arg12[%get3A_171, %get3A_172] : memref<8960x128xbf16, #tpu.memory_space<vmem>>, vector<128x128xbf16>
    %dot_general3A_174 = arith.constant dense<0.000000e+00> : vector<128x128xf32>
    %dot_general3A_175 = tpu.matmul %get3A_168, %get3A_173, %dot_general3A_174 {dimension_numbers = #tpu.dot_dimension_numbers<[1], [1], [0], [0], [0, 0, 1, 0], [], []>, transpose_lhs_hint = false} : vector<128x128xbf16>, vector<128x128xbf16>, vector<128x128xf32> -> vector<128x128xf32>
    %mul3A_176 = arith.constant 128 : i32
    %mul3A_177 = arith.muli %scan3A_163, %mul3A_176 : i32
    %swap3A_178 = arith.index_cast %mul3A_177 : i32 to index
    %swap3A_179 = arith.constant 0 : index
    %swap3A_180 = vector.load %arg15[%swap3A_178, %swap3A_179] : memref<8960x128xf32, #tpu.memory_space<vmem>>, vector<128x128xf32>
    tpu.vector_store %arg15[%swap3A_178, %swap3A_179], %dot_general3A_175 {strides = array<i32>} : memref<8960x128xf32, #tpu.memory_space<vmem>>, vector<128x128xf32>,
    %scan3A_181 = arith.constant 8 : i32
    %mul3A_182 = arith.constant 128 : i32
    %mul3A_183 = arith.muli %scan3A_181, %mul3A_182 : i32
    %get3A_184 = arith.index_cast %mul3A_183 : i32 to index
    %get3A_185 = arith.constant 0 : index
    %get3A_186 = vector.load %arg11[%get3A_184, %get3A_185] : memref<8960x128xbf16, #tpu.memory_space<vmem>>, vector<128x128xbf16>
    %mul3A_187 = arith.constant 128 : i32
    %mul3A_188 = arith.muli %scan3A_181, %mul3A_187 : i32
    %get3A_189 = arith.index_cast %mul3A_188 : i32 to index
    %get3A_190 = arith.constant 0 : index
    %get3A_191 = vector.load %arg12[%get3A_189, %get3A_190] : memref<8960x128xbf16, #tpu.memory_space<vmem>>, vector<128x128xbf16>
    %dot_general3A_192 = arith.constant dense<0.000000e+00> : vector<128x128xf32>
    %dot_general3A_193 = tpu.matmul %get3A_186, %get3A_191, %dot_general3A_192 {dimension_numbers = #tpu.dot_dimension_numbers<[1], [1], [0], [0], [0, 0, 1, 0], [], []>, transpose_lhs_hint = false} : vector<128x128xbf16>, vector<128x128xbf16>, vector<128x128xf32> -> vector<128x128xf32>
    %mul3A_194 = arith.constant 128 : i32
    %mul3A_195 = arith.muli %scan3A_181, %mul3A_194 : i32
    %swap3A_196 = arith.index_cast %mul3A_195 : i32 to index
    %swap3A_197 = arith.constant 0 : index
    %swap3A_198 = vector.load %arg15[%swap3A_196, %swap3A_197] : memref<8960x128xf32, #tpu.memory_space<vmem>>, vector<128x128xf32>
    tpu.vector_store %arg15[%swap3A_196, %swap3A_197], %dot_general3A_193 {strides = array<i32>} : memref<8960x128xf32, #tpu.memory_space<vmem>>, vector<128x128xf32>,
    %scan3A_199 = arith.constant 9 : i32
    %mul3A_200 = arith.constant 128 : i32
    %mul3A_201 = arith.muli %scan3A_199, %mul3A_200 : i32
    %get3A_202 = arith.index_cast %mul3A_201 : i32 to index
    %get3A_203 = arith.constant 0 : index
    %get3A_204 = vector.load %arg11[%get3A_202, %get3A_203] : memref<8960x128xbf16, #tpu.memory_space<vmem>>, vector<128x128xbf16>
    %mul3A_205 = arith.constant 128 : i32
    %mul3A_206 = arith.muli %scan3A_199, %mul3A_205 : i32
    %get3A_207 = arith.index_cast %mul3A_206 : i32 to index
    %get3A_208 = arith.constant 0 : index
    %get3A_209 = vector.load %arg12[%get3A_207, %get3A_208] : memref<8960x128xbf16, #tpu.memory_space<vmem>>, vector<128x128xbf16>
    %dot_general3A_210 = arith.constant dense<0.000000e+00> : vector<128x128xf32>
    %dot_general3A_211 = tpu.matmul %get3A_204, %get3A_209, %dot_general3A_210 {dimension_numbers = #tpu.dot_dimension_numbers<[1], [1], [0], [0], [0, 0, 1, 0], [], []>, transpose_lhs_hint = false} : vector<128x128xbf16>, vector<128x128xbf16>, vector<128x128xf32> -> vector<128x128xf32>
    %mul3A_212 = arith.constant 128 : i32
    %mul3A_213 = arith.muli %scan3A_199, %mul3A_212 : i32
    %swap3A_214 = arith.index_cast %mul3A_213 : i32 to index
    %swap3A_215 = arith.constant 0 : index
    %swap3A_216 = vector.load %arg15[%swap3A_214, %swap3A_215] : memref<8960x128xf32, #tpu.memory_space<vmem>>, vector<128x128xf32>
    tpu.vector_store %arg15[%swap3A_214, %swap3A_215], %dot_general3A_211 {strides = array<i32>} : memref<8960x128xf32, #tpu.memory_space<vmem>>, vector<128x128xf32>,
    %scan3A_217 = arith.constant 10 : i32
    %mul3A_218 = arith.constant 128 : i32
    %mul3A_219 = arith.muli %scan3A_217, %mul3A_218 : i32
    %get3A_220 = arith.index_cast %mul3A_219 : i32 to index
    %get3A_221 = arith.constant 0 : index
    %get3A_222 = vector.load %arg11[%get3A_220, %get3A_221] : memref<8960x128xbf16, #tpu.memory_space<vmem>>, vector<128x128xbf16>
    %mul3A_223 = arith.constant 128 : i32
    %mul3A_224 = arith.muli %scan3A_217, %mul3A_223 : i32
    %get3A_225 = arith.index_cast %mul3A_224 : i32 to index
    %get3A_226 = arith.constant 0 : index
    %get3A_227 = vector.load %arg12[%get3A_225, %get3A_226] : memref<8960x128xbf16, #tpu.memory_space<vmem>>, vector<128x128xbf16>
    %dot_general3A_228 = arith.constant dense<0.000000e+00> : vector<128x128xf32>
    %dot_general3A_229 = tpu.matmul %get3A_222, %get3A_227, %dot_general3A_228 {dimension_numbers = #tpu.dot_dimension_numbers<[1], [1], [0], [0], [0, 0, 1, 0], [], []>, transpose_lhs_hint = false} : vector<128x128xbf16>, vector<128x128xbf16>, vector<128x128xf32> -> vector<128x128xf32>
    %mul3A_230 = arith.constant 128 : i32
    %mul3A_231 = arith.muli %scan3A_217, %mul3A_230 : i32
    %swap3A_232 = arith.index_cast %mul3A_231 : i32 to index
    %swap3A_233 = arith.constant 0 : index
    %swap3A_234 = vector.load %arg15[%swap3A_232, %swap3A_233] : memref<8960x128xf32, #tpu.memory_space<vmem>>, vector<128x128xf32>
    tpu.vector_store %arg15[%swap3A_232, %swap3A_233], %dot_general3A_229 {strides = array<i32>} : memref<8960x128xf32, #tpu.memory_space<vmem>>, vector<128x128xf32>,
    %scan3A_235 = arith.constant 11 : i32
    %mul3A_236 = arith.constant 128 : i32
    %mul3A_237 = arith.muli %scan3A_235, %mul3A_236 : i32
    %get3A_238 = arith.index_cast %mul3A_237 : i32 to index
    %get3A_239 = arith.constant 0 : index
    %get3A_240 = vector.load %arg11[%get3A_238, %get3A_239] : memref<8960x128xbf16, #tpu.memory_space<vmem>>, vector<128x128xbf16>
    %mul3A_241 = arith.constant 128 : i32
    %mul3A_242 = arith.muli %scan3A_235, %mul3A_241 : i32
    %get3A_243 = arith.index_cast %mul3A_242 : i32 to index
    %get3A_244 = arith.constant 0 : index
    %get3A_245 = vector.load %arg12[%get3A_243, %get3A_244] : memref<8960x128xbf16, #tpu.memory_space<vmem>>, vector<128x128xbf16>
    %dot_general3A_246 = arith.constant dense<0.000000e+00> : vector<128x128xf32>
    %dot_general3A_247 = tpu.matmul %get3A_240, %get3A_245, %dot_general3A_246 {dimension_numbers = #tpu.dot_dimension_numbers<[1], [1], [0], [0], [0, 0, 1, 0], [], []>, transpose_lhs_hint = false} : vector<128x128xbf16>, vector<128x128xbf16>, vector<128x128xf32> -> vector<128x128xf32>
    %mul3A_248 = arith.constant 128 : i32
    %mul3A_249 = arith.muli %scan3A_235, %mul3A_248 : i32
    %swap3A_250 = arith.index_cast %mul3A_249 : i32 to index
    %swap3A_251 = arith.constant 0 : index
    %swap3A_252 = vector.load %arg15[%swap3A_250, %swap3A_251] : memref<8960x128xf32, #tpu.memory_space<vmem>>, vector<128x128xf32>
    tpu.vector_store %arg15[%swap3A_250, %swap3A_251], %dot_general3A_247 {strides = array<i32>} : memref<8960x128xf32, #tpu.memory_space<vmem>>, vector<128x128xf32>,
    %scan3A_253 = arith.constant 12 : i32
    %mul3A_254 = arith.constant 128 : i32
    %mul3A_255 = arith.muli %scan3A_253, %mul3A_254 : i32
    %get3A_256 = arith.index_cast %mul3A_255 : i32 to index
    %get3A_257 = arith.constant 0 : index
    %get3A_258 = vector.load %arg11[%get3A_256, %get3A_257] : memref<8960x128xbf16, #tpu.memory_space<vmem>>, vector<128x128xbf16>
    %mul3A_259 = arith.constant 128 : i32
    %mul3A_260 = arith.muli %scan3A_253, %mul3A_259 : i32
    %get3A_261 = arith.index_cast %mul3A_260 : i32 to index
    %get3A_262 = arith.constant 0 : index
    %get3A_263 = vector.load %arg12[%get3A_261, %get3A_262] : memref<8960x128xbf16, #tpu.memory_space<vmem>>, vector<128x128xbf16>
    %dot_general3A_264 = arith.constant dense<0.000000e+00> : vector<128x128xf32>
    %dot_general3A_265 = tpu.matmul %get3A_258, %get3A_263, %dot_general3A_264 {dimension_numbers = #tpu.dot_dimension_numbers<[1], [1], [0], [0], [0, 0, 1, 0], [], []>, transpose_lhs_hint = false} : vector<128x128xbf16>, vector<128x128xbf16>, vector<128x128xf32> -> vector<128x128xf32>
    %mul3A_266 = arith.constant 128 : i32
    %mul3A_267 = arith.muli %scan3A_253, %mul3A_266 : i32
    %swap3A_268 = arith.index_cast %mul3A_267 : i32 to index
    %swap3A_269 = arith.constant 0 : index
    %swap3A_270 = vector.load %arg15[%swap3A_268, %swap3A_269] : memref<8960x128xf32, #tpu.memory_space<vmem>>, vector<128x128xf32>
    tpu.vector_store %arg15[%swap3A_268, %swap3A_269], %dot_general3A_265 {strides = array<i32>} : memref<8960x128xf32, #tpu.memory_space<vmem>>, vector<128x128xf32>,
    %scan3A_271 = arith.constant 13 : i32
    %mul3A_272 = arith.constant 128 : i32
    %mul3A_273 = arith.muli %scan3A_271, %mul3A_272 : i32
    %get3A_274 = arith.index_cast %mul3A_273 : i32 to index
    %get3A_275 = arith.constant 0 : index
    %get3A_276 = vector.load %arg11[%get3A_274, %get3A_275] : memref<8960x128xbf16, #tpu.memory_space<vmem>>, vector<128x128xbf16>
    %mul3A_277 = arith.constant 128 : i32
    %mul3A_278 = arith.muli %scan3A_271, %mul3A_277 : i32
    %get3A_279 = arith.index_cast %mul3A_278 : i32 to index
    %get3A_280 = arith.constant 0 : index
    %get3A_281 = vector.load %arg12[%get3A_279, %get3A_280] : memref<8960x128xbf16, #tpu.memory_space<vmem>>, vector<128x128xbf16>
    %dot_general3A_282 = arith.constant dense<0.000000e+00> : vector<128x128xf32>
    %dot_general3A_283 = tpu.matmul %get3A_276, %get3A_281, %dot_general3A_282 {dimension_numbers = #tpu.dot_dimension_numbers<[1], [1], [0], [0], [0, 0, 1, 0], [], []>, transpose_lhs_hint = false} : vector<128x128xbf16>, vector<128x128xbf16>, vector<128x128xf32> -> vector<128x128xf32>
    %mul3A_284 = arith.constant 128 : i32
    %mul3A_285 = arith.muli %scan3A_271, %mul3A_284 : i32
    %swap3A_286 = arith.index_cast %mul3A_285 : i32 to index
    %swap3A_287 = arith.constant 0 : index
    %swap3A_288 = vector.load %arg15[%swap3A_286, %swap3A_287] : memref<8960x128xf32, #tpu.memory_space<vmem>>, vector<128x128xf32>
    tpu.vector_store %arg15[%swap3A_286, %swap3A_287], %dot_general3A_283 {strides = array<i32>} : memref<8960x128xf32, #tpu.memory_space<vmem>>, vector<128x128xf32>,
    %scan3A_289 = arith.constant 14 : i32
    %mul3A_290 = arith.constant 128 : i32
    %mul3A_291 = arith.muli %scan3A_289, %mul3A_290 : i32
    %get3A_292 = arith.index_cast %mul3A_291 : i32 to index
    %get3A_293 = arith.constant 0 : index
    %get3A_294 = vector.load %arg11[%get3A_292, %get3A_293] : memref<8960x128xbf16, #tpu.memory_space<vmem>>, vector<128x128xbf16>
    %mul3A_295 = arith.constant 128 : i32
    %mul3A_296 = arith.muli %scan3A_289, %mul3A_295 : i32
    %get3A_297 = arith.index_cast %mul3A_296 : i32 to index
    %get3A_298 = arith.constant 0 : index
    %get3A_299 = vector.load %arg12[%get3A_297, %get3A_298] : memref<8960x128xbf16, #tpu.memory_space<vmem>>, vector<128x128xbf16>
    %dot_general3A_300 = arith.constant dense<0.000000e+00> : vector<128x128xf32>
    %dot_general3A_301 = tpu.matmul %get3A_294, %get3A_299, %dot_general3A_300 {dimension_numbers = #tpu.dot_dimension_numbers<[1], [1], [0], [0], [0, 0, 1, 0], [], []>, transpose_lhs_hint = false} : vector<128x128xbf16>, vector<128x128xbf16>, vector<128x128xf32> -> vector<128x128xf32>
    %mul3A_302 = arith.constant 128 : i32
    %mul3A_303 = arith.muli %scan3A_289, %mul3A_302 : i32
    %swap3A_304 = arith.index_cast %mul3A_303 : i32 to index
    %swap3A_305 = arith.constant 0 : index
    %swap3A_306 = vector.load %arg15[%swap3A_304, %swap3A_305] : memref<8960x128xf32, #tpu.memory_space<vmem>>, vector<128x128xf32>
    tpu.vector_store %arg15[%swap3A_304, %swap3A_305], %dot_general3A_301 {strides = array<i32>} : memref<8960x128xf32, #tpu.memory_space<vmem>>, vector<128x128xf32>,
    %scan3A_307 = arith.constant 15 : i32
    %mul3A_308 = arith.constant 128 : i32
    %mul3A_309 = arith.muli %scan3A_307, %mul3A_308 : i32
    %get3A_310 = arith.index_cast %mul3A_309 : i32 to index
    %get3A_311 = arith.constant 0 : index
    %get3A_312 = vector.load %arg11[%get3A_310, %get3A_311] : memref<8960x128xbf16, #tpu.memory_space<vmem>>, vector<128x128xbf16>
    %mul3A_313 = arith.constant 128 : i32
    %mul3A_314 = arith.muli %scan3A_307, %mul3A_313 : i32
    %get3A_315 = arith.index_cast %mul3A_314 : i32 to index
    %get3A_316 = arith.constant 0 : index
    %get3A_317 = vector.load %arg12[%get3A_315, %get3A_316] : memref<8960x128xbf16, #tpu.memory_space<vmem>>, vector<128x128xbf16>
    %dot_general3A_318 = arith.constant dense<0.000000e+00> : vector<128x128xf32>
    %dot_general3A_319 = tpu.matmul %get3A_312, %get3A_317, %dot_general3A_318 {dimension_numbers = #tpu.dot_dimension_numbers<[1], [1], [0], [0], [0, 0, 1, 0], [], []>, transpose_lhs_hint = false} : vector<128x128xbf16>, vector<128x128xbf16>, vector<128x128xf32> -> vector<128x128xf32>
    %mul3A_320 = arith.constant 128 : i32
    %mul3A_321 = arith.muli %scan3A_307, %mul3A_320 : i32
    %swap3A_322 = arith.index_cast %mul3A_321 : i32 to index
    %swap3A_323 = arith.constant 0 : index
    %swap3A_324 = vector.load %arg15[%swap3A_322, %swap3A_323] : memref<8960x128xf32, #tpu.memory_space<vmem>>, vector<128x128xf32>
    tpu.vector_store %arg15[%swap3A_322, %swap3A_323], %dot_general3A_319 {strides = array<i32>} : memref<8960x128xf32, #tpu.memory_space<vmem>>, vector<128x128xf32>,
    %scan3A_325 = arith.constant 16 : i32
    %mul3A_326 = arith.constant 128 : i32
    %mul3A_327 = arith.muli %scan3A_325, %mul3A_326 : i32
    %get3A_328 = arith.index_cast %mul3A_327 : i32 to index
    %get3A_329 = arith.constant 0 : index
    %get3A_330 = vector.load %arg11[%get3A_328, %get3A_329] : memref<8960x128xbf16, #tpu.memory_space<vmem>>, vector<128x128xbf16>
    %mul3A_331 = arith.constant 128 : i32
    %mul3A_332 = arith.muli %scan3A_325, %mul3A_331 : i32
    %get3A_333 = arith.index_cast %mul3A_332 : i32 to index
    %get3A_334 = arith.constant 0 : index
    %get3A_335 = vector.load %arg12[%get3A_333, %get3A_334] : memref<8960x128xbf16, #tpu.memory_space<vmem>>, vector<128x128xbf16>
    %dot_general3A_336 = arith.constant dense<0.000000e+00> : vector<128x128xf32>
    %dot_general3A_337 = tpu.matmul %get3A_330, %get3A_335, %dot_general3A_336 {dimension_numbers = #tpu.dot_dimension_numbers<[1], [1], [0], [0], [0, 0, 1, 0], [], []>, transpose_lhs_hint = false} : vector<128x128xbf16>, vector<128x128xbf16>, vector<128x128xf32> -> vector<128x128xf32>
    %mul3A_338 = arith.constant 128 : i32
    %mul3A_339 = arith.muli %scan3A_325, %mul3A_338 : i32
    %swap3A_340 = arith.index_cast %mul3A_339 : i32 to index
    %swap3A_341 = arith.constant 0 : index
    %swap3A_342 = vector.load %arg15[%swap3A_340, %swap3A_341] : memref<8960x128xf32, #tpu.memory_space<vmem>>, vector<128x128xf32>
    tpu.vector_store %arg15[%swap3A_340, %swap3A_341], %dot_general3A_337 {strides = array<i32>} : memref<8960x128xf32, #tpu.memory_space<vmem>>, vector<128x128xf32>,
    %scan3A_343 = arith.constant 17 : i32
    %mul3A_344 = arith.constant 128 : i32
    %mul3A_345 = arith.muli %scan3A_343, %mul3A_344 : i32
    %get3A_346 = arith.index_cast %mul3A_345 : i32 to index
    %get3A_347 = arith.constant 0 : index
    %get3A_348 = vector.load %arg11[%get3A_346, %get3A_347] : memref<8960x128xbf16, #tpu.memory_space<vmem>>, vector<128x128xbf16>
    %mul3A_349 = arith.constant 128 : i32
    %mul3A_350 = arith.muli %scan3A_343, %mul3A_349 : i32
    %get3A_351 = arith.index_cast %mul3A_350 : i32 to index
    %get3A_352 = arith.constant 0 : index
    %get3A_353 = vector.load %arg12[%get3A_351, %get3A_352] : memref<8960x128xbf16, #tpu.memory_space<vmem>>, vector<128x128xbf16>
    %dot_general3A_354 = arith.constant dense<0.000000e+00> : vector<128x128xf32>
    %dot_general3A_355 = tpu.matmul %get3A_348, %get3A_353, %dot_general3A_354 {dimension_numbers = #tpu.dot_dimension_numbers<[1], [1], [0], [0], [0, 0, 1, 0], [], []>, transpose_lhs_hint = false} : vector<128x128xbf16>, vector<128x128xbf16>, vector<128x128xf32> -> vector<128x128xf32>
    %mul3A_356 = arith.constant 128 : i32
    %mul3A_357 = arith.muli %scan3A_343, %mul3A_356 : i32
    %swap3A_358 = arith.index_cast %mul3A_357 : i32 to index
    %swap3A_359 = arith.constant 0 : index
    %swap3A_360 = vector.load %arg15[%swap3A_358, %swap3A_359] : memref<8960x128xf32, #tpu.memory_space<vmem>>, vector<128x128xf32>
    tpu.vector_store %arg15[%swap3A_358, %swap3A_359], %dot_general3A_355 {strides = array<i32>} : memref<8960x128xf32, #tpu.memory_space<vmem>>, vector<128x128xf32>,
    %scan3A_361 = arith.constant 18 : i32
    %mul3A_362 = arith.constant 128 : i32
    %mul3A_363 = arith.muli %scan3A_361, %mul3A_362 : i32
    %get3A_364 = arith.index_cast %mul3A_363 : i32 to index
    %get3A_365 = arith.constant 0 : index
    %get3A_366 = vector.load %arg11[%get3A_364, %get3A_365] : memref<8960x128xbf16, #tpu.memory_space<vmem>>, vector<128x128xbf16>
    %mul3A_367 = arith.constant 128 : i32
    %mul3A_368 = arith.muli %scan3A_361, %mul3A_367 : i32
    %get3A_369 = arith.index_cast %mul3A_368 : i32 to index
    %get3A_370 = arith.constant 0 : index
    %get3A_371 = vector.load %arg12[%get3A_369, %get3A_370] : memref<8960x128xbf16, #tpu.memory_space<vmem>>, vector<128x128xbf16>
    %dot_general3A_372 = arith.constant dense<0.000000e+00> : vector<128x128xf32>
    %dot_general3A_373 = tpu.matmul %get3A_366, %get3A_371, %dot_general3A_372 {dimension_numbers = #tpu.dot_dimension_numbers<[1], [1], [0], [0], [0, 0, 1, 0], [], []>, transpose_lhs_hint = false} : vector<128x128xbf16>, vector<128x128xbf16>, vector<128x128xf32> -> vector<128x128xf32>
    %mul3A_374 = arith.constant 128 : i32
    %mul3A_375 = arith.muli %scan3A_361, %mul3A_374 : i32
    %swap3A_376 = arith.index_cast %mul3A_375 : i32 to index
    %swap3A_377 = arith.constant 0 : index
    %swap3A_378 = vector.load %arg15[%swap3A_376, %swap3A_377] : memref<8960x128xf32, #tpu.memory_space<vmem>>, vector<128x128xf32>
    tpu.vector_store %arg15[%swap3A_376, %swap3A_377], %dot_general3A_373 {strides = array<i32>} : memref<8960x128xf32, #tpu.memory_space<vmem>>, vector<128x128xf32>,
    %scan3A_379 = arith.constant 19 : i32
    %mul3A_380 = arith.constant 128 : i32
    %mul3A_381 = arith.muli %scan3A_379, %mul3A_380 : i32
    %get3A_382 = arith.index_cast %mul3A_381 : i32 to index
    %get3A_383 = arith.constant 0 : index
    %get3A_384 = vector.load %arg11[%get3A_382, %get3A_383] : memref<8960x128xbf16, #tpu.memory_space<vmem>>, vector<128x128xbf16>
    %mul3A_385 = arith.constant 128 : i32
    %mul3A_386 = arith.muli %scan3A_379, %mul3A_385 : i32
    %get3A_387 = arith.index_cast %mul3A_386 : i32 to index
    %get3A_388 = arith.constant 0 : index
    %get3A_389 = vector.load %arg12[%get3A_387, %get3A_388] : memref<8960x128xbf16, #tpu.memory_space<vmem>>, vector<128x128xbf16>
    %dot_general3A_390 = arith.constant dense<0.000000e+00> : vector<128x128xf32>
    %dot_general3A_391 = tpu.matmul %get3A_384, %get3A_389, %dot_general3A_390 {dimension_numbers = #tpu.dot_dimension_numbers<[1], [1], [0], [0], [0, 0, 1, 0], [], []>, transpose_lhs_hint = false} : vector<128x128xbf16>, vector<128x128xbf16>, vector<128x128xf32> -> vector<128x128xf32>
    %mul3A_392 = arith.constant 128 : i32
    %mul3A_393 = arith.muli %scan3A_379, %mul3A_392 : i32
    %swap3A_394 = arith.index_cast %mul3A_393 : i32 to index
    %swap3A_395 = arith.constant 0 : index
    %swap3A_396 = vector.load %arg15[%swap3A_394, %swap3A_395] : memref<8960x128xf32, #tpu.memory_space<vmem>>, vector<128x128xf32>
    tpu.vector_store %arg15[%swap3A_394, %swap3A_395], %dot_general3A_391 {strides = array<i32>} : memref<8960x128xf32, #tpu.memory_space<vmem>>, vector<128x128xf32>,
    %scan3A_397 = arith.constant 20 : i32
    %mul3A_398 = arith.constant 128 : i32
    %mul3A_399 = arith.muli %scan3A_397, %mul3A_398 : i32
    %get3A_400 = arith.index_cast %mul3A_399 : i32 to index
    %get3A_401 = arith.constant 0 : index
    %get3A_402 = vector.load %arg11[%get3A_400, %get3A_401] : memref<8960x128xbf16, #tpu.memory_space<vmem>>, vector<128x128xbf16>
    %mul3A_403 = arith.constant 128 : i32
    %mul3A_404 = arith.muli %scan3A_397, %mul3A_403 : i32
    %get3A_405 = arith.index_cast %mul3A_404 : i32 to index
    %get3A_406 = arith.constant 0 : index
    %get3A_407 = vector.load %arg12[%get3A_405, %get3A_406] : memref<8960x128xbf16, #tpu.memory_space<vmem>>, vector<128x128xbf16>
    %dot_general3A_408 = arith.constant dense<0.000000e+00> : vector<128x128xf32>
    %dot_general3A_409 = tpu.matmul %get3A_402, %get3A_407, %dot_general3A_408 {dimension_numbers = #tpu.dot_dimension_numbers<[1], [1], [0], [0], [0, 0, 1, 0], [], []>, transpose_lhs_hint = false} : vector<128x128xbf16>, vector<128x128xbf16>, vector<128x128xf32> -> vector<128x128xf32>
    %mul3A_410 = arith.constant 128 : i32
    %mul3A_411 = arith.muli %scan3A_397, %mul3A_410 : i32
    %swap3A_412 = arith.index_cast %mul3A_411 : i32 to index
    %swap3A_413 = arith.constant 0 : index
    %swap3A_414 = vector.load %arg15[%swap3A_412, %swap3A_413] : memref<8960x128xf32, #tpu.memory_space<vmem>>, vector<128x128xf32>
    tpu.vector_store %arg15[%swap3A_412, %swap3A_413], %dot_general3A_409 {strides = array<i32>} : memref<8960x128xf32, #tpu.memory_space<vmem>>, vector<128x128xf32>,
    %scan3A_415 = arith.constant 21 : i32
    %mul3A_416 = arith.constant 128 : i32
    %mul3A_417 = arith.muli %scan3A_415, %mul3A_416 : i32
    %get3A_418 = arith.index_cast %mul3A_417 : i32 to index
    %get3A_419 = arith.constant 0 : index
    %get3A_420 = vector.load %arg11[%get3A_418, %get3A_419] : memref<8960x128xbf16, #tpu.memory_space<vmem>>, vector<128x128xbf16>
    %mul3A_421 = arith.constant 128 : i32
    %mul3A_422 = arith.muli %scan3A_415, %mul3A_421 : i32
    %get3A_423 = arith.index_cast %mul3A_422 : i32 to index
    %get3A_424 = arith.constant 0 : index
    %get3A_425 = vector.load %arg12[%get3A_423, %get3A_424] : memref<8960x128xbf16, #tpu.memory_space<vmem>>, vector<128x128xbf16>
    %dot_general3A_426 = arith.constant dense<0.000000e+00> : vector<128x128xf32>
    %dot_general3A_427 = tpu.matmul %get3A_420, %get3A_425, %dot_general3A_426 {dimension_numbers = #tpu.dot_dimension_numbers<[1], [1], [0], [0], [0, 0, 1, 0], [], []>, transpose_lhs_hint = false} : vector<128x128xbf16>, vector<128x128xbf16>, vector<128x128xf32> -> vector<128x128xf32>
    %mul3A_428 = arith.constant 128 : i32
    %mul3A_429 = arith.muli %scan3A_415, %mul3A_428 : i32
    %swap3A_430 = arith.index_cast %mul3A_429 : i32 to index
    %swap3A_431 = arith.constant 0 : index
    %swap3A_432 = vector.load %arg15[%swap3A_430, %swap3A_431] : memref<8960x128xf32, #tpu.memory_space<vmem>>, vector<128x128xf32>
    tpu.vector_store %arg15[%swap3A_430, %swap3A_431], %dot_general3A_427 {strides = array<i32>} : memref<8960x128xf32, #tpu.memory_space<vmem>>, vector<128x128xf32>,
    %scan3A_433 = arith.constant 22 : i32
    %mul3A_434 = arith.constant 128 : i32
    %mul3A_435 = arith.muli %scan3A_433, %mul3A_434 : i32
    %get3A_436 = arith.index_cast %mul3A_435 : i32 to index
    %get3A_437 = arith.constant 0 : index
    %get3A_438 = vector.load %arg11[%get3A_436, %get3A_437] : memref<8960x128xbf16, #tpu.memory_space<vmem>>, vector<128x128xbf16>
    %mul3A_439 = arith.constant 128 : i32
    %mul3A_440 = arith.muli %scan3A_433, %mul3A_439 : i32
    %get3A_441 = arith.index_cast %mul3A_440 : i32 to index
    %get3A_442 = arith.constant 0 : index
    %get3A_443 = vector.load %arg12[%get3A_441, %get3A_442] : memref<8960x128xbf16, #tpu.memory_space<vmem>>, vector<128x128xbf16>
    %dot_general3A_444 = arith.constant dense<0.000000e+00> : vector<128x128xf32>
    %dot_general3A_445 = tpu.matmul %get3A_438, %get3A_443, %dot_general3A_444 {dimension_numbers = #tpu.dot_dimension_numbers<[1], [1], [0], [0], [0, 0, 1, 0], [], []>, transpose_lhs_hint = false} : vector<128x128xbf16>, vector<128x128xbf16>, vector<128x128xf32> -> vector<128x128xf32>
    %mul3A_446 = arith.constant 128 : i32
    %mul3A_447 = arith.muli %scan3A_433, %mul3A_446 : i32
    %swap3A_448 = arith.index_cast %mul3A_447 : i32 to index
    %swap3A_449 = arith.constant 0 : index
    %swap3A_450 = vector.load %arg15[%swap3A_448, %swap3A_449] : memref<8960x128xf32, #tpu.memory_space<vmem>>, vector<128x128xf32>
    tpu.vector_store %arg15[%swap3A_448, %swap3A_449], %dot_general3A_445 {strides = array<i32>} : memref<8960x128xf32, #tpu.memory_space<vmem>>, vector<128x128xf32>,
    %scan3A_451 = arith.constant 23 : i32
    %mul3A_452 = arith.constant 128 : i32
    %mul3A_453 = arith.muli %scan3A_451, %mul3A_452 : i32
    %get3A_454 = arith.index_cast %mul3A_453 : i32 to index
    %get3A_455 = arith.constant 0 : index
    %get3A_456 = vector.load %arg11[%get3A_454, %get3A_455] : memref<8960x128xbf16, #tpu.memory_space<vmem>>, vector<128x128xbf16>
    %mul3A_457 = arith.constant 128 : i32
    %mul3A_458 = arith.muli %scan3A_451, %mul3A_457 : i32
    %get3A_459 = arith.index_cast %mul3A_458 : i32 to index
    %get3A_460 = arith.constant 0 : index
    %get3A_461 = vector.load %arg12[%get3A_459, %get3A_460] : memref<8960x128xbf16, #tpu.memory_space<vmem>>, vector<128x128xbf16>
    %dot_general3A_462 = arith.constant dense<0.000000e+00> : vector<128x128xf32>
    %dot_general3A_463 = tpu.matmul %get3A_456, %get3A_461, %dot_general3A_462 {dimension_numbers = #tpu.dot_dimension_numbers<[1], [1], [0], [0], [0, 0, 1, 0], [], []>, transpose_lhs_hint = false} : vector<128x128xbf16>, vector<128x128xbf16>, vector<128x128xf32> -> vector<128x128xf32>
    %mul3A_464 = arith.constant 128 : i32
    %mul3A_465 = arith.muli %scan3A_451, %mul3A_464 : i32
    %swap3A_466 = arith.index_cast %mul3A_465 : i32 to index
    %swap3A_467 = arith.constant 0 : index
    %swap3A_468 = vector.load %arg15[%swap3A_466, %swap3A_467] : memref<8960x128xf32, #tpu.memory_space<vmem>>, vector<128x128xf32>
    tpu.vector_store %arg15[%swap3A_466, %swap3A_467], %dot_general3A_463 {strides = array<i32>} : memref<8960x128xf32, #tpu.memory_space<vmem>>, vector<128x128xf32>,
    %scan3A_469 = arith.constant 24 : i32
    %mul3A_470 = arith.constant 128 : i32
    %mul3A_471 = arith.muli %scan3A_469, %mul3A_470 : i32
    %get3A_472 = arith.index_cast %mul3A_471 : i32 to index
    %get3A_473 = arith.constant 0 : index
    %get3A_474 = vector.load %arg11[%get3A_472, %get3A_473] : memref<8960x128xbf16, #tpu.memory_space<vmem>>, vector<128x128xbf16>
    %mul3A_475 = arith.constant 128 : i32
    %mul3A_476 = arith.muli %scan3A_469, %mul3A_475 : i32
    %get3A_477 = arith.index_cast %mul3A_476 : i32 to index
    %get3A_478 = arith.constant 0 : index
    %get3A_479 = vector.load %arg12[%get3A_477, %get3A_478] : memref<8960x128xbf16, #tpu.memory_space<vmem>>, vector<128x128xbf16>
    %dot_general3A_480 = arith.constant dense<0.000000e+00> : vector<128x128xf32>
    %dot_general3A_481 = tpu.matmul %get3A_474, %get3A_479, %dot_general3A_480 {dimension_numbers = #tpu.dot_dimension_numbers<[1], [1], [0], [0], [0, 0, 1, 0], [], []>, transpose_lhs_hint = false} : vector<128x128xbf16>, vector<128x128xbf16>, vector<128x128xf32> -> vector<128x128xf32>
    %mul3A_482 = arith.constant 128 : i32
    %mul3A_483 = arith.muli %scan3A_469, %mul3A_482 : i32
    %swap3A_484 = arith.index_cast %mul3A_483 : i32 to index
    %swap3A_485 = arith.constant 0 : index
    %swap3A_486 = vector.load %arg15[%swap3A_484, %swap3A_485] : memref<8960x128xf32, #tpu.memory_space<vmem>>, vector<128x128xf32>
    tpu.vector_store %arg15[%swap3A_484, %swap3A_485], %dot_general3A_481 {strides = array<i32>} : memref<8960x128xf32, #tpu.memory_space<vmem>>, vector<128x128xf32>,
    %scan3A_487 = arith.constant 25 : i32
    %mul3A_488 = arith.constant 128 : i32
    %mul3A_489 = arith.muli %scan3A_487, %mul3A_488 : i32
    %get3A_490 = arith.index_cast %mul3A_489 : i32 to index
    %get3A_491 = arith.constant 0 : index
    %get3A_492 = vector.load %arg11[%get3A_490, %get3A_491] : memref<8960x128xbf16, #tpu.memory_space<vmem>>, vector<128x128xbf16>
    %mul3A_493 = arith.constant 128 : i32
    %mul3A_494 = arith.muli %scan3A_487, %mul3A_493 : i32
    %get3A_495 = arith.index_cast %mul3A_494 : i32 to index
    %get3A_496 = arith.constant 0 : index
    %get3A_497 = vector.load %arg12[%get3A_495, %get3A_496] : memref<8960x128xbf16, #tpu.memory_space<vmem>>, vector<128x128xbf16>
    %dot_general3A_498 = arith.constant dense<0.000000e+00> : vector<128x128xf32>
    %dot_general3A_499 = tpu.matmul %get3A_492, %get3A_497, %dot_general3A_498 {dimension_numbers = #tpu.dot_dimension_numbers<[1], [1], [0], [0], [0, 0, 1, 0], [], []>, transpose_lhs_hint = false} : vector<128x128xbf16>, vector<128x128xbf16>, vector<128x128xf32> -> vector<128x128xf32>
    %mul3A_500 = arith.constant 128 : i32
    %mul3A_501 = arith.muli %scan3A_487, %mul3A_500 : i32
    %swap3A_502 = arith.index_cast %mul3A_501 : i32 to index
    %swap3A_503 = arith.constant 0 : index
    %swap3A_504 = vector.load %arg15[%swap3A_502, %swap3A_503] : memref<8960x128xf32, #tpu.memory_space<vmem>>, vector<128x128xf32>
    tpu.vector_store %arg15[%swap3A_502, %swap3A_503], %dot_general3A_499 {strides = array<i32>} : memref<8960x128xf32, #tpu.memory_space<vmem>>, vector<128x128xf32>,
    %scan3A_505 = arith.constant 26 : i32
    %mul3A_506 = arith.constant 128 : i32
    %mul3A_507 = arith.muli %scan3A_505, %mul3A_506 : i32
    %get3A_508 = arith.index_cast %mul3A_507 : i32 to index
    %get3A_509 = arith.constant 0 : index
    %get3A_510 = vector.load %arg11[%get3A_508, %get3A_509] : memref<8960x128xbf16, #tpu.memory_space<vmem>>, vector<128x128xbf16>
    %mul3A_511 = arith.constant 128 : i32
    %mul3A_512 = arith.muli %scan3A_505, %mul3A_511 : i32
    %get3A_513 = arith.index_cast %mul3A_512 : i32 to index
    %get3A_514 = arith.constant 0 : index
    %get3A_515 = vector.load %arg12[%get3A_513, %get3A_514] : memref<8960x128xbf16, #tpu.memory_space<vmem>>, vector<128x128xbf16>
    %dot_general3A_516 = arith.constant dense<0.000000e+00> : vector<128x128xf32>
    %dot_general3A_517 = tpu.matmul %get3A_510, %get3A_515, %dot_general3A_516 {dimension_numbers = #tpu.dot_dimension_numbers<[1], [1], [0], [0], [0, 0, 1, 0], [], []>, transpose_lhs_hint = false} : vector<128x128xbf16>, vector<128x128xbf16>, vector<128x128xf32> -> vector<128x128xf32>
    %mul3A_518 = arith.constant 128 : i32
    %mul3A_519 = arith.muli %scan3A_505, %mul3A_518 : i32
    %swap3A_520 = arith.index_cast %mul3A_519 : i32 to index
    %swap3A_521 = arith.constant 0 : index
    %swap3A_522 = vector.load %arg15[%swap3A_520, %swap3A_521] : memref<8960x128xf32, #tpu.memory_space<vmem>>, vector<128x128xf32>
    tpu.vector_store %arg15[%swap3A_520, %swap3A_521], %dot_general3A_517 {strides = array<i32>} : memref<8960x128xf32, #tpu.memory_space<vmem>>, vector<128x128xf32>,
    %scan3A_523 = arith.constant 27 : i32
    %mul3A_524 = arith.constant 128 : i32
    %mul3A_525 = arith.muli %scan3A_523, %mul3A_524 : i32
    %get3A_526 = arith.index_cast %mul3A_525 : i32 to index
    %get3A_527 = arith.constant 0 : index
    %get3A_528 = vector.load %arg11[%get3A_526, %get3A_527] : memref<8960x128xbf16, #tpu.memory_space<vmem>>, vector<128x128xbf16>
    %mul3A_529 = arith.constant 128 : i32
    %mul3A_530 = arith.muli %scan3A_523, %mul3A_529 : i32
    %get3A_531 = arith.index_cast %mul3A_530 : i32 to index
    %get3A_532 = arith.constant 0 : index
    %get3A_533 = vector.load %arg12[%get3A_531, %get3A_532] : memref<8960x128xbf16, #tpu.memory_space<vmem>>, vector<128x128xbf16>
    %dot_general3A_534 = arith.constant dense<0.000000e+00> : vector<128x128xf32>
    %dot_general3A_535 = tpu.matmul %get3A_528, %get3A_533, %dot_general3A_534 {dimension_numbers = #tpu.dot_dimension_numbers<[1], [1], [0], [0], [0, 0, 1, 0], [], []>, transpose_lhs_hint = false} : vector<128x128xbf16>, vector<128x128xbf16>, vector<128x128xf32> -> vector<128x128xf32>
    %mul3A_536 = arith.constant 128 : i32
    %mul3A_537 = arith.muli %scan3A_523, %mul3A_536 : i32
    %swap3A_538 = arith.index_cast %mul3A_537 : i32 to index
    %swap3A_539 = arith.constant 0 : index
    %swap3A_540 = vector.load %arg15[%swap3A_538, %swap3A_539] : memref<8960x128xf32, #tpu.memory_space<vmem>>, vector<128x128xf32>
    tpu.vector_store %arg15[%swap3A_538, %swap3A_539], %dot_general3A_535 {strides = array<i32>} : memref<8960x128xf32, #tpu.memory_space<vmem>>, vector<128x128xf32>,
    %scan3A_541 = arith.constant 28 : i32
    %mul3A_542 = arith.constant 128 : i32
    %mul3A_543 = arith.muli %scan3A_541, %mul3A_542 : i32
    %get3A_544 = arith.index_cast %mul3A_543 : i32 to index
    %get3A_545 = arith.constant 0 : index
    %get3A_546 = vector.load %arg11[%get3A_544, %get3A_545] : memref<8960x128xbf16, #tpu.memory_space<vmem>>, vector<128x128xbf16>
    %mul3A_547 = arith.constant 128 : i32
    %mul3A_548 = arith.muli %scan3A_541, %mul3A_547 : i32
    %get3A_549 = arith.index_cast %mul3A_548 : i32 to index
    %get3A_550 = arith.constant 0 : index
    %get3A_551 = vector.load %arg12[%get3A_549, %get3A_550] : memref<8960x128xbf16, #tpu.memory_space<vmem>>, vector<128x128xbf16>
    %dot_general3A_552 = arith.constant dense<0.000000e+00> : vector<128x128xf32>
    %dot_general3A_553 = tpu.matmul %get3A_546, %get3A_551, %dot_general3A_552 {dimension_numbers = #tpu.dot_dimension_numbers<[1], [1], [0], [0], [0, 0, 1, 0], [], []>, transpose_lhs_hint = false} : vector<128x128xbf16>, vector<128x128xbf16>, vector<128x128xf32> -> vector<128x128xf32>
    %mul3A_554 = arith.constant 128 : i32
    %mul3A_555 = arith.muli %scan3A_541, %mul3A_554 : i32
    %swap3A_556 = arith.index_cast %mul3A_555 : i32 to index
    %swap3A_557 = arith.constant 0 : index
    %swap3A_558 = vector.load %arg15[%swap3A_556, %swap3A_557] : memref<8960x128xf32, #tpu.memory_space<vmem>>, vector<128x128xf32>
    tpu.vector_store %arg15[%swap3A_556, %swap3A_557], %dot_general3A_553 {strides = array<i32>} : memref<8960x128xf32, #tpu.memory_space<vmem>>, vector<128x128xf32>,
    %scan3A_559 = arith.constant 29 : i32
    %mul3A_560 = arith.constant 128 : i32
    %mul3A_561 = arith.muli %scan3A_559, %mul3A_560 : i32
    %get3A_562 = arith.index_cast %mul3A_561 : i32 to index
    %get3A_563 = arith.constant 0 : index
    %get3A_564 = vector.load %arg11[%get3A_562, %get3A_563] : memref<8960x128xbf16, #tpu.memory_space<vmem>>, vector<128x128xbf16>
    %mul3A_565 = arith.constant 128 : i32
    %mul3A_566 = arith.muli %scan3A_559, %mul3A_565 : i32
    %get3A_567 = arith.index_cast %mul3A_566 : i32 to index
    %get3A_568 = arith.constant 0 : index
    %get3A_569 = vector.load %arg12[%get3A_567, %get3A_568] : memref<8960x128xbf16, #tpu.memory_space<vmem>>, vector<128x128xbf16>
    %dot_general3A_570 = arith.constant dense<0.000000e+00> : vector<128x128xf32>
    %dot_general3A_571 = tpu.matmul %get3A_564, %get3A_569, %dot_general3A_570 {dimension_numbers = #tpu.dot_dimension_numbers<[1], [1], [0], [0], [0, 0, 1, 0], [], []>, transpose_lhs_hint = false} : vector<128x128xbf16>, vector<128x128xbf16>, vector<128x128xf32> -> vector<128x128xf32>
    %mul3A_572 = arith.constant 128 : i32
    %mul3A_573 = arith.muli %scan3A_559, %mul3A_572 : i32
    %swap3A_574 = arith.index_cast %mul3A_573 : i32 to index
    %swap3A_575 = arith.constant 0 : index
    %swap3A_576 = vector.load %arg15[%swap3A_574, %swap3A_575] : memref<8960x128xf32, #tpu.memory_space<vmem>>, vector<128x128xf32>
    tpu.vector_store %arg15[%swap3A_574, %swap3A_575], %dot_general3A_571 {strides = array<i32>} : memref<8960x128xf32, #tpu.memory_space<vmem>>, vector<128x128xf32>,
    %scan3A_577 = arith.constant 30 : i32
    %mul3A_578 = arith.constant 128 : i32
    %mul3A_579 = arith.muli %scan3A_577, %mul3A_578 : i32
    %get3A_580 = arith.index_cast %mul3A_579 : i32 to index
    %get3A_581 = arith.constant 0 : index
    %get3A_582 = vector.load %arg11[%get3A_580, %get3A_581] : memref<8960x128xbf16, #tpu.memory_space<vmem>>, vector<128x128xbf16>
    %mul3A_583 = arith.constant 128 : i32
    %mul3A_584 = arith.muli %scan3A_577, %mul3A_583 : i32
    %get3A_585 = arith.index_cast %mul3A_584 : i32 to index
    %get3A_586 = arith.constant 0 : index
    %get3A_587 = vector.load %arg12[%get3A_585, %get3A_586] : memref<8960x128xbf16, #tpu.memory_space<vmem>>, vector<128x128xbf16>
    %dot_general3A_588 = arith.constant dense<0.000000e+00> : vector<128x128xf32>
    %dot_general3A_589 = tpu.matmul %get3A_582, %get3A_587, %dot_general3A_588 {dimension_numbers = #tpu.dot_dimension_numbers<[1], [1], [0], [0], [0, 0, 1, 0], [], []>, transpose_lhs_hint = false} : vector<128x128xbf16>, vector<128x128xbf16>, vector<128x128xf32> -> vector<128x128xf32>
    %mul3A_590 = arith.constant 128 : i32
    %mul3A_591 = arith.muli %scan3A_577, %mul3A_590 : i32
    %swap3A_592 = arith.index_cast %mul3A_591 : i32 to index
    %swap3A_593 = arith.constant 0 : index
    %swap3A_594 = vector.load %arg15[%swap3A_592, %swap3A_593] : memref<8960x128xf32, #tpu.memory_space<vmem>>, vector<128x128xf32>
    tpu.vector_store %arg15[%swap3A_592, %swap3A_593], %dot_general3A_589 {strides = array<i32>} : memref<8960x128xf32, #tpu.memory_space<vmem>>, vector<128x128xf32>,
    %scan3A_595 = arith.constant 31 : i32
    %mul3A_596 = arith.constant 128 : i32
    %mul3A_597 = arith.muli %scan3A_595, %mul3A_596 : i32
    %get3A_598 = arith.index_cast %mul3A_597 : i32 to index
    %get3A_599 = arith.constant 0 : index
    %get3A_600 = vector.load %arg11[%get3A_598, %get3A_599] : memref<8960x128xbf16, #tpu.memory_space<vmem>>, vector<128x128xbf16>
    %mul3A_601 = arith.constant 128 : i32
    %mul3A_602 = arith.muli %scan3A_595, %mul3A_601 : i32
    %get3A_603 = arith.index_cast %mul3A_602 : i32 to index
    %get3A_604 = arith.constant 0 : index
    %get3A_605 = vector.load %arg12[%get3A_603, %get3A_604] : memref<8960x128xbf16, #tpu.memory_space<vmem>>, vector<128x128xbf16>
    %dot_general3A_606 = arith.constant dense<0.000000e+00> : vector<128x128xf32>
    %dot_general3A_607 = tpu.matmul %get3A_600, %get3A_605, %dot_general3A_606 {dimension_numbers = #tpu.dot_dimension_numbers<[1], [1], [0], [0], [0, 0, 1, 0], [], []>, transpose_lhs_hint = false} : vector<128x128xbf16>, vector<128x128xbf16>, vector<128x128xf32> -> vector<128x128xf32>
    %mul3A_608 = arith.constant 128 : i32
    %mul3A_609 = arith.muli %scan3A_595, %mul3A_608 : i32
    %swap3A_610 = arith.index_cast %mul3A_609 : i32 to index
    %swap3A_611 = arith.constant 0 : index
    %swap3A_612 = vector.load %arg15[%swap3A_610, %swap3A_611] : memref<8960x128xf32, #tpu.memory_space<vmem>>, vector<128x128xf32>
    tpu.vector_store %arg15[%swap3A_610, %swap3A_611], %dot_general3A_607 {strides = array<i32>} : memref<8960x128xf32, #tpu.memory_space<vmem>>, vector<128x128xf32>,
    %scan3A_613 = arith.constant 32 : i32
    %mul3A_614 = arith.constant 128 : i32
    %mul3A_615 = arith.muli %scan3A_613, %mul3A_614 : i32
    %get3A_616 = arith.index_cast %mul3A_615 : i32 to index
    %get3A_617 = arith.constant 0 : index
    %get3A_618 = vector.load %arg11[%get3A_616, %get3A_617] : memref<8960x128xbf16, #tpu.memory_space<vmem>>, vector<128x128xbf16>
    %mul3A_619 = arith.constant 128 : i32
    %mul3A_620 = arith.muli %scan3A_613, %mul3A_619 : i32
    %get3A_621 = arith.index_cast %mul3A_620 : i32 to index
    %get3A_622 = arith.constant 0 : index
    %get3A_623 = vector.load %arg12[%get3A_621, %get3A_622] : memref<8960x128xbf16, #tpu.memory_space<vmem>>, vector<128x128xbf16>
    %dot_general3A_624 = arith.constant dense<0.000000e+00> : vector<128x128xf32>
    %dot_general3A_625 = tpu.matmul %get3A_618, %get3A_623, %dot_general3A_624 {dimension_numbers = #tpu.dot_dimension_numbers<[1], [1], [0], [0], [0, 0, 1, 0], [], []>, transpose_lhs_hint = false} : vector<128x128xbf16>, vector<128x128xbf16>, vector<128x128xf32> -> vector<128x128xf32>
    %mul3A_626 = arith.constant 128 : i32
    %mul3A_627 = arith.muli %scan3A_613, %mul3A_626 : i32
    %swap3A_628 = arith.index_cast %mul3A_627 : i32 to index
    %swap3A_629 = arith.constant 0 : index
    %swap3A_630 = vector.load %arg15[%swap3A_628, %swap3A_629] : memref<8960x128xf32, #tpu.memory_space<vmem>>, vector<128x128xf32>
    tpu.vector_store %arg15[%swap3A_628, %swap3A_629], %dot_general3A_625 {strides = array<i32>} : memref<8960x128xf32, #tpu.memory_space<vmem>>, vector<128x128xf32>,
    %scan3A_631 = arith.constant 33 : i32
    %mul3A_632 = arith.constant 128 : i32
    %mul3A_633 = arith.muli %scan3A_631, %mul3A_632 : i32
    %get3A_634 = arith.index_cast %mul3A_633 : i32 to index
    %get3A_635 = arith.constant 0 : index
    %get3A_636 = vector.load %arg11[%get3A_634, %get3A_635] : memref<8960x128xbf16, #tpu.memory_space<vmem>>, vector<128x128xbf16>
    %mul3A_637 = arith.constant 128 : i32
    %mul3A_638 = arith.muli %scan3A_631, %mul3A_637 : i32
    %get3A_639 = arith.index_cast %mul3A_638 : i32 to index
    %get3A_640 = arith.constant 0 : index
    %get3A_641 = vector.load %arg12[%get3A_639, %get3A_640] : memref<8960x128xbf16, #tpu.memory_space<vmem>>, vector<128x128xbf16>
    %dot_general3A_642 = arith.constant dense<0.000000e+00> : vector<128x128xf32>
    %dot_general3A_643 = tpu.matmul %get3A_636, %get3A_641, %dot_general3A_642 {dimension_numbers = #tpu.dot_dimension_numbers<[1], [1], [0], [0], [0, 0, 1, 0], [], []>, transpose_lhs_hint = false} : vector<128x128xbf16>, vector<128x128xbf16>, vector<128x128xf32> -> vector<128x128xf32>
    %mul3A_644 = arith.constant 128 : i32
    %mul3A_645 = arith.muli %scan3A_631, %mul3A_644 : i32
    %swap3A_646 = arith.index_cast %mul3A_645 : i32 to index
    %swap3A_647 = arith.constant 0 : index
    %swap3A_648 = vector.load %arg15[%swap3A_646, %swap3A_647] : memref<8960x128xf32, #tpu.memory_space<vmem>>, vector<128x128xf32>
    tpu.vector_store %arg15[%swap3A_646, %swap3A_647], %dot_general3A_643 {strides = array<i32>} : memref<8960x128xf32, #tpu.memory_space<vmem>>, vector<128x128xf32>,
    %scan3A_649 = arith.constant 34 : i32
    %mul3A_650 = arith.constant 128 : i32
    %mul3A_651 = arith.muli %scan3A_649, %mul3A_650 : i32
    %get3A_652 = arith.index_cast %mul3A_651 : i32 to index
    %get3A_653 = arith.constant 0 : index
    %get3A_654 = vector.load %arg11[%get3A_652, %get3A_653] : memref<8960x128xbf16, #tpu.memory_space<vmem>>, vector<128x128xbf16>
    %mul3A_655 = arith.constant 128 : i32
    %mul3A_656 = arith.muli %scan3A_649, %mul3A_655 : i32
    %get3A_657 = arith.index_cast %mul3A_656 : i32 to index
    %get3A_658 = arith.constant 0 : index
    %get3A_659 = vector.load %arg12[%get3A_657, %get3A_658] : memref<8960x128xbf16, #tpu.memory_space<vmem>>, vector<128x128xbf16>
    %dot_general3A_660 = arith.constant dense<0.000000e+00> : vector<128x128xf32>
    %dot_general3A_661 = tpu.matmul %get3A_654, %get3A_659, %dot_general3A_660 {dimension_numbers = #tpu.dot_dimension_numbers<[1], [1], [0], [0], [0, 0, 1, 0], [], []>, transpose_lhs_hint = false} : vector<128x128xbf16>, vector<128x128xbf16>, vector<128x128xf32> -> vector<128x128xf32>
    %mul3A_662 = arith.constant 128 : i32
    %mul3A_663 = arith.muli %scan3A_649, %mul3A_662 : i32
    %swap3A_664 = arith.index_cast %mul3A_663 : i32 to index
    %swap3A_665 = arith.constant 0 : index
    %swap3A_666 = vector.load %arg15[%swap3A_664, %swap3A_665] : memref<8960x128xf32, #tpu.memory_space<vmem>>, vector<128x128xf32>
    tpu.vector_store %arg15[%swap3A_664, %swap3A_665], %dot_general3A_661 {strides = array<i32>} : memref<8960x128xf32, #tpu.memory_space<vmem>>, vector<128x128xf32>,
    %scan3A_667 = arith.constant 35 : i32
    %mul3A_668 = arith.constant 128 : i32
    %mul3A_669 = arith.muli %scan3A_667, %mul3A_668 : i32
    %get3A_670 = arith.index_cast %mul3A_669 : i32 to index
    %get3A_671 = arith.constant 0 : index
    %get3A_672 = vector.load %arg11[%get3A_670, %get3A_671] : memref<8960x128xbf16, #tpu.memory_space<vmem>>, vector<128x128xbf16>
    %mul3A_673 = arith.constant 128 : i32
    %mul3A_674 = arith.muli %scan3A_667, %mul3A_673 : i32
    %get3A_675 = arith.index_cast %mul3A_674 : i32 to index
    %get3A_676 = arith.constant 0 : index
    %get3A_677 = vector.load %arg12[%get3A_675, %get3A_676] : memref<8960x128xbf16, #tpu.memory_space<vmem>>, vector<128x128xbf16>
    %dot_general3A_678 = arith.constant dense<0.000000e+00> : vector<128x128xf32>
    %dot_general3A_679 = tpu.matmul %get3A_672, %get3A_677, %dot_general3A_678 {dimension_numbers = #tpu.dot_dimension_numbers<[1], [1], [0], [0], [0, 0, 1, 0], [], []>, transpose_lhs_hint = false} : vector<128x128xbf16>, vector<128x128xbf16>, vector<128x128xf32> -> vector<128x128xf32>
    %mul3A_680 = arith.constant 128 : i32
    %mul3A_681 = arith.muli %scan3A_667, %mul3A_680 : i32
    %swap3A_682 = arith.index_cast %mul3A_681 : i32 to index
    %swap3A_683 = arith.constant 0 : index
    %swap3A_684 = vector.load %arg15[%swap3A_682, %swap3A_683] : memref<8960x128xf32, #tpu.memory_space<vmem>>, vector<128x128xf32>
    tpu.vector_store %arg15[%swap3A_682, %swap3A_683], %dot_general3A_679 {strides = array<i32>} : memref<8960x128xf32, #tpu.memory_space<vmem>>, vector<128x128xf32>,
    %scan3A_685 = arith.constant 36 : i32
    %mul3A_686 = arith.constant 128 : i32
    %mul3A_687 = arith.muli %scan3A_685, %mul3A_686 : i32
    %get3A_688 = arith.index_cast %mul3A_687 : i32 to index
    %get3A_689 = arith.constant 0 : index
    %get3A_690 = vector.load %arg11[%get3A_688, %get3A_689] : memref<8960x128xbf16, #tpu.memory_space<vmem>>, vector<128x128xbf16>
    %mul3A_691 = arith.constant 128 : i32
    %mul3A_692 = arith.muli %scan3A_685, %mul3A_691 : i32
    %get3A_693 = arith.index_cast %mul3A_692 : i32 to index
    %get3A_694 = arith.constant 0 : index
    %get3A_695 = vector.load %arg12[%get3A_693, %get3A_694] : memref<8960x128xbf16, #tpu.memory_space<vmem>>, vector<128x128xbf16>
    %dot_general3A_696 = arith.constant dense<0.000000e+00> : vector<128x128xf32>
    %dot_general3A_697 = tpu.matmul %get3A_690, %get3A_695, %dot_general3A_696 {dimension_numbers = #tpu.dot_dimension_numbers<[1], [1], [0], [0], [0, 0, 1, 0], [], []>, transpose_lhs_hint = false} : vector<128x128xbf16>, vector<128x128xbf16>, vector<128x128xf32> -> vector<128x128xf32>
    %mul3A_698 = arith.constant 128 : i32
    %mul3A_699 = arith.muli %scan3A_685, %mul3A_698 : i32
    %swap3A_700 = arith.index_cast %mul3A_699 : i32 to index
    %swap3A_701 = arith.constant 0 : index
    %swap3A_702 = vector.load %arg15[%swap3A_700, %swap3A_701] : memref<8960x128xf32, #tpu.memory_space<vmem>>, vector<128x128xf32>
    tpu.vector_store %arg15[%swap3A_700, %swap3A_701], %dot_general3A_697 {strides = array<i32>} : memref<8960x128xf32, #tpu.memory_space<vmem>>, vector<128x128xf32>,
    %scan3A_703 = arith.constant 37 : i32
    %mul3A_704 = arith.constant 128 : i32
    %mul3A_705 = arith.muli %scan3A_703, %mul3A_704 : i32
    %get3A_706 = arith.index_cast %mul3A_705 : i32 to index
    %get3A_707 = arith.constant 0 : index
    %get3A_708 = vector.load %arg11[%get3A_706, %get3A_707] : memref<8960x128xbf16, #tpu.memory_space<vmem>>, vector<128x128xbf16>
    %mul3A_709 = arith.constant 128 : i32
    %mul3A_710 = arith.muli %scan3A_703, %mul3A_709 : i32
    %get3A_711 = arith.index_cast %mul3A_710 : i32 to index
    %get3A_712 = arith.constant 0 : index
    %get3A_713 = vector.load %arg12[%get3A_711, %get3A_712] : memref<8960x128xbf16, #tpu.memory_space<vmem>>, vector<128x128xbf16>
    %dot_general3A_714 = arith.constant dense<0.000000e+00> : vector<128x128xf32>
    %dot_general3A_715 = tpu.matmul %get3A_708, %get3A_713, %dot_general3A_714 {dimension_numbers = #tpu.dot_dimension_numbers<[1], [1], [0], [0], [0, 0, 1, 0], [], []>, transpose_lhs_hint = false} : vector<128x128xbf16>, vector<128x128xbf16>, vector<128x128xf32> -> vector<128x128xf32>
    %mul3A_716 = arith.constant 128 : i32
    %mul3A_717 = arith.muli %scan3A_703, %mul3A_716 : i32
    %swap3A_718 = arith.index_cast %mul3A_717 : i32 to index
    %swap3A_719 = arith.constant 0 : index
    %swap3A_720 = vector.load %arg15[%swap3A_718, %swap3A_719] : memref<8960x128xf32, #tpu.memory_space<vmem>>, vector<128x128xf32>
    tpu.vector_store %arg15[%swap3A_718, %swap3A_719], %dot_general3A_715 {strides = array<i32>} : memref<8960x128xf32, #tpu.memory_space<vmem>>, vector<128x128xf32>,
    %scan3A_721 = arith.constant 38 : i32
    %mul3A_722 = arith.constant 128 : i32
    %mul3A_723 = arith.muli %scan3A_721, %mul3A_722 : i32
    %get3A_724 = arith.index_cast %mul3A_723 : i32 to index
    %get3A_725 = arith.constant 0 : index
    %get3A_726 = vector.load %arg11[%get3A_724, %get3A_725] : memref<8960x128xbf16, #tpu.memory_space<vmem>>, vector<128x128xbf16>
    %mul3A_727 = arith.constant 128 : i32
    %mul3A_728 = arith.muli %scan3A_721, %mul3A_727 : i32
    %get3A_729 = arith.index_cast %mul3A_728 : i32 to index
    %get3A_730 = arith.constant 0 : index
    %get3A_731 = vector.load %arg12[%get3A_729, %get3A_730] : memref<8960x128xbf16, #tpu.memory_space<vmem>>, vector<128x128xbf16>
    %dot_general3A_732 = arith.constant dense<0.000000e+00> : vector<128x128xf32>
    %dot_general3A_733 = tpu.matmul %get3A_726, %get3A_731, %dot_general3A_732 {dimension_numbers = #tpu.dot_dimension_numbers<[1], [1], [0], [0], [0, 0, 1, 0], [], []>, transpose_lhs_hint = false} : vector<128x128xbf16>, vector<128x128xbf16>, vector<128x128xf32> -> vector<128x128xf32>
    %mul3A_734 = arith.constant 128 : i32
    %mul3A_735 = arith.muli %scan3A_721, %mul3A_734 : i32
    %swap3A_736 = arith.index_cast %mul3A_735 : i32 to index
    %swap3A_737 = arith.constant 0 : index
    %swap3A_738 = vector.load %arg15[%swap3A_736, %swap3A_737] : memref<8960x128xf32, #tpu.memory_space<vmem>>, vector<128x128xf32>
    tpu.vector_store %arg15[%swap3A_736, %swap3A_737], %dot_general3A_733 {strides = array<i32>} : memref<8960x128xf32, #tpu.memory_space<vmem>>, vector<128x128xf32>,
    %scan3A_739 = arith.constant 39 : i32
    %mul3A_740 = arith.constant 128 : i32
    %mul3A_741 = arith.muli %scan3A_739, %mul3A_740 : i32
    %get3A_742 = arith.index_cast %mul3A_741 : i32 to index
    %get3A_743 = arith.constant 0 : index
    %get3A_744 = vector.load %arg11[%get3A_742, %get3A_743] : memref<8960x128xbf16, #tpu.memory_space<vmem>>, vector<128x128xbf16>
    %mul3A_745 = arith.constant 128 : i32
    %mul3A_746 = arith.muli %scan3A_739, %mul3A_745 : i32
    %get3A_747 = arith.index_cast %mul3A_746 : i32 to index
    %get3A_748 = arith.constant 0 : index
    %get3A_749 = vector.load %arg12[%get3A_747, %get3A_748] : memref<8960x128xbf16, #tpu.memory_space<vmem>>, vector<128x128xbf16>
    %dot_general3A_750 = arith.constant dense<0.000000e+00> : vector<128x128xf32>
    %dot_general3A_751 = tpu.matmul %get3A_744, %get3A_749, %dot_general3A_750 {dimension_numbers = #tpu.dot_dimension_numbers<[1], [1], [0], [0], [0, 0, 1, 0], [], []>, transpose_lhs_hint = false} : vector<128x128xbf16>, vector<128x128xbf16>, vector<128x128xf32> -> vector<128x128xf32>
    %mul3A_752 = arith.constant 128 : i32
    %mul3A_753 = arith.muli %scan3A_739, %mul3A_752 : i32
    %swap3A_754 = arith.index_cast %mul3A_753 : i32 to index
    %swap3A_755 = arith.constant 0 : index
    %swap3A_756 = vector.load %arg15[%swap3A_754, %swap3A_755] : memref<8960x128xf32, #tpu.memory_space<vmem>>, vector<128x128xf32>
    tpu.vector_store %arg15[%swap3A_754, %swap3A_755], %dot_general3A_751 {strides = array<i32>} : memref<8960x128xf32, #tpu.memory_space<vmem>>, vector<128x128xf32>,
    %scan3A_757 = arith.constant 40 : i32
    %mul3A_758 = arith.constant 128 : i32
    %mul3A_759 = arith.muli %scan3A_757, %mul3A_758 : i32
    %get3A_760 = arith.index_cast %mul3A_759 : i32 to index
    %get3A_761 = arith.constant 0 : index
    %get3A_762 = vector.load %arg11[%get3A_760, %get3A_761] : memref<8960x128xbf16, #tpu.memory_space<vmem>>, vector<128x128xbf16>
    %mul3A_763 = arith.constant 128 : i32
    %mul3A_764 = arith.muli %scan3A_757, %mul3A_763 : i32
    %get3A_765 = arith.index_cast %mul3A_764 : i32 to index
    %get3A_766 = arith.constant 0 : index
    %get3A_767 = vector.load %arg12[%get3A_765, %get3A_766] : memref<8960x128xbf16, #tpu.memory_space<vmem>>, vector<128x128xbf16>
    %dot_general3A_768 = arith.constant dense<0.000000e+00> : vector<128x128xf32>
    %dot_general3A_769 = tpu.matmul %get3A_762, %get3A_767, %dot_general3A_768 {dimension_numbers = #tpu.dot_dimension_numbers<[1], [1], [0], [0], [0, 0, 1, 0], [], []>, transpose_lhs_hint = false} : vector<128x128xbf16>, vector<128x128xbf16>, vector<128x128xf32> -> vector<128x128xf32>
    %mul3A_770 = arith.constant 128 : i32
    %mul3A_771 = arith.muli %scan3A_757, %mul3A_770 : i32
    %swap3A_772 = arith.index_cast %mul3A_771 : i32 to index
    %swap3A_773 = arith.constant 0 : index
    %swap3A_774 = vector.load %arg15[%swap3A_772, %swap3A_773] : memref<8960x128xf32, #tpu.memory_space<vmem>>, vector<128x128xf32>
    tpu.vector_store %arg15[%swap3A_772, %swap3A_773], %dot_general3A_769 {strides = array<i32>} : memref<8960x128xf32, #tpu.memory_space<vmem>>, vector<128x128xf32>,
    %scan3A_775 = arith.constant 41 : i32
    %mul3A_776 = arith.constant 128 : i32
    %mul3A_777 = arith.muli %scan3A_775, %mul3A_776 : i32
    %get3A_778 = arith.index_cast %mul3A_777 : i32 to index
    %get3A_779 = arith.constant 0 : index
    %get3A_780 = vector.load %arg11[%get3A_778, %get3A_779] : memref<8960x128xbf16, #tpu.memory_space<vmem>>, vector<128x128xbf16>
    %mul3A_781 = arith.constant 128 : i32
    %mul3A_782 = arith.muli %scan3A_775, %mul3A_781 : i32
    %get3A_783 = arith.index_cast %mul3A_782 : i32 to index
    %get3A_784 = arith.constant 0 : index
    %get3A_785 = vector.load %arg12[%get3A_783, %get3A_784] : memref<8960x128xbf16, #tpu.memory_space<vmem>>, vector<128x128xbf16>
    %dot_general3A_786 = arith.constant dense<0.000000e+00> : vector<128x128xf32>
    %dot_general3A_787 = tpu.matmul %get3A_780, %get3A_785, %dot_general3A_786 {dimension_numbers = #tpu.dot_dimension_numbers<[1], [1], [0], [0], [0, 0, 1, 0], [], []>, transpose_lhs_hint = false} : vector<128x128xbf16>, vector<128x128xbf16>, vector<128x128xf32> -> vector<128x128xf32>
    %mul3A_788 = arith.constant 128 : i32
    %mul3A_789 = arith.muli %scan3A_775, %mul3A_788 : i32
    %swap3A_790 = arith.index_cast %mul3A_789 : i32 to index
    %swap3A_791 = arith.constant 0 : index
    %swap3A_792 = vector.load %arg15[%swap3A_790, %swap3A_791] : memref<8960x128xf32, #tpu.memory_space<vmem>>, vector<128x128xf32>
    tpu.vector_store %arg15[%swap3A_790, %swap3A_791], %dot_general3A_787 {strides = array<i32>} : memref<8960x128xf32, #tpu.memory_space<vmem>>, vector<128x128xf32>,
    %scan3A_793 = arith.constant 42 : i32
    %mul3A_794 = arith.constant 128 : i32
    %mul3A_795 = arith.muli %scan3A_793, %mul3A_794 : i32
    %get3A_796 = arith.index_cast %mul3A_795 : i32 to index
    %get3A_797 = arith.constant 0 : index
    %get3A_798 = vector.load %arg11[%get3A_796, %get3A_797] : memref<8960x128xbf16, #tpu.memory_space<vmem>>, vector<128x128xbf16>
    %mul3A_799 = arith.constant 128 : i32
    %mul3A_800 = arith.muli %scan3A_793, %mul3A_799 : i32
    %get3A_801 = arith.index_cast %mul3A_800 : i32 to index
    %get3A_802 = arith.constant 0 : index
    %get3A_803 = vector.load %arg12[%get3A_801, %get3A_802] : memref<8960x128xbf16, #tpu.memory_space<vmem>>, vector<128x128xbf16>
    %dot_general3A_804 = arith.constant dense<0.000000e+00> : vector<128x128xf32>
    %dot_general3A_805 = tpu.matmul %get3A_798, %get3A_803, %dot_general3A_804 {dimension_numbers = #tpu.dot_dimension_numbers<[1], [1], [0], [0], [0, 0, 1, 0], [], []>, transpose_lhs_hint = false} : vector<128x128xbf16>, vector<128x128xbf16>, vector<128x128xf32> -> vector<128x128xf32>
    %mul3A_806 = arith.constant 128 : i32
    %mul3A_807 = arith.muli %scan3A_793, %mul3A_806 : i32
    %swap3A_808 = arith.index_cast %mul3A_807 : i32 to index
    %swap3A_809 = arith.constant 0 : index
    %swap3A_810 = vector.load %arg15[%swap3A_808, %swap3A_809] : memref<8960x128xf32, #tpu.memory_space<vmem>>, vector<128x128xf32>
    tpu.vector_store %arg15[%swap3A_808, %swap3A_809], %dot_general3A_805 {strides = array<i32>} : memref<8960x128xf32, #tpu.memory_space<vmem>>, vector<128x128xf32>,
    %scan3A_811 = arith.constant 43 : i32
    %mul3A_812 = arith.constant 128 : i32
    %mul3A_813 = arith.muli %scan3A_811, %mul3A_812 : i32
    %get3A_814 = arith.index_cast %mul3A_813 : i32 to index
    %get3A_815 = arith.constant 0 : index
    %get3A_816 = vector.load %arg11[%get3A_814, %get3A_815] : memref<8960x128xbf16, #tpu.memory_space<vmem>>, vector<128x128xbf16>
    %mul3A_817 = arith.constant 128 : i32
    %mul3A_818 = arith.muli %scan3A_811, %mul3A_817 : i32
    %get3A_819 = arith.index_cast %mul3A_818 : i32 to index
    %get3A_820 = arith.constant 0 : index
    %get3A_821 = vector.load %arg12[%get3A_819, %get3A_820] : memref<8960x128xbf16, #tpu.memory_space<vmem>>, vector<128x128xbf16>
    %dot_general3A_822 = arith.constant dense<0.000000e+00> : vector<128x128xf32>
    %dot_general3A_823 = tpu.matmul %get3A_816, %get3A_821, %dot_general3A_822 {dimension_numbers = #tpu.dot_dimension_numbers<[1], [1], [0], [0], [0, 0, 1, 0], [], []>, transpose_lhs_hint = false} : vector<128x128xbf16>, vector<128x128xbf16>, vector<128x128xf32> -> vector<128x128xf32>
    %mul3A_824 = arith.constant 128 : i32
    %mul3A_825 = arith.muli %scan3A_811, %mul3A_824 : i32
    %swap3A_826 = arith.index_cast %mul3A_825 : i32 to index
    %swap3A_827 = arith.constant 0 : index
    %swap3A_828 = vector.load %arg15[%swap3A_826, %swap3A_827] : memref<8960x128xf32, #tpu.memory_space<vmem>>, vector<128x128xf32>
    tpu.vector_store %arg15[%swap3A_826, %swap3A_827], %dot_general3A_823 {strides = array<i32>} : memref<8960x128xf32, #tpu.memory_space<vmem>>, vector<128x128xf32>,
    %scan3A_829 = arith.constant 44 : i32
    %mul3A_830 = arith.constant 128 : i32
    %mul3A_831 = arith.muli %scan3A_829, %mul3A_830 : i32
    %get3A_832 = arith.index_cast %mul3A_831 : i32 to index
    %get3A_833 = arith.constant 0 : index
    %get3A_834 = vector.load %arg11[%get3A_832, %get3A_833] : memref<8960x128xbf16, #tpu.memory_space<vmem>>, vector<128x128xbf16>
    %mul3A_835 = arith.constant 128 : i32
    %mul3A_836 = arith.muli %scan3A_829, %mul3A_835 : i32
    %get3A_837 = arith.index_cast %mul3A_836 : i32 to index
    %get3A_838 = arith.constant 0 : index
    %get3A_839 = vector.load %arg12[%get3A_837, %get3A_838] : memref<8960x128xbf16, #tpu.memory_space<vmem>>, vector<128x128xbf16>
    %dot_general3A_840 = arith.constant dense<0.000000e+00> : vector<128x128xf32>
    %dot_general3A_841 = tpu.matmul %get3A_834, %get3A_839, %dot_general3A_840 {dimension_numbers = #tpu.dot_dimension_numbers<[1], [1], [0], [0], [0, 0, 1, 0], [], []>, transpose_lhs_hint = false} : vector<128x128xbf16>, vector<128x128xbf16>, vector<128x128xf32> -> vector<128x128xf32>
    %mul3A_842 = arith.constant 128 : i32
    %mul3A_843 = arith.muli %scan3A_829, %mul3A_842 : i32
    %swap3A_844 = arith.index_cast %mul3A_843 : i32 to index
    %swap3A_845 = arith.constant 0 : index
    %swap3A_846 = vector.load %arg15[%swap3A_844, %swap3A_845] : memref<8960x128xf32, #tpu.memory_space<vmem>>, vector<128x128xf32>
    tpu.vector_store %arg15[%swap3A_844, %swap3A_845], %dot_general3A_841 {strides = array<i32>} : memref<8960x128xf32, #tpu.memory_space<vmem>>, vector<128x128xf32>,
    %scan3A_847 = arith.constant 45 : i32
    %mul3A_848 = arith.constant 128 : i32
    %mul3A_849 = arith.muli %scan3A_847, %mul3A_848 : i32
    %get3A_850 = arith.index_cast %mul3A_849 : i32 to index
    %get3A_851 = arith.constant 0 : index
    %get3A_852 = vector.load %arg11[%get3A_850, %get3A_851] : memref<8960x128xbf16, #tpu.memory_space<vmem>>, vector<128x128xbf16>
    %mul3A_853 = arith.constant 128 : i32
    %mul3A_854 = arith.muli %scan3A_847, %mul3A_853 : i32
    %get3A_855 = arith.index_cast %mul3A_854 : i32 to index
    %get3A_856 = arith.constant 0 : index
    %get3A_857 = vector.load %arg12[%get3A_855, %get3A_856] : memref<8960x128xbf16, #tpu.memory_space<vmem>>, vector<128x128xbf16>
    %dot_general3A_858 = arith.constant dense<0.000000e+00> : vector<128x128xf32>
    %dot_general3A_859 = tpu.matmul %get3A_852, %get3A_857, %dot_general3A_858 {dimension_numbers = #tpu.dot_dimension_numbers<[1], [1], [0], [0], [0, 0, 1, 0], [], []>, transpose_lhs_hint = false} : vector<128x128xbf16>, vector<128x128xbf16>, vector<128x128xf32> -> vector<128x128xf32>
    %mul3A_860 = arith.constant 128 : i32
    %mul3A_861 = arith.muli %scan3A_847, %mul3A_860 : i32
    %swap3A_862 = arith.index_cast %mul3A_861 : i32 to index
    %swap3A_863 = arith.constant 0 : index
    %swap3A_864 = vector.load %arg15[%swap3A_862, %swap3A_863] : memref<8960x128xf32, #tpu.memory_space<vmem>>, vector<128x128xf32>
    tpu.vector_store %arg15[%swap3A_862, %swap3A_863], %dot_general3A_859 {strides = array<i32>} : memref<8960x128xf32, #tpu.memory_space<vmem>>, vector<128x128xf32>,
    %scan3A_865 = arith.constant 46 : i32
    %mul3A_866 = arith.constant 128 : i32
    %mul3A_867 = arith.muli %scan3A_865, %mul3A_866 : i32
    %get3A_868 = arith.index_cast %mul3A_867 : i32 to index
    %get3A_869 = arith.constant 0 : index
    %get3A_870 = vector.load %arg11[%get3A_868, %get3A_869] : memref<8960x128xbf16, #tpu.memory_space<vmem>>, vector<128x128xbf16>
    %mul3A_871 = arith.constant 128 : i32
    %mul3A_872 = arith.muli %scan3A_865, %mul3A_871 : i32
    %get3A_873 = arith.index_cast %mul3A_872 : i32 to index
    %get3A_874 = arith.constant 0 : index
    %get3A_875 = vector.load %arg12[%get3A_873, %get3A_874] : memref<8960x128xbf16, #tpu.memory_space<vmem>>, vector<128x128xbf16>
    %dot_general3A_876 = arith.constant dense<0.000000e+00> : vector<128x128xf32>
    %dot_general3A_877 = tpu.matmul %get3A_870, %get3A_875, %dot_general3A_876 {dimension_numbers = #tpu.dot_dimension_numbers<[1], [1], [0], [0], [0, 0, 1, 0], [], []>, transpose_lhs_hint = false} : vector<128x128xbf16>, vector<128x128xbf16>, vector<128x128xf32> -> vector<128x128xf32>
    %mul3A_878 = arith.constant 128 : i32
    %mul3A_879 = arith.muli %scan3A_865, %mul3A_878 : i32
    %swap3A_880 = arith.index_cast %mul3A_879 : i32 to index
    %swap3A_881 = arith.constant 0 : index
    %swap3A_882 = vector.load %arg15[%swap3A_880, %swap3A_881] : memref<8960x128xf32, #tpu.memory_space<vmem>>, vector<128x128xf32>
    tpu.vector_store %arg15[%swap3A_880, %swap3A_881], %dot_general3A_877 {strides = array<i32>} : memref<8960x128xf32, #tpu.memory_space<vmem>>, vector<128x128xf32>,
    %scan3A_883 = arith.constant 47 : i32
    %mul3A_884 = arith.constant 128 : i32
    %mul3A_885 = arith.muli %scan3A_883, %mul3A_884 : i32
    %get3A_886 = arith.index_cast %mul3A_885 : i32 to index
    %get3A_887 = arith.constant 0 : index
    %get3A_888 = vector.load %arg11[%get3A_886, %get3A_887] : memref<8960x128xbf16, #tpu.memory_space<vmem>>, vector<128x128xbf16>
    %mul3A_889 = arith.constant 128 : i32
    %mul3A_890 = arith.muli %scan3A_883, %mul3A_889 : i32
    %get3A_891 = arith.index_cast %mul3A_890 : i32 to index
    %get3A_892 = arith.constant 0 : index
    %get3A_893 = vector.load %arg12[%get3A_891, %get3A_892] : memref<8960x128xbf16, #tpu.memory_space<vmem>>, vector<128x128xbf16>
    %dot_general3A_894 = arith.constant dense<0.000000e+00> : vector<128x128xf32>
    %dot_general3A_895 = tpu.matmul %get3A_888, %get3A_893, %dot_general3A_894 {dimension_numbers = #tpu.dot_dimension_numbers<[1], [1], [0], [0], [0, 0, 1, 0], [], []>, transpose_lhs_hint = false} : vector<128x128xbf16>, vector<128x128xbf16>, vector<128x128xf32> -> vector<128x128xf32>
    %mul3A_896 = arith.constant 128 : i32
    %mul3A_897 = arith.muli %scan3A_883, %mul3A_896 : i32
    %swap3A_898 = arith.index_cast %mul3A_897 : i32 to index
    %swap3A_899 = arith.constant 0 : index
    %swap3A_900 = vector.load %arg15[%swap3A_898, %swap3A_899] : memref<8960x128xf32, #tpu.memory_space<vmem>>, vector<128x128xf32>
    tpu.vector_store %arg15[%swap3A_898, %swap3A_899], %dot_general3A_895 {strides = array<i32>} : memref<8960x128xf32, #tpu.memory_space<vmem>>, vector<128x128xf32>,
    %scan3A_901 = arith.constant 48 : i32
    %mul3A_902 = arith.constant 128 : i32
    %mul3A_903 = arith.muli %scan3A_901, %mul3A_902 : i32
    %get3A_904 = arith.index_cast %mul3A_903 : i32 to index
    %get3A_905 = arith.constant 0 : index
    %get3A_906 = vector.load %arg11[%get3A_904, %get3A_905] : memref<8960x128xbf16, #tpu.memory_space<vmem>>, vector<128x128xbf16>
    %mul3A_907 = arith.constant 128 : i32
    %mul3A_908 = arith.muli %scan3A_901, %mul3A_907 : i32
    %get3A_909 = arith.index_cast %mul3A_908 : i32 to index
    %get3A_910 = arith.constant 0 : index
    %get3A_911 = vector.load %arg12[%get3A_909, %get3A_910] : memref<8960x128xbf16, #tpu.memory_space<vmem>>, vector<128x128xbf16>
    %dot_general3A_912 = arith.constant dense<0.000000e+00> : vector<128x128xf32>
    %dot_general3A_913 = tpu.matmul %get3A_906, %get3A_911, %dot_general3A_912 {dimension_numbers = #tpu.dot_dimension_numbers<[1], [1], [0], [0], [0, 0, 1, 0], [], []>, transpose_lhs_hint = false} : vector<128x128xbf16>, vector<128x128xbf16>, vector<128x128xf32> -> vector<128x128xf32>
    %mul3A_914 = arith.constant 128 : i32
    %mul3A_915 = arith.muli %scan3A_901, %mul3A_914 : i32
    %swap3A_916 = arith.index_cast %mul3A_915 : i32 to index
    %swap3A_917 = arith.constant 0 : index
    %swap3A_918 = vector.load %arg15[%swap3A_916, %swap3A_917] : memref<8960x128xf32, #tpu.memory_space<vmem>>, vector<128x128xf32>
    tpu.vector_store %arg15[%swap3A_916, %swap3A_917], %dot_general3A_913 {strides = array<i32>} : memref<8960x128xf32, #tpu.memory_space<vmem>>, vector<128x128xf32>,
    %scan3A_919 = arith.constant 49 : i32
    %mul3A_920 = arith.constant 128 : i32
    %mul3A_921 = arith.muli %scan3A_919, %mul3A_920 : i32
    %get3A_922 = arith.index_cast %mul3A_921 : i32 to index
    %get3A_923 = arith.constant 0 : index
    %get3A_924 = vector.load %arg11[%get3A_922, %get3A_923] : memref<8960x128xbf16, #tpu.memory_space<vmem>>, vector<128x128xbf16>
    %mul3A_925 = arith.constant 128 : i32
    %mul3A_926 = arith.muli %scan3A_919, %mul3A_925 : i32
    %get3A_927 = arith.index_cast %mul3A_926 : i32 to index
    %get3A_928 = arith.constant 0 : index
    %get3A_929 = vector.load %arg12[%get3A_927, %get3A_928] : memref<8960x128xbf16, #tpu.memory_space<vmem>>, vector<128x128xbf16>
    %dot_general3A_930 = arith.constant dense<0.000000e+00> : vector<128x128xf32>
    %dot_general3A_931 = tpu.matmul %get3A_924, %get3A_929, %dot_general3A_930 {dimension_numbers = #tpu.dot_dimension_numbers<[1], [1], [0], [0], [0, 0, 1, 0], [], []>, transpose_lhs_hint = false} : vector<128x128xbf16>, vector<128x128xbf16>, vector<128x128xf32> -> vector<128x128xf32>
    %mul3A_932 = arith.constant 128 : i32
    %mul3A_933 = arith.muli %scan3A_919, %mul3A_932 : i32
    %swap3A_934 = arith.index_cast %mul3A_933 : i32 to index
    %swap3A_935 = arith.constant 0 : index
    %swap3A_936 = vector.load %arg15[%swap3A_934, %swap3A_935] : memref<8960x128xf32, #tpu.memory_space<vmem>>, vector<128x128xf32>
    tpu.vector_store %arg15[%swap3A_934, %swap3A_935], %dot_general3A_931 {strides = array<i32>} : memref<8960x128xf32, #tpu.memory_space<vmem>>, vector<128x128xf32>,
    %scan3A_937 = arith.constant 50 : i32
    %mul3A_938 = arith.constant 128 : i32
    %mul3A_939 = arith.muli %scan3A_937, %mul3A_938 : i32
    %get3A_940 = arith.index_cast %mul3A_939 : i32 to index
    %get3A_941 = arith.constant 0 : index
    %get3A_942 = vector.load %arg11[%get3A_940, %get3A_941] : memref<8960x128xbf16, #tpu.memory_space<vmem>>, vector<128x128xbf16>
    %mul3A_943 = arith.constant 128 : i32
    %mul3A_944 = arith.muli %scan3A_937, %mul3A_943 : i32
    %get3A_945 = arith.index_cast %mul3A_944 : i32 to index
    %get3A_946 = arith.constant 0 : index
    %get3A_947 = vector.load %arg12[%get3A_945, %get3A_946] : memref<8960x128xbf16, #tpu.memory_space<vmem>>, vector<128x128xbf16>
    %dot_general3A_948 = arith.constant dense<0.000000e+00> : vector<128x128xf32>
    %dot_general3A_949 = tpu.matmul %get3A_942, %get3A_947, %dot_general3A_948 {dimension_numbers = #tpu.dot_dimension_numbers<[1], [1], [0], [0], [0, 0, 1, 0], [], []>, transpose_lhs_hint = false} : vector<128x128xbf16>, vector<128x128xbf16>, vector<128x128xf32> -> vector<128x128xf32>
    %mul3A_950 = arith.constant 128 : i32
    %mul3A_951 = arith.muli %scan3A_937, %mul3A_950 : i32
    %swap3A_952 = arith.index_cast %mul3A_951 : i32 to index
    %swap3A_953 = arith.constant 0 : index
    %swap3A_954 = vector.load %arg15[%swap3A_952, %swap3A_953] : memref<8960x128xf32, #tpu.memory_space<vmem>>, vector<128x128xf32>
    tpu.vector_store %arg15[%swap3A_952, %swap3A_953], %dot_general3A_949 {strides = array<i32>} : memref<8960x128xf32, #tpu.memory_space<vmem>>, vector<128x128xf32>,
    %scan3A_955 = arith.constant 51 : i32
    %mul3A_956 = arith.constant 128 : i32
    %mul3A_957 = arith.muli %scan3A_955, %mul3A_956 : i32
    %get3A_958 = arith.index_cast %mul3A_957 : i32 to index
    %get3A_959 = arith.constant 0 : index
    %get3A_960 = vector.load %arg11[%get3A_958, %get3A_959] : memref<8960x128xbf16, #tpu.memory_space<vmem>>, vector<128x128xbf16>
    %mul3A_961 = arith.constant 128 : i32
    %mul3A_962 = arith.muli %scan3A_955, %mul3A_961 : i32
    %get3A_963 = arith.index_cast %mul3A_962 : i32 to index
    %get3A_964 = arith.constant 0 : index
    %get3A_965 = vector.load %arg12[%get3A_963, %get3A_964] : memref<8960x128xbf16, #tpu.memory_space<vmem>>, vector<128x128xbf16>
    %dot_general3A_966 = arith.constant dense<0.000000e+00> : vector<128x128xf32>
    %dot_general3A_967 = tpu.matmul %get3A_960, %get3A_965, %dot_general3A_966 {dimension_numbers = #tpu.dot_dimension_numbers<[1], [1], [0], [0], [0, 0, 1, 0], [], []>, transpose_lhs_hint = false} : vector<128x128xbf16>, vector<128x128xbf16>, vector<128x128xf32> -> vector<128x128xf32>
    %mul3A_968 = arith.constant 128 : i32
    %mul3A_969 = arith.muli %scan3A_955, %mul3A_968 : i32
    %swap3A_970 = arith.index_cast %mul3A_969 : i32 to index
    %swap3A_971 = arith.constant 0 : index
    %swap3A_972 = vector.load %arg15[%swap3A_970, %swap3A_971] : memref<8960x128xf32, #tpu.memory_space<vmem>>, vector<128x128xf32>
    tpu.vector_store %arg15[%swap3A_970, %swap3A_971], %dot_general3A_967 {strides = array<i32>} : memref<8960x128xf32, #tpu.memory_space<vmem>>, vector<128x128xf32>,
    %scan3A_973 = arith.constant 52 : i32
    %mul3A_974 = arith.constant 128 : i32
    %mul3A_975 = arith.muli %scan3A_973, %mul3A_974 : i32
    %get3A_976 = arith.index_cast %mul3A_975 : i32 to index
    %get3A_977 = arith.constant 0 : index
    %get3A_978 = vector.load %arg11[%get3A_976, %get3A_977] : memref<8960x128xbf16, #tpu.memory_space<vmem>>, vector<128x128xbf16>
    %mul3A_979 = arith.constant 128 : i32
    %mul3A_980 = arith.muli %scan3A_973, %mul3A_979 : i32
    %get3A_981 = arith.index_cast %mul3A_980 : i32 to index
    %get3A_982 = arith.constant 0 : index
    %get3A_983 = vector.load %arg12[%get3A_981, %get3A_982] : memref<8960x128xbf16, #tpu.memory_space<vmem>>, vector<128x128xbf16>
    %dot_general3A_984 = arith.constant dense<0.000000e+00> : vector<128x128xf32>
    %dot_general3A_985 = tpu.matmul %get3A_978, %get3A_983, %dot_general3A_984 {dimension_numbers = #tpu.dot_dimension_numbers<[1], [1], [0], [0], [0, 0, 1, 0], [], []>, transpose_lhs_hint = false} : vector<128x128xbf16>, vector<128x128xbf16>, vector<128x128xf32> -> vector<128x128xf32>
    %mul3A_986 = arith.constant 128 : i32
    %mul3A_987 = arith.muli %scan3A_973, %mul3A_986 : i32
    %swap3A_988 = arith.index_cast %mul3A_987 : i32 to index
    %swap3A_989 = arith.constant 0 : index
    %swap3A_990 = vector.load %arg15[%swap3A_988, %swap3A_989] : memref<8960x128xf32, #tpu.memory_space<vmem>>, vector<128x128xf32>
    tpu.vector_store %arg15[%swap3A_988, %swap3A_989], %dot_general3A_985 {strides = array<i32>} : memref<8960x128xf32, #tpu.memory_space<vmem>>, vector<128x128xf32>,
    %scan3A_991 = arith.constant 53 : i32
    %mul3A_992 = arith.constant 128 : i32
    %mul3A_993 = arith.muli %scan3A_991, %mul3A_992 : i32
    %get3A_994 = arith.index_cast %mul3A_993 : i32 to index
    %get3A_995 = arith.constant 0 : index
    %get3A_996 = vector.load %arg11[%get3A_994, %get3A_995] : memref<8960x128xbf16, #tpu.memory_space<vmem>>, vector<128x128xbf16>
    %mul3A_997 = arith.constant 128 : i32
    %mul3A_998 = arith.muli %scan3A_991, %mul3A_997 : i32
    %get3A_999 = arith.index_cast %mul3A_998 : i32 to index
    %get3A_1000 = arith.constant 0 : index
    %get3A_1001 = vector.load %arg12[%get3A_999, %get3A_1000] : memref<8960x128xbf16, #tpu.memory_space<vmem>>, vector<128x128xbf16>
    %dot_general3A_1002 = arith.constant dense<0.000000e+00> : vector<128x128xf32>
    %dot_general3A_1003 = tpu.matmul %get3A_996, %get3A_1001, %dot_general3A_1002 {dimension_numbers = #tpu.dot_dimension_numbers<[1], [1], [0], [0], [0, 0, 1, 0], [], []>, transpose_lhs_hint = false} : vector<128x128xbf16>, vector<128x128xbf16>, vector<128x128xf32> -> vector<128x128xf32>
    %mul3A_1004 = arith.constant 128 : i32
    %mul3A_1005 = arith.muli %scan3A_991, %mul3A_1004 : i32
    %swap3A_1006 = arith.index_cast %mul3A_1005 : i32 to index
    %swap3A_1007 = arith.constant 0 : index
    %swap3A_1008 = vector.load %arg15[%swap3A_1006, %swap3A_1007] : memref<8960x128xf32, #tpu.memory_space<vmem>>, vector<128x128xf32>
    tpu.vector_store %arg15[%swap3A_1006, %swap3A_1007], %dot_general3A_1003 {strides = array<i32>} : memref<8960x128xf32, #tpu.memory_space<vmem>>, vector<128x128xf32>,
    %scan3A_1009 = arith.constant 54 : i32
    %mul3A_1010 = arith.constant 128 : i32
    %mul3A_1011 = arith.muli %scan3A_1009, %mul3A_1010 : i32
    %get3A_1012 = arith.index_cast %mul3A_1011 : i32 to index
    %get3A_1013 = arith.constant 0 : index
    %get3A_1014 = vector.load %arg11[%get3A_1012, %get3A_1013] : memref<8960x128xbf16, #tpu.memory_space<vmem>>, vector<128x128xbf16>
    %mul3A_1015 = arith.constant 128 : i32
    %mul3A_1016 = arith.muli %scan3A_1009, %mul3A_1015 : i32
    %get3A_1017 = arith.index_cast %mul3A_1016 : i32 to index
    %get3A_1018 = arith.constant 0 : index
    %get3A_1019 = vector.load %arg12[%get3A_1017, %get3A_1018] : memref<8960x128xbf16, #tpu.memory_space<vmem>>, vector<128x128xbf16>
    %dot_general3A_1020 = arith.constant dense<0.000000e+00> : vector<128x128xf32>
    %dot_general3A_1021 = tpu.matmul %get3A_1014, %get3A_1019, %dot_general3A_1020 {dimension_numbers = #tpu.dot_dimension_numbers<[1], [1], [0], [0], [0, 0, 1, 0], [], []>, transpose_lhs_hint = false} : vector<128x128xbf16>, vector<128x128xbf16>, vector<128x128xf32> -> vector<128x128xf32>
    %mul3A_1022 = arith.constant 128 : i32
    %mul3A_1023 = arith.muli %scan3A_1009, %mul3A_1022 : i32
    %swap3A_1024 = arith.index_cast %mul3A_1023 : i32 to index
    %swap3A_1025 = arith.constant 0 : index
    %swap3A_1026 = vector.load %arg15[%swap3A_1024, %swap3A_1025] : memref<8960x128xf32, #tpu.memory_space<vmem>>, vector<128x128xf32>
    tpu.vector_store %arg15[%swap3A_1024, %swap3A_1025], %dot_general3A_1021 {strides = array<i32>} : memref<8960x128xf32, #tpu.memory_space<vmem>>, vector<128x128xf32>,
    %scan3A_1027 = arith.constant 55 : i32
    %mul3A_1028 = arith.constant 128 : i32
    %mul3A_1029 = arith.muli %scan3A_1027, %mul3A_1028 : i32
    %get3A_1030 = arith.index_cast %mul3A_1029 : i32 to index
    %get3A_1031 = arith.constant 0 : index
    %get3A_1032 = vector.load %arg11[%get3A_1030, %get3A_1031] : memref<8960x128xbf16, #tpu.memory_space<vmem>>, vector<128x128xbf16>
    %mul3A_1033 = arith.constant 128 : i32
    %mul3A_1034 = arith.muli %scan3A_1027, %mul3A_1033 : i32
    %get3A_1035 = arith.index_cast %mul3A_1034 : i32 to index
    %get3A_1036 = arith.constant 0 : index
    %get3A_1037 = vector.load %arg12[%get3A_1035, %get3A_1036] : memref<8960x128xbf16, #tpu.memory_space<vmem>>, vector<128x128xbf16>
    %dot_general3A_1038 = arith.constant dense<0.000000e+00> : vector<128x128xf32>
    %dot_general3A_1039 = tpu.matmul %get3A_1032, %get3A_1037, %dot_general3A_1038 {dimension_numbers = #tpu.dot_dimension_numbers<[1], [1], [0], [0], [0, 0, 1, 0], [], []>, transpose_lhs_hint = false} : vector<128x128xbf16>, vector<128x128xbf16>, vector<128x128xf32> -> vector<128x128xf32>
    %mul3A_1040 = arith.constant 128 : i32
    %mul3A_1041 = arith.muli %scan3A_1027, %mul3A_1040 : i32
    %swap3A_1042 = arith.index_cast %mul3A_1041 : i32 to index
    %swap3A_1043 = arith.constant 0 : index
    %swap3A_1044 = vector.load %arg15[%swap3A_1042, %swap3A_1043] : memref<8960x128xf32, #tpu.memory_space<vmem>>, vector<128x128xf32>
    tpu.vector_store %arg15[%swap3A_1042, %swap3A_1043], %dot_general3A_1039 {strides = array<i32>} : memref<8960x128xf32, #tpu.memory_space<vmem>>, vector<128x128xf32>,
    %scan3A_1045 = arith.constant 56 : i32
    %mul3A_1046 = arith.constant 128 : i32
    %mul3A_1047 = arith.muli %scan3A_1045, %mul3A_1046 : i32
    %get3A_1048 = arith.index_cast %mul3A_1047 : i32 to index
    %get3A_1049 = arith.constant 0 : index
    %get3A_1050 = vector.load %arg11[%get3A_1048, %get3A_1049] : memref<8960x128xbf16, #tpu.memory_space<vmem>>, vector<128x128xbf16>
    %mul3A_1051 = arith.constant 128 : i32
    %mul3A_1052 = arith.muli %scan3A_1045, %mul3A_1051 : i32
    %get3A_1053 = arith.index_cast %mul3A_1052 : i32 to index
    %get3A_1054 = arith.constant 0 : index
    %get3A_1055 = vector.load %arg12[%get3A_1053, %get3A_1054] : memref<8960x128xbf16, #tpu.memory_space<vmem>>, vector<128x128xbf16>
    %dot_general3A_1056 = arith.constant dense<0.000000e+00> : vector<128x128xf32>
    %dot_general3A_1057 = tpu.matmul %get3A_1050, %get3A_1055, %dot_general3A_1056 {dimension_numbers = #tpu.dot_dimension_numbers<[1], [1], [0], [0], [0, 0, 1, 0], [], []>, transpose_lhs_hint = false} : vector<128x128xbf16>, vector<128x128xbf16>, vector<128x128xf32> -> vector<128x128xf32>
    %mul3A_1058 = arith.constant 128 : i32
    %mul3A_1059 = arith.muli %scan3A_1045, %mul3A_1058 : i32
    %swap3A_1060 = arith.index_cast %mul3A_1059 : i32 to index
    %swap3A_1061 = arith.constant 0 : index
    %swap3A_1062 = vector.load %arg15[%swap3A_1060, %swap3A_1061] : memref<8960x128xf32, #tpu.memory_space<vmem>>, vector<128x128xf32>
    tpu.vector_store %arg15[%swap3A_1060, %swap3A_1061], %dot_general3A_1057 {strides = array<i32>} : memref<8960x128xf32, #tpu.memory_space<vmem>>, vector<128x128xf32>,
    %scan3A_1063 = arith.constant 57 : i32
    %mul3A_1064 = arith.constant 128 : i32
    %mul3A_1065 = arith.muli %scan3A_1063, %mul3A_1064 : i32
    %get3A_1066 = arith.index_cast %mul3A_1065 : i32 to index
    %get3A_1067 = arith.constant 0 : index
    %get3A_1068 = vector.load %arg11[%get3A_1066, %get3A_1067] : memref<8960x128xbf16, #tpu.memory_space<vmem>>, vector<128x128xbf16>
    %mul3A_1069 = arith.constant 128 : i32
    %mul3A_1070 = arith.muli %scan3A_1063, %mul3A_1069 : i32
    %get3A_1071 = arith.index_cast %mul3A_1070 : i32 to index
    %get3A_1072 = arith.constant 0 : index
    %get3A_1073 = vector.load %arg12[%get3A_1071, %get3A_1072] : memref<8960x128xbf16, #tpu.memory_space<vmem>>, vector<128x128xbf16>
    %dot_general3A_1074 = arith.constant dense<0.000000e+00> : vector<128x128xf32>
    %dot_general3A_1075 = tpu.matmul %get3A_1068, %get3A_1073, %dot_general3A_1074 {dimension_numbers = #tpu.dot_dimension_numbers<[1], [1], [0], [0], [0, 0, 1, 0], [], []>, transpose_lhs_hint = false} : vector<128x128xbf16>, vector<128x128xbf16>, vector<128x128xf32> -> vector<128x128xf32>
    %mul3A_1076 = arith.constant 128 : i32
    %mul3A_1077 = arith.muli %scan3A_1063, %mul3A_1076 : i32
    %swap3A_1078 = arith.index_cast %mul3A_1077 : i32 to index
    %swap3A_1079 = arith.constant 0 : index
    %swap3A_1080 = vector.load %arg15[%swap3A_1078, %swap3A_1079] : memref<8960x128xf32, #tpu.memory_space<vmem>>, vector<128x128xf32>
    tpu.vector_store %arg15[%swap3A_1078, %swap3A_1079], %dot_general3A_1075 {strides = array<i32>} : memref<8960x128xf32, #tpu.memory_space<vmem>>, vector<128x128xf32>,
    %scan3A_1081 = arith.constant 58 : i32
    %mul3A_1082 = arith.constant 128 : i32
    %mul3A_1083 = arith.muli %scan3A_1081, %mul3A_1082 : i32
    %get3A_1084 = arith.index_cast %mul3A_1083 : i32 to index
    %get3A_1085 = arith.constant 0 : index
    %get3A_1086 = vector.load %arg11[%get3A_1084, %get3A_1085] : memref<8960x128xbf16, #tpu.memory_space<vmem>>, vector<128x128xbf16>
    %mul3A_1087 = arith.constant 128 : i32
    %mul3A_1088 = arith.muli %scan3A_1081, %mul3A_1087 : i32
    %get3A_1089 = arith.index_cast %mul3A_1088 : i32 to index
    %get3A_1090 = arith.constant 0 : index
    %get3A_1091 = vector.load %arg12[%get3A_1089, %get3A_1090] : memref<8960x128xbf16, #tpu.memory_space<vmem>>, vector<128x128xbf16>
    %dot_general3A_1092 = arith.constant dense<0.000000e+00> : vector<128x128xf32>
    %dot_general3A_1093 = tpu.matmul %get3A_1086, %get3A_1091, %dot_general3A_1092 {dimension_numbers = #tpu.dot_dimension_numbers<[1], [1], [0], [0], [0, 0, 1, 0], [], []>, transpose_lhs_hint = false} : vector<128x128xbf16>, vector<128x128xbf16>, vector<128x128xf32> -> vector<128x128xf32>
    %mul3A_1094 = arith.constant 128 : i32
    %mul3A_1095 = arith.muli %scan3A_1081, %mul3A_1094 : i32
    %swap3A_1096 = arith.index_cast %mul3A_1095 : i32 to index
    %swap3A_1097 = arith.constant 0 : index
    %swap3A_1098 = vector.load %arg15[%swap3A_1096, %swap3A_1097] : memref<8960x128xf32, #tpu.memory_space<vmem>>, vector<128x128xf32>
    tpu.vector_store %arg15[%swap3A_1096, %swap3A_1097], %dot_general3A_1093 {strides = array<i32>} : memref<8960x128xf32, #tpu.memory_space<vmem>>, vector<128x128xf32>,
    %scan3A_1099 = arith.constant 59 : i32
    %mul3A_1100 = arith.constant 128 : i32
    %mul3A_1101 = arith.muli %scan3A_1099, %mul3A_1100 : i32
    %get3A_1102 = arith.index_cast %mul3A_1101 : i32 to index
    %get3A_1103 = arith.constant 0 : index
    %get3A_1104 = vector.load %arg11[%get3A_1102, %get3A_1103] : memref<8960x128xbf16, #tpu.memory_space<vmem>>, vector<128x128xbf16>
    %mul3A_1105 = arith.constant 128 : i32
    %mul3A_1106 = arith.muli %scan3A_1099, %mul3A_1105 : i32
    %get3A_1107 = arith.index_cast %mul3A_1106 : i32 to index
    %get3A_1108 = arith.constant 0 : index
    %get3A_1109 = vector.load %arg12[%get3A_1107, %get3A_1108] : memref<8960x128xbf16, #tpu.memory_space<vmem>>, vector<128x128xbf16>
    %dot_general3A_1110 = arith.constant dense<0.000000e+00> : vector<128x128xf32>
    %dot_general3A_1111 = tpu.matmul %get3A_1104, %get3A_1109, %dot_general3A_1110 {dimension_numbers = #tpu.dot_dimension_numbers<[1], [1], [0], [0], [0, 0, 1, 0], [], []>, transpose_lhs_hint = false} : vector<128x128xbf16>, vector<128x128xbf16>, vector<128x128xf32> -> vector<128x128xf32>
    %mul3A_1112 = arith.constant 128 : i32
    %mul3A_1113 = arith.muli %scan3A_1099, %mul3A_1112 : i32
    %swap3A_1114 = arith.index_cast %mul3A_1113 : i32 to index
    %swap3A_1115 = arith.constant 0 : index
    %swap3A_1116 = vector.load %arg15[%swap3A_1114, %swap3A_1115] : memref<8960x128xf32, #tpu.memory_space<vmem>>, vector<128x128xf32>
    tpu.vector_store %arg15[%swap3A_1114, %swap3A_1115], %dot_general3A_1111 {strides = array<i32>} : memref<8960x128xf32, #tpu.memory_space<vmem>>, vector<128x128xf32>,
    %scan3A_1117 = arith.constant 60 : i32
    %mul3A_1118 = arith.constant 128 : i32
    %mul3A_1119 = arith.muli %scan3A_1117, %mul3A_1118 : i32
    %get3A_1120 = arith.index_cast %mul3A_1119 : i32 to index
    %get3A_1121 = arith.constant 0 : index
    %get3A_1122 = vector.load %arg11[%get3A_1120, %get3A_1121] : memref<8960x128xbf16, #tpu.memory_space<vmem>>, vector<128x128xbf16>
    %mul3A_1123 = arith.constant 128 : i32
    %mul3A_1124 = arith.muli %scan3A_1117, %mul3A_1123 : i32
    %get3A_1125 = arith.index_cast %mul3A_1124 : i32 to index
    %get3A_1126 = arith.constant 0 : index
    %get3A_1127 = vector.load %arg12[%get3A_1125, %get3A_1126] : memref<8960x128xbf16, #tpu.memory_space<vmem>>, vector<128x128xbf16>
    %dot_general3A_1128 = arith.constant dense<0.000000e+00> : vector<128x128xf32>
    %dot_general3A_1129 = tpu.matmul %get3A_1122, %get3A_1127, %dot_general3A_1128 {dimension_numbers = #tpu.dot_dimension_numbers<[1], [1], [0], [0], [0, 0, 1, 0], [], []>, transpose_lhs_hint = false} : vector<128x128xbf16>, vector<128x128xbf16>, vector<128x128xf32> -> vector<128x128xf32>
    %mul3A_1130 = arith.constant 128 : i32
    %mul3A_1131 = arith.muli %scan3A_1117, %mul3A_1130 : i32
    %swap3A_1132 = arith.index_cast %mul3A_1131 : i32 to index
    %swap3A_1133 = arith.constant 0 : index
    %swap3A_1134 = vector.load %arg15[%swap3A_1132, %swap3A_1133] : memref<8960x128xf32, #tpu.memory_space<vmem>>, vector<128x128xf32>
    tpu.vector_store %arg15[%swap3A_1132, %swap3A_1133], %dot_general3A_1129 {strides = array<i32>} : memref<8960x128xf32, #tpu.memory_space<vmem>>, vector<128x128xf32>,
    %scan3A_1135 = arith.constant 61 : i32
    %mul3A_1136 = arith.constant 128 : i32
    %mul3A_1137 = arith.muli %scan3A_1135, %mul3A_1136 : i32
    %get3A_1138 = arith.index_cast %mul3A_1137 : i32 to index
    %get3A_1139 = arith.constant 0 : index
    %get3A_1140 = vector.load %arg11[%get3A_1138, %get3A_1139] : memref<8960x128xbf16, #tpu.memory_space<vmem>>, vector<128x128xbf16>
    %mul3A_1141 = arith.constant 128 : i32
    %mul3A_1142 = arith.muli %scan3A_1135, %mul3A_1141 : i32
    %get3A_1143 = arith.index_cast %mul3A_1142 : i32 to index
    %get3A_1144 = arith.constant 0 : index
    %get3A_1145 = vector.load %arg12[%get3A_1143, %get3A_1144] : memref<8960x128xbf16, #tpu.memory_space<vmem>>, vector<128x128xbf16>
    %dot_general3A_1146 = arith.constant dense<0.000000e+00> : vector<128x128xf32>
    %dot_general3A_1147 = tpu.matmul %get3A_1140, %get3A_1145, %dot_general3A_1146 {dimension_numbers = #tpu.dot_dimension_numbers<[1], [1], [0], [0], [0, 0, 1, 0], [], []>, transpose_lhs_hint = false} : vector<128x128xbf16>, vector<128x128xbf16>, vector<128x128xf32> -> vector<128x128xf32>
    %mul3A_1148 = arith.constant 128 : i32
    %mul3A_1149 = arith.muli %scan3A_1135, %mul3A_1148 : i32
    %swap3A_1150 = arith.index_cast %mul3A_1149 : i32 to index
    %swap3A_1151 = arith.constant 0 : index
    %swap3A_1152 = vector.load %arg15[%swap3A_1150, %swap3A_1151] : memref<8960x128xf32, #tpu.memory_space<vmem>>, vector<128x128xf32>
    tpu.vector_store %arg15[%swap3A_1150, %swap3A_1151], %dot_general3A_1147 {strides = array<i32>} : memref<8960x128xf32, #tpu.memory_space<vmem>>, vector<128x128xf32>,
    %scan3A_1153 = arith.constant 62 : i32
    %mul3A_1154 = arith.constant 128 : i32
    %mul3A_1155 = arith.muli %scan3A_1153, %mul3A_1154 : i32
    %get3A_1156 = arith.index_cast %mul3A_1155 : i32 to index
    %get3A_1157 = arith.constant 0 : index
    %get3A_1158 = vector.load %arg11[%get3A_1156, %get3A_1157] : memref<8960x128xbf16, #tpu.memory_space<vmem>>, vector<128x128xbf16>
    %mul3A_1159 = arith.constant 128 : i32
    %mul3A_1160 = arith.muli %scan3A_1153, %mul3A_1159 : i32
    %get3A_1161 = arith.index_cast %mul3A_1160 : i32 to index
    %get3A_1162 = arith.constant 0 : index
    %get3A_1163 = vector.load %arg12[%get3A_1161, %get3A_1162] : memref<8960x128xbf16, #tpu.memory_space<vmem>>, vector<128x128xbf16>
    %dot_general3A_1164 = arith.constant dense<0.000000e+00> : vector<128x128xf32>
    %dot_general3A_1165 = tpu.matmul %get3A_1158, %get3A_1163, %dot_general3A_1164 {dimension_numbers = #tpu.dot_dimension_numbers<[1], [1], [0], [0], [0, 0, 1, 0], [], []>, transpose_lhs_hint = false} : vector<128x128xbf16>, vector<128x128xbf16>, vector<128x128xf32> -> vector<128x128xf32>
    %mul3A_1166 = arith.constant 128 : i32
    %mul3A_1167 = arith.muli %scan3A_1153, %mul3A_1166 : i32
    %swap3A_1168 = arith.index_cast %mul3A_1167 : i32 to index
    %swap3A_1169 = arith.constant 0 : index
    %swap3A_1170 = vector.load %arg15[%swap3A_1168, %swap3A_1169] : memref<8960x128xf32, #tpu.memory_space<vmem>>, vector<128x128xf32>
    tpu.vector_store %arg15[%swap3A_1168, %swap3A_1169], %dot_general3A_1165 {strides = array<i32>} : memref<8960x128xf32, #tpu.memory_space<vmem>>, vector<128x128xf32>,
    %scan3A_1171 = arith.constant 63 : i32
    %mul3A_1172 = arith.constant 128 : i32
    %mul3A_1173 = arith.muli %scan3A_1171, %mul3A_1172 : i32
    %get3A_1174 = arith.index_cast %mul3A_1173 : i32 to index
    %get3A_1175 = arith.constant 0 : index
    %get3A_1176 = vector.load %arg11[%get3A_1174, %get3A_1175] : memref<8960x128xbf16, #tpu.memory_space<vmem>>, vector<128x128xbf16>
    %mul3A_1177 = arith.constant 128 : i32
    %mul3A_1178 = arith.muli %scan3A_1171, %mul3A_1177 : i32
    %get3A_1179 = arith.index_cast %mul3A_1178 : i32 to index
    %get3A_1180 = arith.constant 0 : index
    %get3A_1181 = vector.load %arg12[%get3A_1179, %get3A_1180] : memref<8960x128xbf16, #tpu.memory_space<vmem>>, vector<128x128xbf16>
    %dot_general3A_1182 = arith.constant dense<0.000000e+00> : vector<128x128xf32>
    %dot_general3A_1183 = tpu.matmul %get3A_1176, %get3A_1181, %dot_general3A_1182 {dimension_numbers = #tpu.dot_dimension_numbers<[1], [1], [0], [0], [0, 0, 1, 0], [], []>, transpose_lhs_hint = false} : vector<128x128xbf16>, vector<128x128xbf16>, vector<128x128xf32> -> vector<128x128xf32>
    %mul3A_1184 = arith.constant 128 : i32
    %mul3A_1185 = arith.muli %scan3A_1171, %mul3A_1184 : i32
    %swap3A_1186 = arith.index_cast %mul3A_1185 : i32 to index
    %swap3A_1187 = arith.constant 0 : index
    %swap3A_1188 = vector.load %arg15[%swap3A_1186, %swap3A_1187] : memref<8960x128xf32, #tpu.memory_space<vmem>>, vector<128x128xf32>
    tpu.vector_store %arg15[%swap3A_1186, %swap3A_1187], %dot_general3A_1183 {strides = array<i32>} : memref<8960x128xf32, #tpu.memory_space<vmem>>, vector<128x128xf32>,
    %scan3A_1189 = arith.constant 64 : i32
    %mul3A_1190 = arith.constant 128 : i32
    %mul3A_1191 = arith.muli %scan3A_1189, %mul3A_1190 : i32
    %get3A_1192 = arith.index_cast %mul3A_1191 : i32 to index
    %get3A_1193 = arith.constant 0 : index
    %get3A_1194 = vector.load %arg11[%get3A_1192, %get3A_1193] : memref<8960x128xbf16, #tpu.memory_space<vmem>>, vector<128x128xbf16>
    %mul3A_1195 = arith.constant 128 : i32
    %mul3A_1196 = arith.muli %scan3A_1189, %mul3A_1195 : i32
    %get3A_1197 = arith.index_cast %mul3A_1196 : i32 to index
    %get3A_1198 = arith.constant 0 : index
    %get3A_1199 = vector.load %arg12[%get3A_1197, %get3A_1198] : memref<8960x128xbf16, #tpu.memory_space<vmem>>, vector<128x128xbf16>
    %dot_general3A_1200 = arith.constant dense<0.000000e+00> : vector<128x128xf32>
    %dot_general3A_1201 = tpu.matmul %get3A_1194, %get3A_1199, %dot_general3A_1200 {dimension_numbers = #tpu.dot_dimension_numbers<[1], [1], [0], [0], [0, 0, 1, 0], [], []>, transpose_lhs_hint = false} : vector<128x128xbf16>, vector<128x128xbf16>, vector<128x128xf32> -> vector<128x128xf32>
    %mul3A_1202 = arith.constant 128 : i32
    %mul3A_1203 = arith.muli %scan3A_1189, %mul3A_1202 : i32
    %swap3A_1204 = arith.index_cast %mul3A_1203 : i32 to index
    %swap3A_1205 = arith.constant 0 : index
    %swap3A_1206 = vector.load %arg15[%swap3A_1204, %swap3A_1205] : memref<8960x128xf32, #tpu.memory_space<vmem>>, vector<128x128xf32>
    tpu.vector_store %arg15[%swap3A_1204, %swap3A_1205], %dot_general3A_1201 {strides = array<i32>} : memref<8960x128xf32, #tpu.memory_space<vmem>>, vector<128x128xf32>,
    %scan3A_1207 = arith.constant 65 : i32
    %mul3A_1208 = arith.constant 128 : i32
    %mul3A_1209 = arith.muli %scan3A_1207, %mul3A_1208 : i32
    %get3A_1210 = arith.index_cast %mul3A_1209 : i32 to index
    %get3A_1211 = arith.constant 0 : index
    %get3A_1212 = vector.load %arg11[%get3A_1210, %get3A_1211] : memref<8960x128xbf16, #tpu.memory_space<vmem>>, vector<128x128xbf16>
    %mul3A_1213 = arith.constant 128 : i32
    %mul3A_1214 = arith.muli %scan3A_1207, %mul3A_1213 : i32
    %get3A_1215 = arith.index_cast %mul3A_1214 : i32 to index
    %get3A_1216 = arith.constant 0 : index
    %get3A_1217 = vector.load %arg12[%get3A_1215, %get3A_1216] : memref<8960x128xbf16, #tpu.memory_space<vmem>>, vector<128x128xbf16>
    %dot_general3A_1218 = arith.constant dense<0.000000e+00> : vector<128x128xf32>
    %dot_general3A_1219 = tpu.matmul %get3A_1212, %get3A_1217, %dot_general3A_1218 {dimension_numbers = #tpu.dot_dimension_numbers<[1], [1], [0], [0], [0, 0, 1, 0], [], []>, transpose_lhs_hint = false} : vector<128x128xbf16>, vector<128x128xbf16>, vector<128x128xf32> -> vector<128x128xf32>
    %mul3A_1220 = arith.constant 128 : i32
    %mul3A_1221 = arith.muli %scan3A_1207, %mul3A_1220 : i32
    %swap3A_1222 = arith.index_cast %mul3A_1221 : i32 to index
    %swap3A_1223 = arith.constant 0 : index
    %swap3A_1224 = vector.load %arg15[%swap3A_1222, %swap3A_1223] : memref<8960x128xf32, #tpu.memory_space<vmem>>, vector<128x128xf32>
    tpu.vector_store %arg15[%swap3A_1222, %swap3A_1223], %dot_general3A_1219 {strides = array<i32>} : memref<8960x128xf32, #tpu.memory_space<vmem>>, vector<128x128xf32>,
    %scan3A_1225 = arith.constant 66 : i32
    %mul3A_1226 = arith.constant 128 : i32
    %mul3A_1227 = arith.muli %scan3A_1225, %mul3A_1226 : i32
    %get3A_1228 = arith.index_cast %mul3A_1227 : i32 to index
    %get3A_1229 = arith.constant 0 : index
    %get3A_1230 = vector.load %arg11[%get3A_1228, %get3A_1229] : memref<8960x128xbf16, #tpu.memory_space<vmem>>, vector<128x128xbf16>
    %mul3A_1231 = arith.constant 128 : i32
    %mul3A_1232 = arith.muli %scan3A_1225, %mul3A_1231 : i32
    %get3A_1233 = arith.index_cast %mul3A_1232 : i32 to index
    %get3A_1234 = arith.constant 0 : index
    %get3A_1235 = vector.load %arg12[%get3A_1233, %get3A_1234] : memref<8960x128xbf16, #tpu.memory_space<vmem>>, vector<128x128xbf16>
    %dot_general3A_1236 = arith.constant dense<0.000000e+00> : vector<128x128xf32>
    %dot_general3A_1237 = tpu.matmul %get3A_1230, %get3A_1235, %dot_general3A_1236 {dimension_numbers = #tpu.dot_dimension_numbers<[1], [1], [0], [0], [0, 0, 1, 0], [], []>, transpose_lhs_hint = false} : vector<128x128xbf16>, vector<128x128xbf16>, vector<128x128xf32> -> vector<128x128xf32>
    %mul3A_1238 = arith.constant 128 : i32
    %mul3A_1239 = arith.muli %scan3A_1225, %mul3A_1238 : i32
    %swap3A_1240 = arith.index_cast %mul3A_1239 : i32 to index
    %swap3A_1241 = arith.constant 0 : index
    %swap3A_1242 = vector.load %arg15[%swap3A_1240, %swap3A_1241] : memref<8960x128xf32, #tpu.memory_space<vmem>>, vector<128x128xf32>
    tpu.vector_store %arg15[%swap3A_1240, %swap3A_1241], %dot_general3A_1237 {strides = array<i32>} : memref<8960x128xf32, #tpu.memory_space<vmem>>, vector<128x128xf32>,
    %scan3A_1243 = arith.constant 67 : i32
    %mul3A_1244 = arith.constant 128 : i32
    %mul3A_1245 = arith.muli %scan3A_1243, %mul3A_1244 : i32
    %get3A_1246 = arith.index_cast %mul3A_1245 : i32 to index
    %get3A_1247 = arith.constant 0 : index
    %get3A_1248 = vector.load %arg11[%get3A_1246, %get3A_1247] : memref<8960x128xbf16, #tpu.memory_space<vmem>>, vector<128x128xbf16>
    %mul3A_1249 = arith.constant 128 : i32
    %mul3A_1250 = arith.muli %scan3A_1243, %mul3A_1249 : i32
    %get3A_1251 = arith.index_cast %mul3A_1250 : i32 to index
    %get3A_1252 = arith.constant 0 : index
    %get3A_1253 = vector.load %arg12[%get3A_1251, %get3A_1252] : memref<8960x128xbf16, #tpu.memory_space<vmem>>, vector<128x128xbf16>
    %dot_general3A_1254 = arith.constant dense<0.000000e+00> : vector<128x128xf32>
    %dot_general3A_1255 = tpu.matmul %get3A_1248, %get3A_1253, %dot_general3A_1254 {dimension_numbers = #tpu.dot_dimension_numbers<[1], [1], [0], [0], [0, 0, 1, 0], [], []>, transpose_lhs_hint = false} : vector<128x128xbf16>, vector<128x128xbf16>, vector<128x128xf32> -> vector<128x128xf32>
    %mul3A_1256 = arith.constant 128 : i32
    %mul3A_1257 = arith.muli %scan3A_1243, %mul3A_1256 : i32
    %swap3A_1258 = arith.index_cast %mul3A_1257 : i32 to index
    %swap3A_1259 = arith.constant 0 : index
    %swap3A_1260 = vector.load %arg15[%swap3A_1258, %swap3A_1259] : memref<8960x128xf32, #tpu.memory_space<vmem>>, vector<128x128xf32>
    tpu.vector_store %arg15[%swap3A_1258, %swap3A_1259], %dot_general3A_1255 {strides = array<i32>} : memref<8960x128xf32, #tpu.memory_space<vmem>>, vector<128x128xf32>,
    %scan3A_1261 = arith.constant 68 : i32
    %mul3A_1262 = arith.constant 128 : i32
    %mul3A_1263 = arith.muli %scan3A_1261, %mul3A_1262 : i32
    %get3A_1264 = arith.index_cast %mul3A_1263 : i32 to index
    %get3A_1265 = arith.constant 0 : index
    %get3A_1266 = vector.load %arg11[%get3A_1264, %get3A_1265] : memref<8960x128xbf16, #tpu.memory_space<vmem>>, vector<128x128xbf16>
    %mul3A_1267 = arith.constant 128 : i32
    %mul3A_1268 = arith.muli %scan3A_1261, %mul3A_1267 : i32
    %get3A_1269 = arith.index_cast %mul3A_1268 : i32 to index
    %get3A_1270 = arith.constant 0 : index
    %get3A_1271 = vector.load %arg12[%get3A_1269, %get3A_1270] : memref<8960x128xbf16, #tpu.memory_space<vmem>>, vector<128x128xbf16>
    %dot_general3A_1272 = arith.constant dense<0.000000e+00> : vector<128x128xf32>
    %dot_general3A_1273 = tpu.matmul %get3A_1266, %get3A_1271, %dot_general3A_1272 {dimension_numbers = #tpu.dot_dimension_numbers<[1], [1], [0], [0], [0, 0, 1, 0], [], []>, transpose_lhs_hint = false} : vector<128x128xbf16>, vector<128x128xbf16>, vector<128x128xf32> -> vector<128x128xf32>
    %mul3A_1274 = arith.constant 128 : i32
    %mul3A_1275 = arith.muli %scan3A_1261, %mul3A_1274 : i32
    %swap3A_1276 = arith.index_cast %mul3A_1275 : i32 to index
    %swap3A_1277 = arith.constant 0 : index
    %swap3A_1278 = vector.load %arg15[%swap3A_1276, %swap3A_1277] : memref<8960x128xf32, #tpu.memory_space<vmem>>, vector<128x128xf32>
    tpu.vector_store %arg15[%swap3A_1276, %swap3A_1277], %dot_general3A_1273 {strides = array<i32>} : memref<8960x128xf32, #tpu.memory_space<vmem>>, vector<128x128xf32>,
    %scan3A_1279 = arith.constant 69 : i32
    %mul3A_1280 = arith.constant 128 : i32
    %mul3A_1281 = arith.muli %scan3A_1279, %mul3A_1280 : i32
    %get3A_1282 = arith.index_cast %mul3A_1281 : i32 to index
    %get3A_1283 = arith.constant 0 : index
    %get3A_1284 = vector.load %arg11[%get3A_1282, %get3A_1283] : memref<8960x128xbf16, #tpu.memory_space<vmem>>, vector<128x128xbf16>
    %mul3A_1285 = arith.constant 128 : i32
    %mul3A_1286 = arith.muli %scan3A_1279, %mul3A_1285 : i32
    %get3A_1287 = arith.index_cast %mul3A_1286 : i32 to index
    %get3A_1288 = arith.constant 0 : index
    %get3A_1289 = vector.load %arg12[%get3A_1287, %get3A_1288] : memref<8960x128xbf16, #tpu.memory_space<vmem>>, vector<128x128xbf16>
    %dot_general3A_1290 = arith.constant dense<0.000000e+00> : vector<128x128xf32>
    %dot_general3A_1291 = tpu.matmul %get3A_1284, %get3A_1289, %dot_general3A_1290 {dimension_numbers = #tpu.dot_dimension_numbers<[1], [1], [0], [0], [0, 0, 1, 0], [], []>, transpose_lhs_hint = false} : vector<128x128xbf16>, vector<128x128xbf16>, vector<128x128xf32> -> vector<128x128xf32>
    %mul3A_1292 = arith.constant 128 : i32
    %mul3A_1293 = arith.muli %scan3A_1279, %mul3A_1292 : i32
    %swap3A_1294 = arith.index_cast %mul3A_1293 : i32 to index
    %swap3A_1295 = arith.constant 0 : index
    %swap3A_1296 = vector.load %arg15[%swap3A_1294, %swap3A_1295] : memref<8960x128xf32, #tpu.memory_space<vmem>>, vector<128x128xf32>
    tpu.vector_store %arg15[%swap3A_1294, %swap3A_1295], %dot_general3A_1291 {strides = array<i32>} : memref<8960x128xf32, #tpu.memory_space<vmem>>, vector<128x128xf32>,
    %scan3A_1297 = arith.constant 70 : i32
    %get3A_1298 = arith.constant 0 : index
    %get3A_1299 = arith.constant 0 : index
    %get3A_1300 = vector.load %arg15[%get3A_1298, %get3A_1299] : memref<8960x128xf32, #tpu.memory_space<vmem>>, vector<8960x128xf32>
    %reshape3A = vector.shape_cast %get3A_1300 : vector<8960x128xf32> to vector<70x128x128xf32>
    %broadcast_in_dim3A = vector.shape_cast %get3A_34 : vector<128x128xf32> to vector<1x128x128xf32>
    %add3A = vector.broadcast %broadcast_in_dim3A : vector<1x128x128xf32> to vector<70x128x128xf32>
    %add3A_1301 = arith.addf %reshape3A, %add3A : vector<70x128x128xf32>
    %exp3A = math.exp %add3A_1301 : vector<70x128x128xf32>
    %reduce_sum3A = arith.constant dense<0.000000e+00> : vector<70x128xf32>
    %reduce_sum3A_1302 = vector.multi_reduction <add>, %exp3A, %reduce_sum3A [2] : vector<70x128x128xf32> to vector<70x128xf32>
    %broadcast_in_dim3A_1303 = vector.shape_cast %reduce_sum3A_1302 : vector<70x128xf32> to vector<70x128x1xf32>
    %div3A = arith.constant 1.000000e+00 : f32
    %div3A_1304 = vector.broadcast %div3A : f32 to vector<70x128x1xf32>
    %div3A_1305 = arith.divf %div3A_1304, %broadcast_in_dim3A_1303 : vector<70x128x1xf32>
    %mul3A_1306 = vector.broadcast %div3A_1305 : vector<70x128x1xf32> to vector<70x128x128xf32>
    %mul3A_1307 = arith.mulf %exp3A, %mul3A_1306 : vector<70x128x128xf32>
    %convert_element_type3A_1308 = arith.truncf %mul3A_1307 : vector<70x128x128xf32> to vector<70x128x128xbf16>
    %reshape3A_1309 = vector.shape_cast %convert_element_type3A_1308 : vector<70x128x128xbf16> to vector<8960x128xbf16>
    %swap3A_1310 = arith.constant 0 : index
    %swap3A_1311 = arith.constant 0 : index
    %swap3A_1312 = vector.load %arg14[%swap3A_1310, %swap3A_1311] : memref<8960x128xbf16, #tpu.memory_space<vmem>>, vector<8960x128xbf16>
    tpu.vector_store %arg14[%swap3A_1310, %swap3A_1311], %reshape3A_1309 {strides = array<i32>} : memref<8960x128xbf16, #tpu.memory_space<vmem>>, vector<8960x128xbf16>,
    %get3A_1313 = arith.constant 0 : index
    %get3A_1314 = arith.constant 0 : index
    %get3A_1315 = vector.load %arg14[%get3A_1313, %get3A_1314] : memref<8960x128xbf16, #tpu.memory_space<vmem>>, vector<8960x128xbf16>
    %reshape3A_1316 = vector.shape_cast %get3A_1315 : vector<8960x128xbf16> to vector<70x128x128xbf16>
    %get3A_1317 = arith.constant 0 : index
    %get3A_1318 = arith.constant 0 : index
    %get3A_1319 = vector.load %arg13[%get3A_1317, %get3A_1318] : memref<8960x128xbf16, #tpu.memory_space<vmem>>, vector<8960x128xbf16>
    %reshape3A_1320 = vector.shape_cast %get3A_1319 : vector<8960x128xbf16> to vector<70x128x128xbf16>
    %convert_element_type3A_1321 = arith.truncf %get3A_37 : vector<1x128xf32> to vector<1x128xbf16>
    %broadcast_in_dim3A_1322 = vector.shape_cast %convert_element_type3A_1321 : vector<1x128xbf16> to vector<1x1x128xbf16>
    %broadcast_in_dim3A_1323 = vector.shape_cast %broadcast_in_dim3A_1322 : vector<1x1x128xbf16> to vector<1x1x128xbf16>
    %broadcast_in_dim3A_1324 = vector.broadcast %broadcast_in_dim3A_1323 : vector<1x1x128xbf16> to vector<70x1x128xbf16>
    %dot_general3A_1325 = arith.constant dense<0.000000e+00> : vector<70x1x128xf32>
    %dot_general3A_1326 = tpu.matmul %broadcast_in_dim3A_1324, %reshape3A_1320, %dot_general3A_1325 {dimension_numbers = #tpu.dot_dimension_numbers<[2], [2], [1], [1], [0, 0, 0, 1, 1, 1], [0], [0]>, transpose_lhs_hint = false} : vector<70x1x128xbf16>, vector<70x128x128xbf16>, vector<70x1x128xf32> -> vector<70x1x128xf32>
    %convert_element_type3A_1327 = arith.truncf %dot_general3A_1326 : vector<70x1x128xf32> to vector<70x1x128xbf16>
    %dot_general3A_1328 = arith.constant dense<0.000000e+00> : vector<70x1x128xf32>
    %dot_general3A_1329 = tpu.matmul %convert_element_type3A_1327, %reshape3A_1316, %dot_general3A_1328 {dimension_numbers = #tpu.dot_dimension_numbers<[2], [2], [1], [1], [0, 0, 0, 1, 1, 1], [0], [0]>, transpose_lhs_hint = false} : vector<70x1x128xbf16>, vector<70x128x128xbf16>, vector<70x1x128xf32> -> vector<70x1x128xf32>
    %reshape3A_1330 = vector.shape_cast %dot_general3A_1329 : vector<70x1x128xf32> to vector<70x128xf32>
    %iota3A = tpu.iota {dimensions = array<i32: 1>} : vector<70x128xi32>
    %jit3A = arith.constant 16 : i32
    %eq3A = arith.constant 0 : i32
    %eq3A_1331 = arith.cmpi eq, %jit3A, %eq3A : i32
    %jit3A_1332 = arith.constant 1 : i32
    %select_n3A = arith.select %eq3A_1331, %jit3A_1332, %jit3A : i32
    %rem3A = vector.broadcast %select_n3A : i32 to vector<70x128xi32>
    %rem3A_1333 = arith.remsi %iota3A, %rem3A : vector<70x128xi32>
    %ne3A = arith.constant 0 : i32
    %ne3A_1334 = vector.broadcast %ne3A : i32 to vector<70x128xi32>
    %ne3A_1335 = arith.cmpi ne, %rem3A_1333, %ne3A_1334 : vector<70x128xi32>
    %lt3A = arith.constant 0 : i32
    %lt3A_1336 = vector.broadcast %lt3A : i32 to vector<70x128xi32>
    %lt3A_1337 = arith.cmpi slt, %rem3A_1333, %lt3A_1336 : vector<70x128xi32>
    %lt3A_1338 = arith.constant 0 : i32
    %lt3A_1339 = arith.cmpi slt, %select_n3A, %lt3A_1338 : i32
    %ne3A_1340 = vector.broadcast %lt3A_1339 : i1 to vector<70x128xi1>
    %ne3A_1341 = vector.broadcast %ne3A_1340 : vector<70x128xi1> to vector<70x128xi1>
    %ne3A_1342 = arith.xori %lt3A_1337, %ne3A_1341 : vector<70x128xi1>
    %and3A = arith.andi %ne3A_1342, %ne3A_1335 : vector<70x128xi1>
    %add3A_1343 = vector.broadcast %select_n3A : i32 to vector<70x128xi32>
    %add3A_1344 = arith.addi %rem3A_1333, %add3A_1343 : vector<70x128xi32>
    %select_n3A_1345 = arith.select %and3A, %add3A_1344, %rem3A_1333 : vector<70x128xi1>, vector<70x128xi32>
    %ne3A_1346 = arith.constant 0 : i32
    %ne3A_1347 = vector.broadcast %ne3A_1346 : i32 to vector<70x128xi32>
    %ne3A_1348 = arith.cmpi ne, %select_n3A_1345, %ne3A_1347 : vector<70x128xi32>
    %jit3A_1349 = arith.constant -1.000000e+30 : f32
    %broadcast_in_dim3A_1350 = vector.broadcast %jit3A_1349 : f32 to vector<70x128xf32>
    %select_n3A_1351 = arith.select %ne3A_1348, %reshape3A_1330, %broadcast_in_dim3A_1350 : vector<70x128xi1>, vector<70x128xf32>
    %exp3A_1352 = math.exp %select_n3A_1351 : vector<70x128xf32>
    %convert_element_type3A_1353 = arith.truncf %exp3A_1352 : vector<70x128xf32> to vector<70x128xbf16>
    %get3A_1354 = arith.constant 0 : index
    %get3A_1355 = arith.constant 0 : index
    %get3A_1356 = vector.load %arg9[%get3A_1354, %get3A_1355] : memref<128x128xbf16, #tpu.memory_space<vmem>>, vector<128x128xbf16>
    %dot_general3A_1357 = arith.constant dense<0.000000e+00> : vector<70x128xf32>
    %dot_general3A_1358 = tpu.matmul %convert_element_type3A_1353, %get3A_1356, %dot_general3A_1357 {dimension_numbers = #tpu.dot_dimension_numbers<[1], [0], [0], [1], [0, 0, 1, 1], [], []>, transpose_lhs_hint = false} : vector<70x128xbf16>, vector<128x128xbf16>, vector<70x128xf32> -> vector<70x128xf32>
    %div3A_1359 = arith.divf %exp3A_1352, %dot_general3A_1358 : vector<70x128xf32>
    %convert_element_type3A_1360 = arith.truncf %div3A_1359 : vector<70x128xf32> to vector<70x128xbf16>
    %iota3A_1361 = tpu.iota {dimensions = array<i32: 0>} : vector<8x128xi32>
    %iota3A_1362 = tpu.iota {dimensions = array<i32: 1>} : vector<8x128xi32>
    %jit3A_1363 = arith.constant 16 : i32
    %div3A_1364 = vector.broadcast %jit3A_1363 : i32 to vector<8x128xi32>
    %div3A_1365 = arith.divsi %iota3A_1362, %div3A_1364 : vector<8x128xi32>
    %sign3A = arith.constant 0 : i32
    %sign3A_1366 = vector.broadcast %sign3A : i32 to vector<8x128xi32>
    %sign3A_1367 = arith.cmpi sgt, %iota3A_1362, %sign3A_1366 : vector<8x128xi32>
    %sign3A_1368 = arith.extui %sign3A_1367 : vector<8x128xi1> to vector<8x128xi32>
    %sign3A_1369 = arith.constant 0 : i32
    %sign3A_1370 = vector.broadcast %sign3A_1369 : i32 to vector<8x128xi32>
    %sign3A_1371 = arith.cmpi slt, %iota3A_1362, %sign3A_1370 : vector<8x128xi32>
    %sign3A_1372 = arith.extui %sign3A_1371 : vector<8x128xi1> to vector<8x128xi32>
    %sign3A_1373 = arith.subi %sign3A_1368, %sign3A_1372 : vector<8x128xi32>
    %sign3A_1374 = arith.constant 0 : i32
    %sign3A_1375 = arith.cmpi sgt, %jit3A_1363, %sign3A_1374 : i32
    %sign3A_1376 = arith.extui %sign3A_1375 : i1 to i32
    %sign3A_1377 = arith.constant 0 : i32
    %sign3A_1378 = arith.cmpi slt, %jit3A_1363, %sign3A_1377 : i32
    %sign3A_1379 = arith.extui %sign3A_1378 : i1 to i32
    %sign3A_1380 = arith.subi %sign3A_1376, %sign3A_1379 : i32
    %ne3A_1381 = vector.broadcast %sign3A_1380 : i32 to vector<8x128xi32>
    %ne3A_1382 = arith.cmpi ne, %sign3A_1373, %ne3A_1381 : vector<8x128xi32>
    %rem3A_1383 = vector.broadcast %jit3A_1363 : i32 to vector<8x128xi32>
    %rem3A_1384 = arith.remsi %iota3A_1362, %rem3A_1383 : vector<8x128xi32>
    %ne3A_1385 = arith.constant 0 : i32
    %ne3A_1386 = vector.broadcast %ne3A_1385 : i32 to vector<8x128xi32>
    %ne3A_1387 = arith.cmpi ne, %rem3A_1384, %ne3A_1386 : vector<8x128xi32>
    %and3A_1388 = arith.andi %ne3A_1382, %ne3A_1387 : vector<8x128xi1>
    %sub3A = arith.constant 1 : i32
    %sub3A_1389 = vector.broadcast %sub3A : i32 to vector<8x128xi32>
    %sub3A_1390 = arith.subi %div3A_1365, %sub3A_1389 : vector<8x128xi32>
    %select_n3A_1391 = arith.select %and3A_1388, %sub3A_1390, %div3A_1365 : vector<8x128xi1>, vector<8x128xi32>
    %eq3A_1392 = arith.cmpi eq, %select_n3A_1391, %iota3A_1361 : vector<8x128xi32>
    %convert_element_type3A_1393 = arith.extui %eq3A_1392 : vector<8x128xi1> to vector<8x128xi32>
    %convert_element_type3A_1394 = arith.sitofp %convert_element_type3A_1393 : vector<8x128xi32> to vector<8x128xf32>
    %convert_element_type3A_1395 = arith.truncf %convert_element_type3A_1394 : vector<8x128xf32> to vector<8x128xbf16>
    %broadcast_in_dim3A_1396 = vector.shape_cast %convert_element_type3A_1360 : vector<70x128xbf16> to vector<70x1x128xbf16>
    %broadcast_in_dim3A_1397 = vector.shape_cast %convert_element_type3A_1395 : vector<8x128xbf16> to vector<1x8x128xbf16>
    %mul3A_1398 = vector.broadcast %broadcast_in_dim3A_1396 : vector<70x1x128xbf16> to vector<70x8x128xbf16>
    %mul3A_1399 = vector.broadcast %broadcast_in_dim3A_1397 : vector<1x8x128xbf16> to vector<70x8x128xbf16>
    %mul3A_1400 = arith.mulf %mul3A_1398, %mul3A_1399 : vector<70x8x128xbf16>
    %dot_general3A_1401 = arith.constant dense<0.000000e+00> : vector<70x8x128xf32>
    %dot_general3A_1402 = tpu.matmul %mul3A_1400, %reshape3A_1316, %dot_general3A_1401 {dimension_numbers = #tpu.dot_dimension_numbers<[2], [1], [1], [2], [0, 0, 0, 1, 1, 2], [0], [0]>, transpose_lhs_hint = false} : vector<70x8x128xbf16>, vector<70x128x128xbf16>, vector<70x8x128xf32> -> vector<70x8x128xf32>
    %convert_element_type3A_1403 = arith.truncf %dot_general3A_1402 : vector<70x8x128xf32> to vector<70x8x128xbf16>
    %dot_general3A_1404 = arith.constant dense<0.000000e+00> : vector<70x8x128xf32>
    %dot_general3A_1405 = tpu.matmul %convert_element_type3A_1403, %reshape3A_1320, %dot_general3A_1404 {dimension_numbers = #tpu.dot_dimension_numbers<[2], [1], [1], [2], [0, 0, 0, 1, 1, 2], [0], [0]>, transpose_lhs_hint = false} : vector<70x8x128xbf16>, vector<70x128x128xbf16>, vector<70x8x128xf32> -> vector<70x8x128xf32>
    %reshape3A_1406 = vector.shape_cast %dot_general3A_1405 : vector<70x8x128xf32> to vector<560x128xf32>
    %swap3A_1407 = arith.constant 0 : index
    %swap3A_1408 = arith.constant 0 : index
    %swap3A_1409 = vector.load %arg16[%swap3A_1407, %swap3A_1408] : memref<560x128xf32, #tpu.memory_space<vmem>>, vector<560x128xf32>
    tpu.vector_store %arg16[%swap3A_1407, %swap3A_1408], %reshape3A_1406 {strides = array<i32>} : memref<560x128xf32, #tpu.memory_space<vmem>>, vector<560x128xf32>,
    %get3A_1410 = arith.constant 0 : index
    %get3A_1411 = arith.constant 0 : index
    %get3A_1412 = vector.load %arg16[%get3A_1410, %get3A_1411] : memref<560x128xf32, #tpu.memory_space<vmem>>, vector<560x128xf32>
    %get3A_1413 = arith.constant 0 : index
    %get3A_1414 = arith.constant 0 : index
    %get3A_1415 = vector.load %arg2[%get3A_1413, %get3A_1414] : memref<560x128xf32, #tpu.memory_space<vmem>>, vector<560x128xf32>
    %add3A_1416 = arith.addf %get3A_1412, %get3A_1415 : vector<560x128xf32>
    %iota3A_1417 = tpu.iota {dimensions = array<i32: 0>} : vector<16x560xi32>
    %iota3A_1418 = tpu.iota {dimensions = array<i32: 1>} : vector<16x560xi32>
    %mul3A_1419 = arith.constant 35 : i32
    %mul3A_1420 = vector.broadcast %mul3A_1419 : i32 to vector<16x560xi32>
    %mul3A_1421 = arith.muli %iota3A_1417, %mul3A_1420 : vector<16x560xi32>
    %sub3A_1422 = arith.subi %iota3A_1418, %mul3A_1421 : vector<16x560xi32>
    %ge3A = arith.constant 5 : i32
    %ge3A_1423 = vector.broadcast %ge3A : i32 to vector<16x560xi32>
    %ge3A_1424 = arith.cmpi sge, %sub3A_1422, %ge3A_1423 : vector<16x560xi32>
    %lt3A_1425 = arith.constant 25 : i32
    %lt3A_1426 = vector.broadcast %lt3A_1425 : i32 to vector<16x560xi32>
    %lt3A_1427 = arith.cmpi slt, %sub3A_1422, %lt3A_1426 : vector<16x560xi32>
    %and3A_1428 = arith.andi %ge3A_1424, %lt3A_1427 : vector<16x560xi1>
    %ge3A_1429 = arith.constant 25 : i32
    %ge3A_1430 = vector.broadcast %ge3A_1429 : i32 to vector<16x560xi32>
    %ge3A_1431 = arith.cmpi sge, %sub3A_1422, %ge3A_1430 : vector<16x560xi32>
    %lt3A_1432 = arith.constant 35 : i32
    %lt3A_1433 = vector.broadcast %lt3A_1432 : i32 to vector<16x560xi32>
    %lt3A_1434 = arith.cmpi slt, %sub3A_1422, %lt3A_1433 : vector<16x560xi32>
    %and3A_1435 = arith.andi %ge3A_1431, %lt3A_1434 : vector<16x560xi1>
    %jit3A_1436 = arith.constant 1.000000e-01 : f32
    %jit3A_1437 = arith.constant 0.000000e+00 : f32
    %broadcast_in_dim3A_1438 = vector.broadcast %jit3A_1436 : f32 to vector<16x560xf32>
    %broadcast_in_dim3A_1439 = vector.broadcast %jit3A_1437 : f32 to vector<16x560xf32>
    %select_n3A_1440 = arith.select %and3A_1435, %broadcast_in_dim3A_1438, %broadcast_in_dim3A_1439 : vector<16x560xi1>, vector<16x560xf32>
    %jit3A_1441 = arith.constant 5.000000e-02 : f32
    %broadcast_in_dim3A_1442 = vector.broadcast %jit3A_1441 : f32 to vector<16x560xf32>
    %select_n3A_1443 = arith.select %and3A_1428, %broadcast_in_dim3A_1442, %select_n3A_1440 : vector<16x560xi1>, vector<16x560xf32>
    %dot_general3A_1444 = arith.constant dense<0.000000e+00> : vector<16x128xf32>
    %dot_general3A_1445 = tpu.matmul %select_n3A_1443, %add3A_1416, %dot_general3A_1444 {dimension_numbers = #tpu.dot_dimension_numbers<[1], [0], [0], [1], [0, 0, 1, 1], [], []>, transpose_lhs_hint = false} : vector<16x560xf32>, vector<560x128xf32>, vector<16x128xf32> -> vector<16x128xf32>
    %iota3A_1446 = tpu.iota {dimensions = array<i32: 0>} : vector<16x176xi32>
    %iota3A_1447 = tpu.iota {dimensions = array<i32: 1>} : vector<16x176xi32>
    %mul3A_1448 = arith.constant 11 : i32
    %mul3A_1449 = vector.broadcast %mul3A_1448 : i32 to vector<16x176xi32>
    %mul3A_1450 = arith.muli %iota3A_1446, %mul3A_1449 : vector<16x176xi32>
    %sub3A_1451 = arith.subi %iota3A_1447, %mul3A_1450 : vector<16x176xi32>
    %eq3A_1452 = arith.constant 0 : i32
    %eq3A_1453 = vector.broadcast %eq3A_1452 : i32 to vector<16x176xi32>
    %eq3A_1454 = arith.cmpi eq, %sub3A_1451, %eq3A_1453 : vector<16x176xi32>
    %ge3A_1455 = arith.constant 1 : i32
    %ge3A_1456 = vector.broadcast %ge3A_1455 : i32 to vector<16x176xi32>
    %ge3A_1457 = arith.cmpi sge, %sub3A_1451, %ge3A_1456 : vector<16x176xi32>
    %lt3A_1458 = arith.constant 11 : i32
    %lt3A_1459 = vector.broadcast %lt3A_1458 : i32 to vector<16x176xi32>
    %lt3A_1460 = arith.cmpi slt, %sub3A_1451, %lt3A_1459 : vector<16x176xi32>
    %and3A_1461 = arith.andi %ge3A_1457, %lt3A_1460 : vector<16x176xi1>
    %jit3A_1462 = arith.constant 1.000000e-01 : f32
    %jit3A_1463 = arith.constant 0.000000e+00 : f32
    %broadcast_in_dim3A_1464 = vector.broadcast %jit3A_1462 : f32 to vector<16x176xf32>
    %broadcast_in_dim3A_1465 = vector.broadcast %jit3A_1463 : f32 to vector<16x176xf32>
    %select_n3A_1466 = arith.select %and3A_1461, %broadcast_in_dim3A_1464, %broadcast_in_dim3A_1465 : vector<16x176xi1>, vector<16x176xf32>
    %jit3A_1467 = arith.constant 1.000000e+00 : f32
    %broadcast_in_dim3A_1468 = vector.broadcast %jit3A_1467 : f32 to vector<16x176xf32>
    %select_n3A_1469 = arith.select %eq3A_1454, %broadcast_in_dim3A_1468, %select_n3A_1466 : vector<16x176xi1>, vector<16x176xf32>
    %get3A_1470 = arith.constant 0 : index
    %get3A_1471 = arith.constant 0 : index
    %get3A_1472 = vector.load %arg3[%get3A_1470, %get3A_1471] : memref<176x128xf32, #tpu.memory_space<vmem>>, vector<176x128xf32>
    %dot_general3A_1473 = arith.constant dense<0.000000e+00> : vector<16x128xf32>
    %dot_general3A_1474 = tpu.matmul %select_n3A_1469, %get3A_1472, %dot_general3A_1473 {dimension_numbers = #tpu.dot_dimension_numbers<[1], [0], [0], [1], [0, 0, 1, 1], [], []>, transpose_lhs_hint = false} : vector<16x176xf32>, vector<176x128xf32>, vector<16x128xf32> -> vector<16x128xf32>
    %add3A_1475 = arith.addf %dot_general3A_1445, %dot_general3A_1474 : vector<16x128xf32>
    %reshape3A_1476 = vector.shape_cast %add3A_1416 : vector<560x128xf32> to vector<16x35x128xf32>
    %slice3A = vector.extract_strided_slice %reshape3A_1476 {offsets = [0, 0, 0], sizes = [16, 5, 128], strides = [1, 1, 1]} : vector<16x35x128xf32> to vector<16x5x128xf32>
    %broadcast_in_dim3A_1477 = vector.shape_cast %add3A_1475 : vector<16x128xf32> to vector<16x1x128xf32>
    %mul3A_1478 = vector.broadcast %broadcast_in_dim3A_1477 : vector<16x1x128xf32> to vector<16x5x128xf32>
    %mul3A_1479 = arith.mulf %mul3A_1478, %slice3A : vector<16x5x128xf32>
    %reduce_sum3A_1480 = arith.constant dense<0.000000e+00> : vector<16x5xf32>
    %reduce_sum3A_1481 = vector.multi_reduction <add>, %mul3A_1479, %reduce_sum3A_1480 [2] : vector<16x5x128xf32> to vector<16x5xf32>
    %swap3A_1482 = arith.constant 0 : index
    %swap3A_1483 = arith.constant 0 : index
    %swap3A_1484 = vector.load %arg10[%swap3A_1482, %swap3A_1483] : memref<16x5xf32, #tpu.memory_space<vmem>>, vector<16x5xf32>
    tpu.vector_store %arg10[%swap3A_1482, %swap3A_1483], %reduce_sum3A_1481 {strides = array<i32>} : memref<16x5xf32, #tpu.memory_space<vmem>>, vector<16x5xf32>,
    return
  }
  func.func @transform_0(%arg0: i32) -> (i32, i32) {
    %c0_i32 = arith.constant 0 : i32
    %c0_i32_0 = arith.constant 0 : i32
    return %arg0, %c0_i32 : i32, i32
  }
  func.func @transform_1(%arg0: i32) -> (i32, i32) {
    %c0_i32 = arith.constant 0 : i32
    %c0_i32_0 = arith.constant 0 : i32
    return %arg0, %c0_i32 : i32, i32
  }
  func.func @transform_2(%arg0: i32) -> (i32, i32) {
    %c0_i32 = arith.constant 0 : i32
    %c0_i32_0 = arith.constant 0 : i32
    return %arg0, %c0_i32 : i32, i32
  }
  func.func @transform_3(%arg0: i32) -> (i32, i32) {
    %c0_i32 = arith.constant 0 : i32
    %c0_i32_0 = arith.constant 0 : i32
    %c0_i32_1 = arith.constant 0 : i32
    return %c0_i32, %c0_i32_0 : i32, i32
  }
  func.func @transform_4(%arg0: i32) -> (i32, i32) {
    %c0_i32 = arith.constant 0 : i32
    %c0_i32_0 = arith.constant 0 : i32
    %c0_i32_1 = arith.constant 0 : i32
    return %c0_i32, %c0_i32_0 : i32, i32
  }
  func.func @transform_5(%arg0: i32) -> (i32, i32) {
    %c0_i32 = arith.constant 0 : i32
    %c0_i32_0 = arith.constant 0 : i32
    %c0_i32_1 = arith.constant 0 : i32
    return %c0_i32, %c0_i32_0 : i32, i32
  }
  func.func @transform_6(%arg0: i32) -> (i32, i32) {
    %c0_i32 = arith.constant 0 : i32
    %c0_i32_0 = arith.constant 0 : i32
    %c0_i32_1 = arith.constant 0 : i32
    return %c0_i32, %c0_i32_0 : i32, i32
  }
  func.func @transform_7(%arg0: i32) -> (i32, i32) {
    %c0_i32 = arith.constant 0 : i32
    %c0_i32_0 = arith.constant 0 : i32
    %c0_i32_1 = arith.constant 0 : i32
    return %c0_i32, %c0_i32_0 : i32, i32
  }
  func.func @transform_8(%arg0: i32) -> (i32, i32) {
    %c0_i32 = arith.constant 0 : i32
    %c0_i32_0 = arith.constant 0 : i32
    %c0_i32_1 = arith.constant 0 : i32
    return %c0_i32, %c0_i32_0 : i32, i32
  }
  func.func @transform_9(%arg0: i32) -> (i32, i32) {
    %c0_i32 = arith.constant 0 : i32
    %c0_i32_0 = arith.constant 0 : i32
    return %arg0, %c0_i32 : i32, i32
  }
}

</mosaic_0001>

<sc_bundles>
// kernel: kernel.10.cloned.1.call-start
scs
__scs_entry_jumppad:
0x0: {  	(pc) =	sbr.rel $0x88, $3  }
0x1: {  	(tag) =	ssettag $0x0;
	lr =	simm.s32 $0x1  }
0x2: {  	[smem:$0x3F99] =	sst lr;
	_ =	strace $0xD0000000  }
0x3: {  	_ = 	snop  }
0x4: {  	_ = 	snop  }
0x5: {  	_ = 	snop  }
0x6: {  	_ = 	snop  }
0x7: {  	_ = 	snop  }
__scs_overlays_trampoline_lowered:
0x8: {  	[smem:$0x3FA8] =	sst s0  }
0x9: {  	[smem:$0x3FA9] =	sst s1  }
0xa: {  	[smem:$0x3FAA] =	sst s2  }
0xb: {  	[smem:$0x3FAB] =	sst s3  }
0xc: {  	[smem:$0x3FAC] =	sst s4  }
0xd: {  	[smem:$0x3FAD] =	sst s5  }
0xe: {  	[smem:$0x3FAE] =	sst s6  }
0xf: {  	[smem:$0x3FAF] =	sst s7  }
0x10: {  	[smem:$0x3FB0] =	sst s8  }
0x11: {  	[smem:$0x3FB1] =	sst s9;
	s0 =	simm.s32 @!p0 $0x0  }
0x12: {  	s1 =	sld [smem:$0x3F97];
	s0 =	simm.s32 @p0 $0x1  }
0x13: {  	[smem:$0x3FB2] =	sst s0;
	s0 =	simm.s32 @!p1 $0x0  }
0x14: {  	s2 =	sld [smem:$0x3F96];
	s0 =	simm.s32 @p1 $0x1  }
0x15: {  	[smem:$0x3FB3] =	sst s0;
	s0 =	simm.s32 @!p2 $0x0  }
0x16: {  	s3 =	sld [smem:$0x3FDB];
	s0 =	simm.s32 @p2 $0x1  }
0x17: {  	s4 =	simm.s32 $0x1BF5;
	[smem:$0x3FB5] =	sst s0  }
0x18: {  	s0 =	sld [smem:$0x3F98];
	_ =	swait.ge [sflag:s4], $0x0  }
0x19: {  	s7 =	sld [smem:$0x3F99]  }
0x1a: {  	s8 =	sadd.s32 $0xFFFFE003, lr  }
0x1b: {  	s9 =	sadd.s32 $0xFFFFFEF7, lr;
	s5 =	simm.s32 $0xFFFFFFFF;
	p2 =	slt.u32 s8, $0xFFFFF086  }
0x1c: {  	p1 =	slt.u32 s9, $0xF7A;
	s5 =	simm.s32 @!p2 $0x0  }
0x1d: {  	s5 =	simm.s32 @p1 $0x1;
	p0 =	seq.s32 s7, s2  }
0x1e: {  	s7 =	smul.u32 @!p0 $0xF7A, s2;
	p2 =	seq.s32 @!p0 s5, $0x0  }
0x1f: {  	s9 =	smul.u32 $0xF7A, s1;
	s8 =	simm.s32 @!p0 $0x1BF5;
	p2 =	por !p2, p0  }
0x20: {  	[sflag:s8] =	ssyncset.s32 @!p0 $0xFFFFF086;
	s6 =	sadd.s32 @!p0 s3, s7;
	s7 =	simm.s32 @!p0 $0x108  }
0x21: {  	s3 =	sadd.s32 s3, s9;
	s6 =	sadd.s32 @!p0 $0x88, s6;
	s7 =	simm.s32 @p2 $0x1082  }
0x22: {  	[simem:s7], [sflag:s8] =	dma.local @!p0 [hbm:s6], $0xF7A  }
0x23: {  	s9 =	sor.u32 $0xD0000000, s2;
	s6 =	simm.s32 $0x108;
	_ =	swait.ge @!p0 [sflag:s8], $0x0  }
0x24: {  	s3 =	sadd.s32 $0x88, s3;
	s6 =	simm.s32 @!p1 $0x1082;
	[sflag:s4] =	ssyncset.s32 $0xFFFFF086  }
0x25: {  	[simem:s6], [sflag:s4] =	dma.local [hbm:s3], $0xF7A  }
0x26: {  	[smem:$0x3F99] =	sst s1;
	(tag) =	ssettag s2;
	_ =	strace s9  }
0x27: {  	s1 =	sld [smem:$0x3FA9]  }
0x28: {  	s2 =	sld [smem:$0x3FAA]  }
0x29: {  	s4 =	sld [smem:$0x3FAC]  }
0x2a: {  	p0 =	seq.s32 s5, $0x0;
	s5 =	sld [smem:$0x3FAD]  }
0x2b: {  	s6 =	sld [smem:$0x3FAE]  }
0x2c: {  	s7 =	sld [smem:$0x3FAF]  }
0x2d: {  	s3 =	simm.s32 $0x108;
	s8 =	sld [smem:$0x3FB0]  }
0x2e: {  	s3 =	simm.s32 @!p0 $0x1082;
	s9 =	sld [smem:$0x3FB1]  }
0x2f: {  	lr =	sadd.s32 s0, s3;
	s0 =	sld [smem:$0x3FA8]  }
0x30: {  	s3 =	sld [smem:$0x3FAB]  }
0x31: {  	[smem:$0x3FB4] =	sst s10  }
0x32: {  	s10 =	sld [smem:$0x3FB2];
	_ =	sdelay $0x3  }
0x33: {  	p0 =	seq.s32 s10, $0x1;
	s10 =	sld [smem:$0x3FB4];
	_ =	sdelay $0x3  }
0x34: {  	[smem:$0x3FB4] =	sst s10  }
0x35: {  	s10 =	sld [smem:$0x3FB3];
	_ =	sdelay $0x3  }
0x36: {  	p1 =	seq.s32 s10, $0x1;
	s10 =	sld [smem:$0x3FB4];
	_ =	sdelay $0x3  }
0x37: {  	[smem:$0x3FB4] =	sst s10  }
0x38: {  	s10 =	sld [smem:$0x3FB5]  }
0x39: {  	_ = 	snop;
	(pc) =	sbr.ind lr, $3  }
0x3a: {  	_ = 	snop  }
0x3b: {  	_ = 	snop  }
0x3c: {  	p2 =	seq.s32 s10, $0x1;
	s10 =	sld [smem:$0x3FB4]  }
0x3d: {  	_ =	shalt  }
0x3e: {  	_ =	shalt  }
0x3f: {  	_ =	shalt  }
0x40: {  	_ =	shalt  }
0x41: {  	_ =	shalt  }
0x42: {  	_ =	shalt  }
0x43: {  	_ =	shalt  }
0x44: {  	_ =	shalt  }
0x45: {  	_ =	shalt  }
0x46: {  	_ =	shalt  }
0x47: {  	_ =	shalt  }
0x48: {  	_ =	shalt  }
0x49: {  	_ =	shalt  }
0x4a: {  	_ =	shalt  }
0x4b: {  	_ =	shalt  }
0x4c: {  	_ =	shalt  }
0x4d: {  	_ =	shalt  }
0x4e: {  	_ =	shalt  }
0x4f: {  	_ =	shalt  }
0x50: {  	_ =	shalt  }
0x51: {  	_ =	shalt  }
0x52: {  	_ =	shalt  }
0x53: {  	_ =	shalt  }
0x54: {  	_ =	shalt  }
0x55: {  	_ =	shalt  }
0x56: {  	_ =	shalt  }
0x57: {  	_ =	shalt  }
0x58: {  	_ =	shalt  }
0x59: {  	_ =	shalt  }
0x5a: {  	_ =	shalt  }
0x5b: {  	_ =	shalt  }
0x5c: {  	_ =	shalt  }
0x5d: {  	_ =	shalt  }
0x5e: {  	_ =	shalt  }
0x5f: {  	_ =	shalt  }
0x60: {  	_ =	shalt  }
0x61: {  	_ =	shalt  }
0x62: {  	_ =	shalt  }
0x63: {  	_ =	shalt  }
0x64: {  	_ =	shalt  }
0x65: {  	_ =	shalt  }
0x66: {  	_ =	shalt  }
0x67: {  	_ =	shalt  }
0x68: {  	_ =	shalt  }
0x69: {  	_ =	shalt  }
0x6a: {  	_ =	shalt  }
0x6b: {  	_ =	shalt  }
0x6c: {  	_ =	shalt  }
0x6d: {  	_ =	shalt  }
0x6e: {  	_ =	shalt  }
0x6f: {  	_ =	shalt  }
0x70: {  	_ =	shalt  }
0x71: {  	_ =	shalt  }
0x72: {  	_ =	shalt  }
0x73: {  	_ =	shalt  }
0x74: {  	_ =	shalt  }
0x75: {  	_ =	shalt  }
0x76: {  	_ =	shalt  }
0x77: {  	_ =	shalt  }
0x78: {  	_ =	shalt  }
0x79: {  	_ =	shalt  }
0x7a: {  	_ =	shalt  }
0x7b: {  	_ =	shalt  }
0x7c: {  	_ =	shalt  }
0x7d: {  	_ =	shalt  }
0x7e: {  	_ =	shalt  }
0x7f: {  	_ =	shalt  }
0x80: {  	_ =	shalt  }
0x81: {  	_ =	shalt  }
0x82: {  	_ =	shalt  }
0x83: {  	_ =	shalt  }
0x84: {  	_ =	shalt  }
0x85: {  	_ =	shalt  }
0x86: {  	_ =	shalt  }
0x87: {  	_ =	shalt  }
.Lfunc_end0:
.L_simem_size_0:
called_computation_lowered:
.L_overlay_start_0:
0x88: {  	s2 =	sld [smem:$0x3FD9]  }
0x89: {  	s3 =	sld [smem:$0x3FFE];
	_ =	sdelay $0x1  }
0x8a: {  	s1 =	srdreg.scid  }
0x8b: {  	s0 =	sand.u32 $0x1, s1  }
0x8c: {  	s17 =	sshll.u32 s0, $0xA;
	s2 =	sadd.s32 s3, s2  }
0x8d: {  	s2 =	sadd.s32 s2, s17  }
0x8e: {  	[smem:$0x3FC0] =	sst s2  }
0x8f: {  	_ = 	snop  }
0x90: {  	s2 =	sld [smem:$0x3FC8]  }
0x91: {  	s18 =	sld [smem:$0x3FC7]  }
0x92: {  	s4 =	sld [smem:$0x3FC6];
	(tm) =	ssettm $0x1  }
0x93: {  	s5 =	sld [smem:$0x3FFB];
	_ =	sdelay $0x3  }
0x94: {  	_ =	strace s5  }
0x95: {  	s5 =	sld [smem:$0x3FFC];
	_ =	sdelay $0x3  }
0x96: {  	_ =	strace s5  }
0x97: {  	s5 =	sld [smem:$0x3FFD];
	_ =	sdelay $0x3  }
0x98: {  	_ =	strace s5  }
0x99: {  	_ =	strace $0x8FFFFFFF  }
0x9a: {  	s19 =	sld [smem:$0x3FDB];
	_ =	sdelay $0x1  }
0x9b: {  	s6 =	simm.s32 $_scs_section_size  }
0x9c: {  	s7 =	simm.s32 $_size__tile_overlayer_lowered;
	s8 =	simm.s32 $_tile_overlayer_lowered  }
0x9d: {  	s22 =	simm.s32 $0x1BFF;
	s21 =	sshll.u32 s8, $0x1;
	s5 =	sadd.s32 s6, s19  }
0x9e: {  	s9 =	simm.s32 $0x0;
	s20 =	sshll.u32 s7, $0x1;
	s7 =	sadd.s32 s21, s5  }
0x9f: {  	[timem:s9], [sflag:s22] =	dma.local [hbm:s7], s20  }
0xa0: {  	_ =	swait.ge [sflag:s22], s20  }
0xa1: {  	s6 =	ssub.s32 $0x0, s20;
	[sflag:s22] =	ssyncset.done $0x0  }
0xa2: {  	[sflag:s22] =	ssyncadd.s32 s6;
	_ =	sdelay $0x1  }
0xa3: {  	s23 =	simm.s32 $0x1B8B  }
0xa4: {  	_ =	swait.ge [sflag:s23], $0x1  }
0xa5: {  	[sflag:s23] =	ssyncset.done $0x0  }
0xa6: {  	s25 =	simm.s32 $0x1B8E;
	s24 =	sld [smem:$0x3FFE];
	[sflag:s23] =	ssyncadd.s32 $0xFFFFFFFF  }
0xa7: {  	s26 =	simm.s32 $execute0_lowered;
	[smem:$0x3FD2] =	sst s25  }
0xa8: {  	s7 =	sshll.u32 s26, $0x1;
	_ =	strace $0x80000046;
	[dreg:$0x1] =	wrdreg $0xFFFFFFFF  }
0xa9: {  	s28 =	simm.s32 $_size_execute0_lowered;
	s5 =	sadd.s32 s5, s7;
	[dreg:$0x0] =	wrdreg $0x0  }
0xaa: {  	s7 =	sshll.u32 s28, $0x1;
	[dreg:$0x2] =	wrdreg s5  }
0xab: {  	[dreg:$0x3] =	wrdreg s7  }
0xac: {  	[dreg:$0x4] =	wrdreg $0xC0  }
0xad: {  	_ =	task [dreg:s9], $0x5FFFF  }
0xae: {  	[dreg:$0x1] =	wrdreg $0xFFFFFFFF  }
0xaf: {  	[dreg:$0x0] =	wrdreg $0x60  }
0xb0: {  	[dreg:$0x2] =	wrdreg s24  }
0xb1: {  	[dreg:$0x3] =	wrdreg s4  }
0xb2: {  	[dreg:$0x4] =	wrdreg s18  }
0xb3: {  	[dreg:$0x5] =	wrdreg s2  }
0xb4: {  	[dreg:$0x6] =	wrdreg $0x9  }
0xb5: {  	_ =	task.clear_ibuf [dreg:s9], $0x7FFFF;
	_ =	strace $0x90000046  }
0xb6: {  	s29 =	simm.s32 $0x9;
	_ =	strace $0x80000048  }
0xb7: {  	_ =	swait.ge [sflag:s29], $0x1  }
0xb8: {  	[sflag:s29] =	ssyncadd.s32 $0xFFFFFFFF  }
0xb9: {  	_ =	strace $0x90000048  }
0xba: {  	_ =	sfence  }
0xbb: {  	s30 =	sld [smem:$0x0];
	_ =	sdelay $0x2  }
0xbc: {  	s31 =	sshll.u32 s1, $0xD;
	s1 =	sshrl.u32 s1, $0x2  }
0xbd: {  	s3 =	sand.u32 $0x4000, s31;
	s1 =	sadd.s32 s1, s30  }
0xbe: {  	s0 =	sor.u32 s3, s0;
	s1 =	sshll.u32 s1, $0x11  }
0xbf: {  	s0 =	sor.u32 s1, s0  }
0xc0: {  	s0 =	sadd.s32 $0x8F2B, s0  }
0xc1: {  	[sflag:s0] =	ssyncadd.remote.s32 $0x1  }
0xc2: {  	_ =	sfence.sel $0xFFFF  }
0xc3: {  	[dreg:$0x0] =	wrdreg $0xFFFFFFFF;
	(pc) =	sbr.abs _section_cstart, $3  }
0xc4: {  	[dreg:$0x1] =	wrdreg $0xFFFFFFFF  }
0xc5: {  	_ =	task.clear_ibuf [dreg:s9], $0x2FFFF;
	_ =	strace $0x9FFFFFFF  }
0xc6: {  	(tm) =	ssettm $0x7FFFFFFF  }
0xc7: {  	_ =	shalt  }
tec
execute0_lowered:
.L_overlay_start_1:
0x0: {  	(tag) =	ssettag $0x1  }
0x1: {  	s0 =	rddreg [dreg:$0x0]  }
0x2: {  	s1 =	rddreg [dreg:$0x1];
	s2 =	srdreg.scid  }
0x3: {  	s8 =	stileid.u32;
	s3 =	rddreg [dreg:$0x2]  }
0x4: {  	s5 =	simm.s32 $0x0;
	s28 =	simm.s32 $0x7180;
	s4 =	smul.u32 $0x2300, s8  }
0x5: {  	s2 =	sand.u32 $0x1, s2;
	s7 =	sshll.u32 s8, $0x1;
	s8 =	smul.u32 $0x23000, s8  }
0x6: {  	s29 =	simm.s32 $0x8D80;
	s31 =	simm.s32 $0x8E00;
	s6 =	smul.u32 $0x1180, s2  }
0x7: {  	s14 =	sor.u32 s2, s7;
	s10 =	ssub.s32 $0x2, s2;
	s2 =	smul.u32 $0x11800, s2  }
0x8: {  	[smem:$0x7FF] =	sst s5;
	s17 =	sadd.s32 $0x12A00, s0;
	s7 =	smul.u32 $0xB, s14  }
0x9: {  	s20 =	sadd.s32 $0x13200, s0;
	_ =	strace $0x80000047;
	s9 =	smul.u32 $0x580, s14  }
0xa: {  	s18 =	sadd.s32 s8, s0;
	s15 =	sshrl.u32 s10, $0x1;
	s19 =	smul.u32 $0x118, s14  }
0xb: {  	s21 =	smul.u32 $0x1180, s14;
	s4 =	sadd.s32 s6, s4;
	s16 =	ssub.s32 s10, s15  }
0xc: {  	s2 =	sadd.s32 s2, s18;
	s4 =	sshrl.u32 s4, $0x3;
	s7 =	sadd.s32 s7, s0  }
0xd: {  	s23 =	sshrl.u32 s19, $0x3;
	s24 =	sadd.s32 $0x38, s19;
	s10 =	sadd.s32 s20, s21  }
0xe: {  	s13 =	sadd.s32 $0x70, s19;
	s26 =	sadd.s32 $0xA8, s19;
	s30 =	sadd.s32 $0xE0, s19  }
0xf: {  	s21 =	simm.s32 $0x2;
	s4 =	sadd.s32 s4, s0;
	s0 =	sadd.s32 s9, s0  }
0x10: {  	s22 =	sadd.s32 $0x13000, s7;
	s8 =	sadd.s32 s17, s23;
	s9 =	smax.u32 s16, $0x1  }
0x11: {  	s11 =	sshrl.u32 s24, $0x3;
	s25 =	sshrl.u32 s13, $0x3;
	s14 =	sshll.u32 s13, $0x4  }
0x12: {  	s15 =	sshrl.u32 s26, $0x3;
	s19 =	sshrl.u32 s30, $0x3;
	s23 =	simm.s32 $0x100  }
0x13: {  	[dreg:$0x5] =	wrdreg s22;
	s0 =	sadd.s32 $0x36200, s0;
	s11 =	sadd.s32 s17, s11  }
0x14: {  	s13 =	sadd.s32 s17, s25;
	s14 =	sadd.s32 s20, s14;
	s15 =	sadd.s32 s17, s15  }
0x15: {  	s17 =	sadd.s32 s17, s19;
	s19 =	sadd.s32 $0x41200, s2;
	s22 =	simm.s32 $0xE0  }
0x16: {  	s25 =	simm.s32 $0x7100;
	[dreg:$0x6] =	wrdreg s0;
	s0 =	sshll.u32 s24, $0x4  }
0x17: {  	s2 =	simm.s32 $0x0;
	s12 =	sadd.s32 s20, s0;
	s0 =	sshll.u32 s26, $0x4  }
0x18: {  	s24 =	simm.s32 $0x1;
	s16 =	sadd.s32 s20, s0;
	s0 =	sshll.u32 s30, $0x4  }
0x19: {  	s26 =	simm.s32 $0x38;
	s18 =	sadd.s32 s20, s0;
	s20 =	sadd.s32 $0xE400, s4  }
.LBB2_1:
0x1a: {  	s0 =	sadd.s32 $0x0, s20  }
0x1b: {  	[tilespmem:s5], [sflag:$0x2] =	stream.linear.gather [hbm4b:s0+s5], $0xE0, $0x38;
	[tilespmem:$0xBA00] =	vst v63  }
0x1c: {  	_ =	swait.ge [sflag:s21], $0xE0  }
0x1d: {  	[sflag:s21] =	ssyncset.done $0x0  }
0x1e: {  	[sflag:s21] =	ssyncadd.s32 $0xFFFFFF20  }
0x1f: {  	[tilespmem:s23], [sflag:$0x1] =	stream.indirect.gather [hbm4b:s1+s22], $0x80, s5, s22, $0xb8;
	[tilespmem:$0xBA00] =	vst v63  }
0x20: {  	_ =	swait.ge [sflag:s24], $0x7000  }
0x21: {  	[sflag:s24] =	ssyncset.done $0x0  }
0x22: {  	[sflag:s24] =	ssyncadd.s32 $0xFFFF9000  }
0x23: {  	[hbm4b:s19+s5] =	stream.linear.scatter [tilespmem:s23], [sflag:$0x2], $0x7000, $0x38;
	[tilespmem:$0xBA00] =	vst v63  }
0x24: {  	s4 =	simm.s32 $0x1C;
	_ =	swait.ge [sflag:s21], $0x7000  }
0x25: {  	s30 =	simm.s32 $0x38;
	s0 =	sadd.s32 $0xE00, s19;
	[sflag:s21] =	ssyncset.done $0x0  }
.LBB2_2:
0x26: {  	s6 =	sadd.s32 s4, s20  }
0x27: {  	[sflag:s21] =	ssyncadd.s32 $0xFFFF9000;
	s4 =	smov.u32 s30;
	s7 =	sadd.s32 $0x1C, s30  }
0x28: {  	[tilespmem:s5], [sflag:$0x2] =	stream.linear.gather [hbm4b:s6+s5], $0xE0, $0x38;
	[tilespmem:$0xBA00] =	vst v63  }
0x29: {  	p0 =	sne.s32 s30, $0x214;
	_ =	swait.ge [sflag:s21], $0xE0  }
0x2a: {  	[sflag:s21] =	ssyncset.done $0x0  }
0x2b: {  	[sflag:s21] =	ssyncadd.s32 $0xFFFFFF20  }
0x2c: {  	[tilespmem:s23], [sflag:$0x1] =	stream.indirect.gather [hbm4b:s1+s22], $0x80, s5, s22, $0xb8;
	[tilespmem:$0xBA00] =	vst v63  }
0x2d: {  	_ =	swait.ge [sflag:s24], $0x7000  }
.Ltmp0:
0x2e: {  	[sflag:s24] =	ssyncset.done $0x0;
	(pc) =	sbr.rel @p0 .LBB2_2-.Ltmp0, $4  }
0x2f: {  	[sflag:s24] =	ssyncadd.s32 $0xFFFF9000  }
0x30: {  	[hbm4b:s0+s5] =	stream.linear.scatter [tilespmem:s23], [sflag:$0x2], $0x7000, $0x38;
	[tilespmem:$0xBA00] =	vst v63  }
0x31: {  	_ =	swait.ge [sflag:s21], $0x7000  }
0x32: {  	s30 =	smov.u32 s7;
	s0 =	sadd.s32 $0xE00, s0;
	[sflag:s21] =	ssyncset.done $0x0  }
0x33: {  	s4 =	sadd.s32 s4, s20;
	[sflag:s21] =	ssyncadd.s32 $0xFFFF9000  }
0x34: {  	[tilespmem:s5], [sflag:$0x2] =	stream.linear.gather [hbm4b:s4+s5], $0xE0, $0x38;
	[tilespmem:$0xBA00] =	vst v63  }
0x35: {  	_ =	swait.ge [sflag:s21], $0xE0  }
0x36: {  	[sflag:s21] =	ssyncset.done $0x0  }
0x37: {  	[sflag:s21] =	ssyncadd.s32 $0xFFFFFF20  }
0x38: {  	[tilespmem:s23], [sflag:$0x1] =	stream.indirect.gather [hbm4b:s1+s22], $0x80, s5, s22, $0xb8;
	[tilespmem:$0xBA00] =	vst v63  }
0x39: {  	_ =	swait.ge [sflag:s24], $0x7000  }
0x3a: {  	[sflag:s24] =	ssyncset.done $0x0  }
0x3b: {  	[sflag:s24] =	ssyncadd.s32 $0xFFFF9000  }
0x3c: {  	[hbm4b:s0+s5] =	stream.linear.scatter [tilespmem:s23], [sflag:$0x2], $0x7000, $0x38;
	[tilespmem:$0xBA00] =	vst v63  }
0x3d: {  	_ =	swait.ge [sflag:s21], $0x7000  }
0x3e: {  	[sflag:s21] =	ssyncset.done $0x0  }
0x3f: {  	[sflag:s21] =	ssyncadd.s32 $0xFFFF9000  }
0x40: {  	[tilespmem:s25], [sflag:$0x2] =	stream.linear.gather [hbm4b:s8+s5], $0x38, $0x38;
	[tilespmem:$0xBA00] =	vst v63  }
0x41: {  	_ =	swait.ge [sflag:s21], $0x38  }
0x42: {  	[sflag:s21] =	ssyncset.done $0x0  }
0x43: {  	[sflag:s21] =	ssyncadd.s32 $0xFFFFFFC8  }
0x44: {  	[tilespmem:s28], [sflag:$0x1] =	stream.indirect.gather [hbm4b:s3+s26], $0x80, s25, s26, $0xb8;
	[tilespmem:$0xBA00] =	vst v63  }
0x45: {  	_ =	swait.ge [sflag:s24], $0x1C00  }
0x46: {  	[sflag:s24] =	ssyncset.done $0x0  }
0x47: {  	[sflag:s24] =	ssyncadd.s32 $0xFFFFE400  }
0x48: {  	[hbm4b:s10+s5] =	stream.linear.scatter [tilespmem:s28], [sflag:$0x2], $0x1C00, $0x38;
	[tilespmem:$0xBA00] =	vst v63  }
0x49: {  	_ =	swait.ge [sflag:s21], $0x1C00  }
0x4a: {  	[sflag:s21] =	ssyncset.done $0x0  }
0x4b: {  	[sflag:s21] =	ssyncadd.s32 $0xFFFFE400  }
0x4c: {  	[tilespmem:s25], [sflag:$0x2] =	stream.linear.gather [hbm4b:s11+s5], $0x38, $0x38;
	[tilespmem:$0xBA00] =	vst v63  }
0x4d: {  	_ =	swait.ge [sflag:s21], $0x38  }
0x4e: {  	[sflag:s21] =	ssyncset.done $0x0  }
0x4f: {  	[sflag:s21] =	ssyncadd.s32 $0xFFFFFFC8  }
0x50: {  	[tilespmem:s28], [sflag:$0x1] =	stream.indirect.gather [hbm4b:s3+s26], $0x80, s25, s26, $0xb8;
	[tilespmem:$0xBA00] =	vst v63  }
0x51: {  	_ =	swait.ge [sflag:s24], $0x1C00  }
0x52: {  	[sflag:s24] =	ssyncset.done $0x0  }
0x53: {  	[sflag:s24] =	ssyncadd.s32 $0xFFFFE400  }
0x54: {  	[hbm4b:s12+s5] =	stream.linear.scatter [tilespmem:s28], [sflag:$0x2], $0x1C00, $0x38;
	[tilespmem:$0xBA00] =	vst v63  }
0x55: {  	_ =	swait.ge [sflag:s21], $0x1C00  }
0x56: {  	[sflag:s21] =	ssyncset.done $0x0  }
0x57: {  	[sflag:s21] =	ssyncadd.s32 $0xFFFFE400  }
0x58: {  	[tilespmem:s25], [sflag:$0x2] =	stream.linear.gather [hbm4b:s13+s5], $0x38, $0x38;
	[tilespmem:$0xBA00] =	vst v63  }
0x59: {  	_ =	swait.ge [sflag:s21], $0x38  }
0x5a: {  	[sflag:s21] =	ssyncset.done $0x0  }
0x5b: {  	[sflag:s21] =	ssyncadd.s32 $0xFFFFFFC8  }
0x5c: {  	[tilespmem:s28], [sflag:$0x1] =	stream.indirect.gather [hbm4b:s3+s26], $0x80, s25, s26, $0xb8;
	[tilespmem:$0xBA00] =	vst v63  }
0x5d: {  	_ =	swait.ge [sflag:s24], $0x1C00  }
0x5e: {  	[sflag:s24] =	ssyncset.done $0x0  }
0x5f: {  	[sflag:s24] =	ssyncadd.s32 $0xFFFFE400  }
0x60: {  	[hbm4b:s14+s5] =	stream.linear.scatter [tilespmem:s28], [sflag:$0x2], $0x1C00, $0x38;
	[tilespmem:$0xBA00] =	vst v63  }
0x61: {  	_ =	swait.ge [sflag:s21], $0x1C00  }
0x62: {  	[sflag:s21] =	ssyncset.done $0x0  }
0x63: {  	[sflag:s21] =	ssyncadd.s32 $0xFFFFE400  }
0x64: {  	[tilespmem:s25], [sflag:$0x2] =	stream.linear.gather [hbm4b:s15+s5], $0x38, $0x38;
	[tilespmem:$0xBA00] =	vst v63  }
0x65: {  	_ =	swait.ge [sflag:s21], $0x38  }
0x66: {  	[sflag:s21] =	ssyncset.done $0x0  }
0x67: {  	[sflag:s21] =	ssyncadd.s32 $0xFFFFFFC8  }
0x68: {  	[tilespmem:s28], [sflag:$0x1] =	stream.indirect.gather [hbm4b:s3+s26], $0x80, s25, s26, $0xb8;
	[tilespmem:$0xBA00] =	vst v63  }
0x69: {  	_ =	swait.ge [sflag:s24], $0x1C00  }
0x6a: {  	[sflag:s24] =	ssyncset.done $0x0  }
0x6b: {  	[sflag:s24] =	ssyncadd.s32 $0xFFFFE400  }
0x6c: {  	[hbm4b:s16+s5] =	stream.linear.scatter [tilespmem:s28], [sflag:$0x2], $0x1C00, $0x38;
	[tilespmem:$0xBA00] =	vst v63  }
0x6d: {  	_ =	swait.ge [sflag:s21], $0x1C00  }
0x6e: {  	[sflag:s21] =	ssyncset.done $0x0  }
0x6f: {  	[sflag:s21] =	ssyncadd.s32 $0xFFFFE400  }
0x70: {  	[tilespmem:s25], [sflag:$0x2] =	stream.linear.gather [hbm4b:s17+s5], $0x38, $0x38;
	[tilespmem:$0xBA00] =	vst v63  }
0x71: {  	_ =	swait.ge [sflag:s21], $0x38  }
0x72: {  	[sflag:s21] =	ssyncset.done $0x0  }
0x73: {  	[sflag:s21] =	ssyncadd.s32 $0xFFFFFFC8  }
0x74: {  	[tilespmem:s28], [sflag:$0x1] =	stream.indirect.gather [hbm4b:s3+s26], $0x80, s25, s26, $0xb8;
	[tilespmem:$0xBA00] =	vst v63  }
0x75: {  	_ =	swait.ge [sflag:s24], $0x1C00  }
0x76: {  	[sflag:s24] =	ssyncset.done $0x0  }
0x77: {  	[sflag:s24] =	ssyncadd.s32 $0xFFFFE400  }
0x78: {  	[hbm4b:s18+s5] =	stream.linear.scatter [tilespmem:s28], [sflag:$0x2], $0x1C00, $0x38;
	[tilespmem:$0xBA00] =	vst v63  }
0x79: {  	_ =	swait.ge [sflag:s21], $0x1C00  }
0x7a: {  	[sflag:s21] =	ssyncset.done $0x0  }
0x7b: {  	s4 =	rddreg [dreg:$0x5];
	[sflag:s21] =	ssyncadd.s32 $0xFFFFE400  }
0x7c: {  	[tilespmem:s29], [sflag:$0x2] =	stream.linear.gather [hbm4b:s4+s5], $0x58, $0x38;
	[tilespmem:$0xBA00] =	vst v63  }
0x7d: {  	_ =	swait.ge [sflag:s21], $0x58  }
0x7e: {  	[sflag:s21] =	ssyncset.done $0x0  }
0x7f: {  	[sflag:s21] =	ssyncadd.s32 $0xFFFFFFA8  }
0x80: {  	s7 =	simm.s32 $0x58;
	s6 =	rddreg [dreg:$0x3]  }
0x81: {  	[tilespmem:s31], [sflag:$0x1] =	stream.indirect.gather [hbm4b:s6+s7], $0x80, s29, s7, $0xb8;
	[tilespmem:$0xBA00] =	vst v63  }
0x82: {  	s2 =	sadd.s32 $0x1, s2;
	_ =	swait.ge [sflag:s24], $0x2C00  }
0x83: {  	p0 =	sne.s32 s2, s9;
	[sflag:s24] =	ssyncset.done $0x0  }
.Ltmp1:
0x84: {  	s30 =	rddreg [dreg:$0x6];
	[sflag:s24] =	ssyncadd.s32 $0xFFFFD400;
	(pc) =	sbr.rel @p0 .LBB2_1-.Ltmp1, $4  }
0x85: {  	[hbm4b:s30+s5] =	stream.linear.scatter [tilespmem:s31], [sflag:$0x2], $0x2C00, $0x38;
	[tilespmem:$0xBA00] =	vst v63  }
0x86: {  	_ =	swait.ge [sflag:s21], $0x2C00  }
0x87: {  	[sflag:s21] =	ssyncset.done $0x0  }
0x88: {  	[sflag:s21] =	ssyncadd.s32 $0xFFFFD400  }
0x89: {  	_ =	sfence.sel $0x180000  }
0x8a: {  	[bflag:$0x0] =	sbarrier.arrive $0xFFFF  }
0x8b: {  	_ =	strace $0x90000047  }
0x8c: {  	s0 =	stileid.u32;
	[bflag:$0x2] =	sbarrier.arrive $0xFFFF  }
0x8d: {  	p0 =	sne.s32 s0, $0x0;
	s0 =	rddreg [dreg:$0x4]  }
0x8e: {  	s0 =	sadd.s32 @!p0 $0x100000, s0  }
0x8f: {  	[sflag:s0] =	ssyncadd.tile.s32 @!p0 $0x1;
	_ =	shalt  }
.Lfunc_end2:
_tile_overlayer_lowered:
.L_overlay_start_2:
0x90: {  	(tag) =	ssettag $0x2  }
0x91: {  	s0 =	rddreg [dreg:$0x0];
	s2 =	stileid.u32  }
0x92: {  	s1 =	rddreg [dreg:$0x1];
	p0 =	sne.s32 s2, $0x0  }
0x93: {  	s3 =	rddreg [dreg:$0x2];
	[bflag:$0x3] =	sbarrier.arrive $0xFFFF;
	s2 =	simm.s32 @!p0 $0x1C02  }
0x94: {  	[timem:s3], [sflag:s2] =	dma.local @!p0 [hbm:s0], s1  }
0x95: {  	s0 =	simm.s32 @!p0 $0x2  }
0x96: {  	_ =	swait.ge @!p0 [sflag:s0], s1  }
0x97: {  	s1 =	ssub.s32 @!p0 $0x0, s1;
	[sflag:s0] =	ssyncset.done @!p0 $0x0  }
0x98: {  	[sflag:s0] =	ssyncadd.s32 @!p0 s1  }
0x99: {  	[bflag:$0x3] =	sbarrier.arrive $0xFFFF  }
0x9a: {  	_ =	shalt  }

// kernel: kernel.13.cloned.1.call-start
scs
__scs_entry_jumppad:
0x0: {  	(pc) =	sbr.rel $0x88, $3  }
0x1: {  	(tag) =	ssettag $0x0;
	lr =	simm.s32 $0x1  }
0x2: {  	[smem:$0x3F99] =	sst lr;
	_ =	strace $0xD0000000  }
0x3: {  	_ = 	snop  }
0x4: {  	_ = 	snop  }
0x5: {  	_ = 	snop  }
0x6: {  	_ = 	snop  }
0x7: {  	_ = 	snop  }
__scs_overlays_trampoline_lowered:
0x8: {  	[smem:$0x3FA8] =	sst s0  }
0x9: {  	[smem:$0x3FA9] =	sst s1  }
0xa: {  	[smem:$0x3FAA] =	sst s2  }
0xb: {  	[smem:$0x3FAB] =	sst s3  }
0xc: {  	[smem:$0x3FAC] =	sst s4  }
0xd: {  	[smem:$0x3FAD] =	sst s5  }
0xe: {  	[smem:$0x3FAE] =	sst s6  }
0xf: {  	[smem:$0x3FAF] =	sst s7  }
0x10: {  	[smem:$0x3FB0] =	sst s8  }
0x11: {  	[smem:$0x3FB1] =	sst s9;
	s0 =	simm.s32 @!p0 $0x0  }
0x12: {  	s1 =	sld [smem:$0x3F97];
	s0 =	simm.s32 @p0 $0x1  }
0x13: {  	[smem:$0x3FB2] =	sst s0;
	s0 =	simm.s32 @!p1 $0x0  }
0x14: {  	s2 =	sld [smem:$0x3F96];
	s0 =	simm.s32 @p1 $0x1  }
0x15: {  	[smem:$0x3FB3] =	sst s0;
	s0 =	simm.s32 @!p2 $0x0  }
0x16: {  	s3 =	sld [smem:$0x3FDB];
	s0 =	simm.s32 @p2 $0x1  }
0x17: {  	s4 =	simm.s32 $0x1BF5;
	[smem:$0x3FB5] =	sst s0  }
0x18: {  	s0 =	sld [smem:$0x3F98];
	_ =	swait.ge [sflag:s4], $0x0  }
0x19: {  	s7 =	sld [smem:$0x3F99]  }
0x1a: {  	s8 =	sadd.s32 $0xFFFFE003, lr  }
0x1b: {  	s9 =	sadd.s32 $0xFFFFFEF7, lr;
	s5 =	simm.s32 $0xFFFFFFFF;
	p2 =	slt.u32 s8, $0xFFFFF086  }
0x1c: {  	p1 =	slt.u32 s9, $0xF7A;
	s5 =	simm.s32 @!p2 $0x0  }
0x1d: {  	s5 =	simm.s32 @p1 $0x1;
	p0 =	seq.s32 s7, s2  }
0x1e: {  	s7 =	smul.u32 @!p0 $0xF7A, s2;
	p2 =	seq.s32 @!p0 s5, $0x0  }
0x1f: {  	s9 =	smul.u32 $0xF7A, s1;
	s8 =	simm.s32 @!p0 $0x1BF5;
	p2 =	por !p2, p0  }
0x20: {  	[sflag:s8] =	ssyncset.s32 @!p0 $0xFFFFF086;
	s6 =	sadd.s32 @!p0 s3, s7;
	s7 =	simm.s32 @!p0 $0x108  }
0x21: {  	s3 =	sadd.s32 s3, s9;
	s6 =	sadd.s32 @!p0 $0x88, s6;
	s7 =	simm.s32 @p2 $0x1082  }
0x22: {  	[simem:s7], [sflag:s8] =	dma.local @!p0 [hbm:s6], $0xF7A  }
0x23: {  	s9 =	sor.u32 $0xD0000000, s2;
	s6 =	simm.s32 $0x108;
	_ =	swait.ge @!p0 [sflag:s8], $0x0  }
0x24: {  	s3 =	sadd.s32 $0x88, s3;
	s6 =	simm.s32 @!p1 $0x1082;
	[sflag:s4] =	ssyncset.s32 $0xFFFFF086  }
0x25: {  	[simem:s6], [sflag:s4] =	dma.local [hbm:s3], $0xF7A  }
0x26: {  	[smem:$0x3F99] =	sst s1;
	(tag) =	ssettag s2;
	_ =	strace s9  }
0x27: {  	s1 =	sld [smem:$0x3FA9]  }
0x28: {  	s2 =	sld [smem:$0x3FAA]  }
0x29: {  	s4 =	sld [smem:$0x3FAC]  }
0x2a: {  	p0 =	seq.s32 s5, $0x0;
	s5 =	sld [smem:$0x3FAD]  }
0x2b: {  	s6 =	sld [smem:$0x3FAE]  }
0x2c: {  	s7 =	sld [smem:$0x3FAF]  }
0x2d: {  	s3 =	simm.s32 $0x108;
	s8 =	sld [smem:$0x3FB0]  }
0x2e: {  	s3 =	simm.s32 @!p0 $0x1082;
	s9 =	sld [smem:$0x3FB1]  }
0x2f: {  	lr =	sadd.s32 s0, s3;
	s0 =	sld [smem:$0x3FA8]  }
0x30: {  	s3 =	sld [smem:$0x3FAB]  }
0x31: {  	[smem:$0x3FB4] =	sst s10  }
0x32: {  	s10 =	sld [smem:$0x3FB2];
	_ =	sdelay $0x3  }
0x33: {  	p0 =	seq.s32 s10, $0x1;
	s10 =	sld [smem:$0x3FB4];
	_ =	sdelay $0x3  }
0x34: {  	[smem:$0x3FB4] =	sst s10  }
0x35: {  	s10 =	sld [smem:$0x3FB3];
	_ =	sdelay $0x3  }
0x36: {  	p1 =	seq.s32 s10, $0x1;
	s10 =	sld [smem:$0x3FB4];
	_ =	sdelay $0x3  }
0x37: {  	[smem:$0x3FB4] =	sst s10  }
0x38: {  	s10 =	sld [smem:$0x3FB5]  }
0x39: {  	_ = 	snop;
	(pc) =	sbr.ind lr, $3  }
0x3a: {  	_ = 	snop  }
0x3b: {  	_ = 	snop  }
0x3c: {  	p2 =	seq.s32 s10, $0x1;
	s10 =	sld [smem:$0x3FB4]  }
0x3d: {  	_ =	shalt  }
0x3e: {  	_ =	shalt  }
0x3f: {  	_ =	shalt  }
0x40: {  	_ =	shalt  }
0x41: {  	_ =	shalt  }
0x42: {  	_ =	shalt  }
0x43: {  	_ =	shalt  }
0x44: {  	_ =	shalt  }
0x45: {  	_ =	shalt  }
0x46: {  	_ =	shalt  }
0x47: {  	_ =	shalt  }
0x48: {  	_ =	shalt  }
0x49: {  	_ =	shalt  }
0x4a: {  	_ =	shalt  }
0x4b: {  	_ =	shalt  }
0x4c: {  	_ =	shalt  }
0x4d: {  	_ =	shalt  }
0x4e: {  	_ =	shalt  }
0x4f: {  	_ =	shalt  }
0x50: {  	_ =	shalt  }
0x51: {  	_ =	shalt  }
0x52: {  	_ =	shalt  }
0x53: {  	_ =	shalt  }
0x54: {  	_ =	shalt  }
0x55: {  	_ =	shalt  }
0x56: {  	_ =	shalt  }
0x57: {  	_ =	shalt  }
0x58: {  	_ =	shalt  }
0x59: {  	_ =	shalt  }
0x5a: {  	_ =	shalt  }
0x5b: {  	_ =	shalt  }
0x5c: {  	_ =	shalt  }
0x5d: {  	_ =	shalt  }
0x5e: {  	_ =	shalt  }
0x5f: {  	_ =	shalt  }
0x60: {  	_ =	shalt  }
0x61: {  	_ =	shalt  }
0x62: {  	_ =	shalt  }
0x63: {  	_ =	shalt  }
0x64: {  	_ =	shalt  }
0x65: {  	_ =	shalt  }
0x66: {  	_ =	shalt  }
0x67: {  	_ =	shalt  }
0x68: {  	_ =	shalt  }
0x69: {  	_ =	shalt  }
0x6a: {  	_ =	shalt  }
0x6b: {  	_ =	shalt  }
0x6c: {  	_ =	shalt  }
0x6d: {  	_ =	shalt  }
0x6e: {  	_ =	shalt  }
0x6f: {  	_ =	shalt  }
0x70: {  	_ =	shalt  }
0x71: {  	_ =	shalt  }
0x72: {  	_ =	shalt  }
0x73: {  	_ =	shalt  }
0x74: {  	_ =	shalt  }
0x75: {  	_ =	shalt  }
0x76: {  	_ =	shalt  }
0x77: {  	_ =	shalt  }
0x78: {  	_ =	shalt  }
0x79: {  	_ =	shalt  }
0x7a: {  	_ =	shalt  }
0x7b: {  	_ =	shalt  }
0x7c: {  	_ =	shalt  }
0x7d: {  	_ =	shalt  }
0x7e: {  	_ =	shalt  }
0x7f: {  	_ =	shalt  }
0x80: {  	_ =	shalt  }
0x81: {  	_ =	shalt  }
0x82: {  	_ =	shalt  }
0x83: {  	_ =	shalt  }
0x84: {  	_ =	shalt  }
0x85: {  	_ =	shalt  }
0x86: {  	_ =	shalt  }
0x87: {  	_ =	shalt  }
.Lfunc_end0:
.L_simem_size_0:
called_computation.1_lowered:
.L_overlay_start_0:
0x88: {  	s2 =	sld [smem:$0x3FD9]  }
0x89: {  	s3 =	sld [smem:$0x3FFE];
	_ =	sdelay $0x1  }
0x8a: {  	s1 =	srdreg.scid  }
0x8b: {  	s0 =	sand.u32 $0x1, s1  }
0x8c: {  	s17 =	sshll.u32 s0, $0xA;
	s2 =	sadd.s32 s3, s2  }
0x8d: {  	s2 =	sadd.s32 s2, s17  }
0x8e: {  	[smem:$0x3FC0] =	sst s2  }
0x8f: {  	_ = 	snop  }
0x90: {  	s18 =	sld [smem:$0x3FC8]  }
0x91: {  	s4 =	sld [smem:$0x3FC7]  }
0x92: {  	s5 =	sld [smem:$0x3FC6];
	(tm) =	ssettm $0x1  }
0x93: {  	s19 =	sld [smem:$0x3FFB];
	_ =	sdelay $0x3  }
0x94: {  	_ =	strace s19  }
0x95: {  	s2 =	sld [smem:$0x3FFC];
	_ =	sdelay $0x3  }
0x96: {  	_ =	strace s2  }
0x97: {  	s2 =	sld [smem:$0x3FFD];
	_ =	sdelay $0x3  }
0x98: {  	_ =	strace s2  }
0x99: {  	_ =	strace $0x8FFFFFFF  }
0x9a: {  	s20 =	sld [smem:$0x3FDB];
	_ =	sdelay $0x1  }
0x9b: {  	s6 =	simm.s32 $_scs_section_size  }
0x9c: {  	s7 =	simm.s32 $_size__tile_overlayer_lowered;
	s8 =	simm.s32 $_tile_overlayer_lowered  }
0x9d: {  	s9 =	simm.s32 $0x1BFF;
	s21 =	sshll.u32 s8, $0x1;
	s6 =	sadd.s32 s6, s20  }
0x9e: {  	s22 =	simm.s32 $0x0;
	s7 =	sshll.u32 s7, $0x1;
	s8 =	sadd.s32 s21, s6  }
0x9f: {  	[timem:s22], [sflag:s9] =	dma.local [hbm:s8], s7  }
0xa0: {  	_ =	swait.ge [sflag:s9], s7  }
0xa1: {  	s7 =	ssub.s32 $0x0, s7;
	[sflag:s9] =	ssyncset.done $0x0  }
0xa2: {  	[sflag:s9] =	ssyncadd.s32 s7;
	_ =	sdelay $0x1  }
0xa3: {  	s23 =	simm.s32 $0x1B8B  }
0xa4: {  	_ =	swait.ge [sflag:s23], $0x1  }
0xa5: {  	[sflag:s23] =	ssyncset.done $0x0  }
0xa6: {  	[sflag:s23] =	ssyncadd.s32 $0xFFFFFFFF  }
0xa7: {  	s7 =	sld [smem:$0x0]  }
0xa8: {  	s8 =	sand.u32 $0xFFFFFFFE, s1  }
0xa9: {  	p0 =	sne.s32 s1, s8  }
0xaa: {  	s8 =	sshll.u32 @p0 s8, $0xE  }
0xab: {  	s8 =	sadd.s32 @p0 $0x11B8D, s8;
	s9 =	sshll.u32 @p0 s7, $0x11  }
0xac: {  	s8 =	sor.u32 @p0 s9, s8  }
0xad: {  	[sflag:s8] =	ssyncadd.remote.s32 @p0 $0x1;
	_ =	sdelay $0x1  }
0xae: {  	s8 =	simm.s32 @p0 $0x1B8D  }
0xaf: {  	_ =	swait.eq @p0 [sflag:s8], $0x1  }
0xb0: {  	[sflag:s8] =	ssyncadd.s32 @p0 $0xFFFFFFFF  }
0xb1: {  	s9 =	sshll.u32 @!p0 s1, $0xE  }
0xb2: {  	s9 =	sor.u32 @!p0 $0x4000, s9;
	s8 =	simm.s32 @!p0 $0x1B8D  }
0xb3: {  	s7 =	sshll.u32 @!p0 s7, $0x11;
	s9 =	sadd.s32 @!p0 $0x11B8D, s9;
	_ =	swait.eq @!p0 [sflag:s8], $0x1  }
0xb4: {  	s7 =	sor.u32 @!p0 s7, s9;
	[sflag:s8] =	ssyncadd.s32 @!p0 $0xFFFFFFFF  }
0xb5: {  	s25 =	simm.s32 $0x1B8E;
	s24 =	sld [smem:$0x3FFE];
	[sflag:s7] =	ssyncadd.remote.s32 @!p0 $0x1  }
0xb6: {  	s26 =	simm.s32 $execute0_lowered;
	[smem:$0x3FD2] =	sst s25  }
0xb7: {  	s8 =	sshll.u32 s26, $0x1;
	_ =	strace $0x80000049;
	[dreg:$0x1] =	wrdreg $0xFFFFFFFF  }
0xb8: {  	s28 =	simm.s32 $_size_execute0_lowered;
	s6 =	sadd.s32 s6, s8;
	[dreg:$0x0] =	wrdreg $0x0  }
0xb9: {  	s8 =	sshll.u32 s28, $0x1;
	[dreg:$0x2] =	wrdreg s6  }
0xba: {  	[dreg:$0x3] =	wrdreg s8  }
0xbb: {  	[dreg:$0x4] =	wrdreg $0xC0  }
0xbc: {  	_ =	task [dreg:s22], $0x5FFFF  }
0xbd: {  	[dreg:$0x1] =	wrdreg $0xFFFFFFFF  }
0xbe: {  	[dreg:$0x0] =	wrdreg $0x60  }
0xbf: {  	[dreg:$0x2] =	wrdreg s24  }
0xc0: {  	[dreg:$0x3] =	wrdreg s5  }
0xc1: {  	[dreg:$0x4] =	wrdreg s4  }
0xc2: {  	[dreg:$0x5] =	wrdreg s18  }
0xc3: {  	[dreg:$0x6] =	wrdreg $0xA  }
0xc4: {  	_ =	task.clear_ibuf [dreg:s22], $0x7FFFF;
	_ =	strace $0x90000049  }
0xc5: {  	s29 =	simm.s32 $0xA;
	_ =	strace $0x8000004B  }
0xc6: {  	_ =	swait.ge [sflag:s29], $0x1  }
0xc7: {  	[sflag:s29] =	ssyncadd.s32 $0xFFFFFFFF  }
0xc8: {  	_ =	strace $0x9000004B  }
0xc9: {  	_ =	sfence  }
0xca: {  	s30 =	sld [smem:$0x0];
	_ =	sdelay $0x2  }
0xcb: {  	s31 =	sshll.u32 s1, $0xD;
	s1 =	sshrl.u32 s1, $0x2  }
0xcc: {  	s4 =	sand.u32 $0x4000, s31;
	s1 =	sadd.s32 s1, s30  }
0xcd: {  	s0 =	sor.u32 s4, s0;
	s1 =	sshll.u32 s1, $0x11  }
0xce: {  	s0 =	sor.u32 s1, s0  }
0xcf: {  	s0 =	sadd.s32 $0x8F2B, s0  }
0xd0: {  	[sflag:s0] =	ssyncadd.remote.s32 $0x1  }
0xd1: {  	_ =	sfence.sel $0xFFFF  }
0xd2: {  	[dreg:$0x0] =	wrdreg $0xFFFFFFFF;
	(pc) =	sbr.abs _section_cstart, $3  }
0xd3: {  	[dreg:$0x1] =	wrdreg $0xFFFFFFFF  }
0xd4: {  	_ =	task.clear_ibuf [dreg:s22], $0x2FFFF;
	_ =	strace $0x9FFFFFFF  }
0xd5: {  	(tm) =	ssettm $0x7FFFFFFF  }
tec
execute0_lowered:
.L_overlay_start_1:
0x0: {  	(tag) =	ssettag $0x1  }
0x1: {  	s0 =	rddreg [dreg:$0x0]  }
0x2: {  	s1 =	rddreg [dreg:$0x1];
	s2 =	srdreg.scid  }
0x3: {  	s8 =	stileid.u32;
	s3 =	rddreg [dreg:$0x2]  }
0x4: {  	s5 =	simm.s32 $0x0;
	s28 =	simm.s32 $0x7180;
	s4 =	smul.u32 $0x2300, s8  }
0x5: {  	s2 =	sand.u32 $0x1, s2;
	s7 =	sshll.u32 s8, $0x1;
	s8 =	smul.u32 $0x23000, s8  }
0x6: {  	s29 =	simm.s32 $0x8D80;
	s31 =	simm.s32 $0x8E00;
	s6 =	smul.u32 $0x1180, s2  }
0x7: {  	s14 =	sor.u32 s2, s7;
	s10 =	ssub.s32 $0x2, s2;
	s2 =	smul.u32 $0x11800, s2  }
0x8: {  	[smem:$0x7FF] =	sst s5;
	s17 =	sadd.s32 $0x275800, s0;
	s7 =	smul.u32 $0xB, s14  }
0x9: {  	s20 =	sadd.s32 $0x276000, s0;
	_ =	strace $0x8000004A;
	s9 =	smul.u32 $0x580, s14  }
0xa: {  	s18 =	sadd.s32 s8, s0;
	s15 =	sshrl.u32 s10, $0x1;
	s19 =	smul.u32 $0x118, s14  }
0xb: {  	s21 =	smul.u32 $0x1180, s14;
	s4 =	sadd.s32 s6, s4;
	s16 =	ssub.s32 s10, s15  }
0xc: {  	s2 =	sadd.s32 s2, s18;
	s4 =	sshrl.u32 s4, $0x3;
	s7 =	sadd.s32 s7, s0  }
0xd: {  	s23 =	sshrl.u32 s19, $0x3;
	s24 =	sadd.s32 $0x38, s19;
	s10 =	sadd.s32 s20, s21  }
0xe: {  	s13 =	sadd.s32 $0x70, s19;
	s26 =	sadd.s32 $0xA8, s19;
	s30 =	sadd.s32 $0xE0, s19  }
0xf: {  	s21 =	simm.s32 $0x2;
	s4 =	sadd.s32 s4, s0;
	s0 =	sadd.s32 s9, s0  }
0x10: {  	s22 =	sadd.s32 $0x275E00, s7;
	s8 =	sadd.s32 s17, s23;
	s9 =	smax.u32 s16, $0x1  }
0x11: {  	s11 =	sshrl.u32 s24, $0x3;
	s25 =	sshrl.u32 s13, $0x3;
	s14 =	sshll.u32 s13, $0x4  }
0x12: {  	s15 =	sshrl.u32 s26, $0x3;
	s19 =	sshrl.u32 s30, $0x3;
	s23 =	simm.s32 $0x100  }
0x13: {  	[dreg:$0x5] =	wrdreg s22;
	s0 =	sadd.s32 $0x299000, s0;
	s11 =	sadd.s32 s17, s11  }
0x14: {  	s13 =	sadd.s32 s17, s25;
	s14 =	sadd.s32 s20, s14;
	s15 =	sadd.s32 s17, s15  }
0x15: {  	s17 =	sadd.s32 s17, s19;
	s19 =	sadd.s32 $0x2A4000, s2;
	s22 =	simm.s32 $0xE0  }
0x16: {  	s25 =	simm.s32 $0x7100;
	[dreg:$0x6] =	wrdreg s0;
	s0 =	sshll.u32 s24, $0x4  }
0x17: {  	s2 =	simm.s32 $0x0;
	s12 =	sadd.s32 s20, s0;
	s0 =	sshll.u32 s26, $0x4  }
0x18: {  	s24 =	simm.s32 $0x1;
	s16 =	sadd.s32 s20, s0;
	s0 =	sshll.u32 s30, $0x4  }
0x19: {  	s26 =	simm.s32 $0x38;
	s18 =	sadd.s32 s20, s0;
	s20 =	sadd.s32 $0x271200, s4  }
.LBB2_1:
0x1a: {  	s0 =	sadd.s32 $0x0, s20  }
0x1b: {  	[tilespmem:s5], [sflag:$0x2] =	stream.linear.gather [hbm4b:s0+s5], $0xE0, $0x38;
	[tilespmem:$0xBA00] =	vst v63  }
0x1c: {  	_ =	swait.ge [sflag:s21], $0xE0  }
0x1d: {  	[sflag:s21] =	ssyncset.done $0x0  }
0x1e: {  	[sflag:s21] =	ssyncadd.s32 $0xFFFFFF20  }
0x1f: {  	[tilespmem:s23], [sflag:$0x1] =	stream.indirect.gather [hbm4b:s1+s22], $0x80, s5, s22, $0xb8;
	[tilespmem:$0xBA00] =	vst v63  }
0x20: {  	_ =	swait.ge [sflag:s24], $0x7000  }
0x21: {  	[sflag:s24] =	ssyncset.done $0x0  }
0x22: {  	[sflag:s24] =	ssyncadd.s32 $0xFFFF9000  }
0x23: {  	[hbm4b:s19+s5] =	stream.linear.scatter [tilespmem:s23], [sflag:$0x2], $0x7000, $0x38;
	[tilespmem:$0xBA00] =	vst v63  }
0x24: {  	s4 =	simm.s32 $0x1C;
	_ =	swait.ge [sflag:s21], $0x7000  }
0x25: {  	s30 =	simm.s32 $0x38;
	s0 =	sadd.s32 $0xE00, s19;
	[sflag:s21] =	ssyncset.done $0x0  }
.LBB2_2:
0x26: {  	s6 =	sadd.s32 s4, s20  }
0x27: {  	[sflag:s21] =	ssyncadd.s32 $0xFFFF9000;
	s4 =	smov.u32 s30;
	s7 =	sadd.s32 $0x1C, s30  }
0x28: {  	[tilespmem:s5], [sflag:$0x2] =	stream.linear.gather [hbm4b:s6+s5], $0xE0, $0x38;
	[tilespmem:$0xBA00] =	vst v63  }
0x29: {  	p0 =	sne.s32 s30, $0x214;
	_ =	swait.ge [sflag:s21], $0xE0  }
0x2a: {  	[sflag:s21] =	ssyncset.done $0x0  }
0x2b: {  	[sflag:s21] =	ssyncadd.s32 $0xFFFFFF20  }
0x2c: {  	[tilespmem:s23], [sflag:$0x1] =	stream.indirect.gather [hbm4b:s1+s22], $0x80, s5, s22, $0xb8;
	[tilespmem:$0xBA00] =	vst v63  }
0x2d: {  	_ =	swait.ge [sflag:s24], $0x7000  }
.Ltmp0:
0x2e: {  	[sflag:s24] =	ssyncset.done $0x0;
	(pc) =	sbr.rel @p0 .LBB2_2-.Ltmp0, $4  }
0x2f: {  	[sflag:s24] =	ssyncadd.s32 $0xFFFF9000  }
0x30: {  	[hbm4b:s0+s5] =	stream.linear.scatter [tilespmem:s23], [sflag:$0x2], $0x7000, $0x38;
	[tilespmem:$0xBA00] =	vst v63  }
0x31: {  	_ =	swait.ge [sflag:s21], $0x7000  }
0x32: {  	s30 =	smov.u32 s7;
	s0 =	sadd.s32 $0xE00, s0;
	[sflag:s21] =	ssyncset.done $0x0  }
0x33: {  	s4 =	sadd.s32 s4, s20;
	[sflag:s21] =	ssyncadd.s32 $0xFFFF9000  }
0x34: {  	[tilespmem:s5], [sflag:$0x2] =	stream.linear.gather [hbm4b:s4+s5], $0xE0, $0x38;
	[tilespmem:$0xBA00] =	vst v63  }
0x35: {  	_ =	swait.ge [sflag:s21], $0xE0  }
0x36: {  	[sflag:s21] =	ssyncset.done $0x0  }
0x37: {  	[sflag:s21] =	ssyncadd.s32 $0xFFFFFF20  }
0x38: {  	[tilespmem:s23], [sflag:$0x1] =	stream.indirect.gather [hbm4b:s1+s22], $0x80, s5, s22, $0xb8;
	[tilespmem:$0xBA00] =	vst v63  }
0x39: {  	_ =	swait.ge [sflag:s24], $0x7000  }
0x3a: {  	[sflag:s24] =	ssyncset.done $0x0  }
0x3b: {  	[sflag:s24] =	ssyncadd.s32 $0xFFFF9000  }
0x3c: {  	[hbm4b:s0+s5] =	stream.linear.scatter [tilespmem:s23], [sflag:$0x2], $0x7000, $0x38;
	[tilespmem:$0xBA00] =	vst v63  }
0x3d: {  	_ =	swait.ge [sflag:s21], $0x7000  }
0x3e: {  	[sflag:s21] =	ssyncset.done $0x0  }
0x3f: {  	[sflag:s21] =	ssyncadd.s32 $0xFFFF9000  }
0x40: {  	[tilespmem:s25], [sflag:$0x2] =	stream.linear.gather [hbm4b:s8+s5], $0x38, $0x38;
	[tilespmem:$0xBA00] =	vst v63  }
0x41: {  	_ =	swait.ge [sflag:s21], $0x38  }
0x42: {  	[sflag:s21] =	ssyncset.done $0x0  }
0x43: {  	[sflag:s21] =	ssyncadd.s32 $0xFFFFFFC8  }
0x44: {  	[tilespmem:s28], [sflag:$0x1] =	stream.indirect.gather [hbm4b:s3+s26], $0x80, s25, s26, $0xb8;
	[tilespmem:$0xBA00] =	vst v63  }
0x45: {  	_ =	swait.ge [sflag:s24], $0x1C00  }
0x46: {  	[sflag:s24] =	ssyncset.done $0x0  }
0x47: {  	[sflag:s24] =	ssyncadd.s32 $0xFFFFE400  }
0x48: {  	[hbm4b:s10+s5] =	stream.linear.scatter [tilespmem:s28], [sflag:$0x2], $0x1C00, $0x38;
	[tilespmem:$0xBA00] =	vst v63  }
0x49: {  	_ =	swait.ge [sflag:s21], $0x1C00  }
0x4a: {  	[sflag:s21] =	ssyncset.done $0x0  }
0x4b: {  	[sflag:s21] =	ssyncadd.s32 $0xFFFFE400  }
0x4c: {  	[tilespmem:s25], [sflag:$0x2] =	stream.linear.gather [hbm4b:s11+s5], $0x38, $0x38;
	[tilespmem:$0xBA00] =	vst v63  }
0x4d: {  	_ =	swait.ge [sflag:s21], $0x38  }
0x4e: {  	[sflag:s21] =	ssyncset.done $0x0  }
0x4f: {  	[sflag:s21] =	ssyncadd.s32 $0xFFFFFFC8  }
0x50: {  	[tilespmem:s28], [sflag:$0x1] =	stream.indirect.gather [hbm4b:s3+s26], $0x80, s25, s26, $0xb8;
	[tilespmem:$0xBA00] =	vst v63  }
0x51: {  	_ =	swait.ge [sflag:s24], $0x1C00  }
0x52: {  	[sflag:s24] =	ssyncset.done $0x0  }
0x53: {  	[sflag:s24] =	ssyncadd.s32 $0xFFFFE400  }
0x54: {  	[hbm4b:s12+s5] =	stream.linear.scatter [tilespmem:s28], [sflag:$0x2], $0x1C00, $0x38;
	[tilespmem:$0xBA00] =	vst v63  }
0x55: {  	_ =	swait.ge [sflag:s21], $0x1C00  }
0x56: {  	[sflag:s21] =	ssyncset.done $0x0  }
0x57: {  	[sflag:s21] =	ssyncadd.s32 $0xFFFFE400  }
0x58: {  	[tilespmem:s25], [sflag:$0x2] =	stream.linear.gather [hbm4b:s13+s5], $0x38, $0x38;
	[tilespmem:$0xBA00] =	vst v63  }
0x59: {  	_ =	swait.ge [sflag:s21], $0x38  }
0x5a: {  	[sflag:s21] =	ssyncset.done $0x0  }
0x5b: {  	[sflag:s21] =	ssyncadd.s32 $0xFFFFFFC8  }
0x5c: {  	[tilespmem:s28], [sflag:$0x1] =	stream.indirect.gather [hbm4b:s3+s26], $0x80, s25, s26, $0xb8;
	[tilespmem:$0xBA00] =	vst v63  }
0x5d: {  	_ =	swait.ge [sflag:s24], $0x1C00  }
0x5e: {  	[sflag:s24] =	ssyncset.done $0x0  }
0x5f: {  	[sflag:s24] =	ssyncadd.s32 $0xFFFFE400  }
0x60: {  	[hbm4b:s14+s5] =	stream.linear.scatter [tilespmem:s28], [sflag:$0x2], $0x1C00, $0x38;
	[tilespmem:$0xBA00] =	vst v63  }
0x61: {  	_ =	swait.ge [sflag:s21], $0x1C00  }
0x62: {  	[sflag:s21] =	ssyncset.done $0x0  }
0x63: {  	[sflag:s21] =	ssyncadd.s32 $0xFFFFE400  }
0x64: {  	[tilespmem:s25], [sflag:$0x2] =	stream.linear.gather [hbm4b:s15+s5], $0x38, $0x38;
	[tilespmem:$0xBA00] =	vst v63  }
0x65: {  	_ =	swait.ge [sflag:s21], $0x38  }
0x66: {  	[sflag:s21] =	ssyncset.done $0x0  }
0x67: {  	[sflag:s21] =	ssyncadd.s32 $0xFFFFFFC8  }
0x68: {  	[tilespmem:s28], [sflag:$0x1] =	stream.indirect.gather [hbm4b:s3+s26], $0x80, s25, s26, $0xb8;
	[tilespmem:$0xBA00] =	vst v63  }
0x69: {  	_ =	swait.ge [sflag:s24], $0x1C00  }
0x6a: {  	[sflag:s24] =	ssyncset.done $0x0  }
0x6b: {  	[sflag:s24] =	ssyncadd.s32 $0xFFFFE400  }
0x6c: {  	[hbm4b:s16+s5] =	stream.linear.scatter [tilespmem:s28], [sflag:$0x2], $0x1C00, $0x38;
	[tilespmem:$0xBA00] =	vst v63  }
0x6d: {  	_ =	swait.ge [sflag:s21], $0x1C00  }
0x6e: {  	[sflag:s21] =	ssyncset.done $0x0  }
0x6f: {  	[sflag:s21] =	ssyncadd.s32 $0xFFFFE400  }
0x70: {  	[tilespmem:s25], [sflag:$0x2] =	stream.linear.gather [hbm4b:s17+s5], $0x38, $0x38;
	[tilespmem:$0xBA00] =	vst v63  }
0x71: {  	_ =	swait.ge [sflag:s21], $0x38  }
0x72: {  	[sflag:s21] =	ssyncset.done $0x0  }
0x73: {  	[sflag:s21] =	ssyncadd.s32 $0xFFFFFFC8  }
0x74: {  	[tilespmem:s28], [sflag:$0x1] =	stream.indirect.gather [hbm4b:s3+s26], $0x80, s25, s26, $0xb8;
	[tilespmem:$0xBA00] =	vst v63  }
0x75: {  	_ =	swait.ge [sflag:s24], $0x1C00  }
0x76: {  	[sflag:s24] =	ssyncset.done $0x0  }
0x77: {  	[sflag:s24] =	ssyncadd.s32 $0xFFFFE400  }
0x78: {  	[hbm4b:s18+s5] =	stream.linear.scatter [tilespmem:s28], [sflag:$0x2], $0x1C00, $0x38;
	[tilespmem:$0xBA00] =	vst v63  }
0x79: {  	_ =	swait.ge [sflag:s21], $0x1C00  }
0x7a: {  	[sflag:s21] =	ssyncset.done $0x0  }
0x7b: {  	s4 =	rddreg [dreg:$0x5];
	[sflag:s21] =	ssyncadd.s32 $0xFFFFE400  }
0x7c: {  	[tilespmem:s29], [sflag:$0x2] =	stream.linear.gather [hbm4b:s4+s5], $0x58, $0x38;
	[tilespmem:$0xBA00] =	vst v63  }
0x7d: {  	_ =	swait.ge [sflag:s21], $0x58  }
0x7e: {  	[sflag:s21] =	ssyncset.done $0x0  }
0x7f: {  	[sflag:s21] =	ssyncadd.s32 $0xFFFFFFA8  }
0x80: {  	s7 =	simm.s32 $0x58;
	s6 =	rddreg [dreg:$0x3]  }
0x81: {  	[tilespmem:s31], [sflag:$0x1] =	stream.indirect.gather [hbm4b:s6+s7], $0x80, s29, s7, $0xb8;
	[tilespmem:$0xBA00] =	vst v63  }
0x82: {  	s2 =	sadd.s32 $0x1, s2;
	_ =	swait.ge [sflag:s24], $0x2C00  }
0x83: {  	p0 =	sne.s32 s2, s9;
	[sflag:s24] =	ssyncset.done $0x0  }
.Ltmp1:
0x84: {  	s30 =	rddreg [dreg:$0x6];
	[sflag:s24] =	ssyncadd.s32 $0xFFFFD400;
	(pc) =	sbr.rel @p0 .LBB2_1-.Ltmp1, $4  }
0x85: {  	[hbm4b:s30+s5] =	stream.linear.scatter [tilespmem:s31], [sflag:$0x2], $0x2C00, $0x38;
	[tilespmem:$0xBA00] =	vst v63  }
0x86: {  	_ =	swait.ge [sflag:s21], $0x2C00  }
0x87: {  	[sflag:s21] =	ssyncset.done $0x0  }
0x88: {  	[sflag:s21] =	ssyncadd.s32 $0xFFFFD400  }
0x89: {  	_ =	sfence.sel $0x180000  }
0x8a: {  	[bflag:$0x0] =	sbarrier.arrive $0xFFFF  }
0x8b: {  	_ =	strace $0x9000004A  }
0x8c: {  	s0 =	stileid.u32;
	[bflag:$0x2] =	sbarrier.arrive $0xFFFF  }
0x8d: {  	p0 =	sne.s32 s0, $0x0;
	s0 =	rddreg [dreg:$0x4]  }
0x8e: {  	s0 =	sadd.s32 @!p0 $0x100000, s0  }
0x8f: {  	[sflag:s0] =	ssyncadd.tile.s32 @!p0 $0x1;
	_ =	shalt  }
.Lfunc_end2:
_tile_overlayer_lowered:
.L_overlay_start_2:
0x90: {  	(tag) =	ssettag $0x2  }
0x91: {  	s0 =	rddreg [dreg:$0x0];
	s2 =	stileid.u32  }
0x92: {  	s1 =	rddreg [dreg:$0x1];
	p0 =	sne.s32 s2, $0x0  }
0x93: {  	s3 =	rddreg [dreg:$0x2];
	[bflag:$0x3] =	sbarrier.arrive $0xFFFF;
	s2 =	simm.s32 @!p0 $0x1C02  }
0x94: {  	[timem:s3], [sflag:s2] =	dma.local @!p0 [hbm:s0], s1  }
0x95: {  	s0 =	simm.s32 @!p0 $0x2  }
0x96: {  	_ =	swait.ge @!p0 [sflag:s0], s1  }
0x97: {  	s1 =	ssub.s32 @!p0 $0x0, s1;
	[sflag:s0] =	ssyncset.done @!p0 $0x0  }
0x98: {  	[sflag:s0] =	ssyncadd.s32 @!p0 s1  }
0x99: {  	[bflag:$0x3] =	sbarrier.arrive $0xFFFF  }
0x9a: {  	_ =	shalt  }

// kernel: kernel.16.cloned.1.call-start
scs
__scs_entry_jumppad:
0x0: {  	(pc) =	sbr.rel $0x88, $3  }
0x1: {  	(tag) =	ssettag $0x0;
	lr =	simm.s32 $0x1  }
0x2: {  	[smem:$0x3F99] =	sst lr;
	_ =	strace $0xD0000000  }
0x3: {  	_ = 	snop  }
0x4: {  	_ = 	snop  }
0x5: {  	_ = 	snop  }
0x6: {  	_ = 	snop  }
0x7: {  	_ = 	snop  }
__scs_overlays_trampoline_lowered:
0x8: {  	[smem:$0x3FA8] =	sst s0  }
0x9: {  	[smem:$0x3FA9] =	sst s1  }
0xa: {  	[smem:$0x3FAA] =	sst s2  }
0xb: {  	[smem:$0x3FAB] =	sst s3  }
0xc: {  	[smem:$0x3FAC] =	sst s4  }
0xd: {  	[smem:$0x3FAD] =	sst s5  }
0xe: {  	[smem:$0x3FAE] =	sst s6  }
0xf: {  	[smem:$0x3FAF] =	sst s7  }
0x10: {  	[smem:$0x3FB0] =	sst s8  }
0x11: {  	[smem:$0x3FB1] =	sst s9;
	s0 =	simm.s32 @!p0 $0x0  }
0x12: {  	s1 =	sld [smem:$0x3F97];
	s0 =	simm.s32 @p0 $0x1  }
0x13: {  	[smem:$0x3FB2] =	sst s0;
	s0 =	simm.s32 @!p1 $0x0  }
0x14: {  	s2 =	sld [smem:$0x3F96];
	s0 =	simm.s32 @p1 $0x1  }
0x15: {  	[smem:$0x3FB3] =	sst s0;
	s0 =	simm.s32 @!p2 $0x0  }
0x16: {  	s3 =	sld [smem:$0x3FDB];
	s0 =	simm.s32 @p2 $0x1  }
0x17: {  	s4 =	simm.s32 $0x1BF5;
	[smem:$0x3FB5] =	sst s0  }
0x18: {  	s0 =	sld [smem:$0x3F98];
	_ =	swait.ge [sflag:s4], $0x0  }
0x19: {  	s7 =	sld [smem:$0x3F99]  }
0x1a: {  	s8 =	sadd.s32 $0xFFFFE003, lr  }
0x1b: {  	s9 =	sadd.s32 $0xFFFFFEF7, lr;
	s5 =	simm.s32 $0xFFFFFFFF;
	p2 =	slt.u32 s8, $0xFFFFF086  }
0x1c: {  	p1 =	slt.u32 s9, $0xF7A;
	s5 =	simm.s32 @!p2 $0x0  }
0x1d: {  	s5 =	simm.s32 @p1 $0x1;
	p0 =	seq.s32 s7, s2  }
0x1e: {  	s7 =	smul.u32 @!p0 $0xF7A, s2;
	p2 =	seq.s32 @!p0 s5, $0x0  }
0x1f: {  	s9 =	smul.u32 $0xF7A, s1;
	s8 =	simm.s32 @!p0 $0x1BF5;
	p2 =	por !p2, p0  }
0x20: {  	[sflag:s8] =	ssyncset.s32 @!p0 $0xFFFFF086;
	s6 =	sadd.s32 @!p0 s3, s7;
	s7 =	simm.s32 @!p0 $0x108  }
0x21: {  	s3 =	sadd.s32 s3, s9;
	s6 =	sadd.s32 @!p0 $0x88, s6;
	s7 =	simm.s32 @p2 $0x1082  }
0x22: {  	[simem:s7], [sflag:s8] =	dma.local @!p0 [hbm:s6], $0xF7A  }
0x23: {  	s9 =	sor.u32 $0xD0000000, s2;
	s6 =	simm.s32 $0x108;
	_ =	swait.ge @!p0 [sflag:s8], $0x0  }
0x24: {  	s3 =	sadd.s32 $0x88, s3;
	s6 =	simm.s32 @!p1 $0x1082;
	[sflag:s4] =	ssyncset.s32 $0xFFFFF086  }
0x25: {  	[simem:s6], [sflag:s4] =	dma.local [hbm:s3], $0xF7A  }
0x26: {  	[smem:$0x3F99] =	sst s1;
	(tag) =	ssettag s2;
	_ =	strace s9  }
0x27: {  	s1 =	sld [smem:$0x3FA9]  }
0x28: {  	s2 =	sld [smem:$0x3FAA]  }
0x29: {  	s4 =	sld [smem:$0x3FAC]  }
0x2a: {  	p0 =	seq.s32 s5, $0x0;
	s5 =	sld [smem:$0x3FAD]  }
0x2b: {  	s6 =	sld [smem:$0x3FAE]  }
0x2c: {  	s7 =	sld [smem:$0x3FAF]  }
0x2d: {  	s3 =	simm.s32 $0x108;
	s8 =	sld [smem:$0x3FB0]  }
0x2e: {  	s3 =	simm.s32 @!p0 $0x1082;
	s9 =	sld [smem:$0x3FB1]  }
0x2f: {  	lr =	sadd.s32 s0, s3;
	s0 =	sld [smem:$0x3FA8]  }
0x30: {  	s3 =	sld [smem:$0x3FAB]  }
0x31: {  	[smem:$0x3FB4] =	sst s10  }
0x32: {  	s10 =	sld [smem:$0x3FB2];
	_ =	sdelay $0x3  }
0x33: {  	p0 =	seq.s32 s10, $0x1;
	s10 =	sld [smem:$0x3FB4];
	_ =	sdelay $0x3  }
0x34: {  	[smem:$0x3FB4] =	sst s10  }
0x35: {  	s10 =	sld [smem:$0x3FB3];
	_ =	sdelay $0x3  }
0x36: {  	p1 =	seq.s32 s10, $0x1;
	s10 =	sld [smem:$0x3FB4];
	_ =	sdelay $0x3  }
0x37: {  	[smem:$0x3FB4] =	sst s10  }
0x38: {  	s10 =	sld [smem:$0x3FB5]  }
0x39: {  	_ = 	snop;
	(pc) =	sbr.ind lr, $3  }
0x3a: {  	_ = 	snop  }
0x3b: {  	_ = 	snop  }
0x3c: {  	p2 =	seq.s32 s10, $0x1;
	s10 =	sld [smem:$0x3FB4]  }
0x3d: {  	_ =	shalt  }
0x3e: {  	_ =	shalt  }
0x3f: {  	_ =	shalt  }
0x40: {  	_ =	shalt  }
0x41: {  	_ =	shalt  }
0x42: {  	_ =	shalt  }
0x43: {  	_ =	shalt  }
0x44: {  	_ =	shalt  }
0x45: {  	_ =	shalt  }
0x46: {  	_ =	shalt  }
0x47: {  	_ =	shalt  }
0x48: {  	_ =	shalt  }
0x49: {  	_ =	shalt  }
0x4a: {  	_ =	shalt  }
0x4b: {  	_ =	shalt  }
0x4c: {  	_ =	shalt  }
0x4d: {  	_ =	shalt  }
0x4e: {  	_ =	shalt  }
0x4f: {  	_ =	shalt  }
0x50: {  	_ =	shalt  }
0x51: {  	_ =	shalt  }
0x52: {  	_ =	shalt  }
0x53: {  	_ =	shalt  }
0x54: {  	_ =	shalt  }
0x55: {  	_ =	shalt  }
0x56: {  	_ =	shalt  }
0x57: {  	_ =	shalt  }
0x58: {  	_ =	shalt  }
0x59: {  	_ =	shalt  }
0x5a: {  	_ =	shalt  }
0x5b: {  	_ =	shalt  }
0x5c: {  	_ =	shalt  }
0x5d: {  	_ =	shalt  }
0x5e: {  	_ =	shalt  }
0x5f: {  	_ =	shalt  }
0x60: {  	_ =	shalt  }
0x61: {  	_ =	shalt  }
0x62: {  	_ =	shalt  }
0x63: {  	_ =	shalt  }
0x64: {  	_ =	shalt  }
0x65: {  	_ =	shalt  }
0x66: {  	_ =	shalt  }
0x67: {  	_ =	shalt  }
0x68: {  	_ =	shalt  }
0x69: {  	_ =	shalt  }
0x6a: {  	_ =	shalt  }
0x6b: {  	_ =	shalt  }
0x6c: {  	_ =	shalt  }
0x6d: {  	_ =	shalt  }
0x6e: {  	_ =	shalt  }
0x6f: {  	_ =	shalt  }
0x70: {  	_ =	shalt  }
0x71: {  	_ =	shalt  }
0x72: {  	_ =	shalt  }
0x73: {  	_ =	shalt  }
0x74: {  	_ =	shalt  }
0x75: {  	_ =	shalt  }
0x76: {  	_ =	shalt  }
0x77: {  	_ =	shalt  }
0x78: {  	_ =	shalt  }
0x79: {  	_ =	shalt  }
0x7a: {  	_ =	shalt  }
0x7b: {  	_ =	shalt  }
0x7c: {  	_ =	shalt  }
0x7d: {  	_ =	shalt  }
0x7e: {  	_ =	shalt  }
0x7f: {  	_ =	shalt  }
0x80: {  	_ =	shalt  }
0x81: {  	_ =	shalt  }
0x82: {  	_ =	shalt  }
0x83: {  	_ =	shalt  }
0x84: {  	_ =	shalt  }
0x85: {  	_ =	shalt  }
0x86: {  	_ =	shalt  }
0x87: {  	_ =	shalt  }
.Lfunc_end0:
.L_simem_size_0:
called_computation.2_lowered:
.L_overlay_start_0:
0x88: {  	s2 =	sld [smem:$0x3FD9]  }
0x89: {  	s3 =	sld [smem:$0x3FFE];
	_ =	sdelay $0x1  }
0x8a: {  	s1 =	srdreg.scid  }
0x8b: {  	s0 =	sand.u32 $0x1, s1  }
0x8c: {  	s17 =	sshll.u32 s0, $0xA;
	s2 =	sadd.s32 s3, s2  }
0x8d: {  	s2 =	sadd.s32 s2, s17  }
0x8e: {  	[smem:$0x3FC0] =	sst s2  }
0x8f: {  	_ = 	snop  }
0x90: {  	s18 =	sld [smem:$0x3FC8]  }
0x91: {  	s4 =	sld [smem:$0x3FC7]  }
0x92: {  	s5 =	sld [smem:$0x3FC6];
	(tm) =	ssettm $0x1  }
0x93: {  	s19 =	sld [smem:$0x3FFB];
	_ =	sdelay $0x3  }
0x94: {  	_ =	strace s19  }
0x95: {  	s2 =	sld [smem:$0x3FFC];
	_ =	sdelay $0x3  }
0x96: {  	_ =	strace s2  }
0x97: {  	s2 =	sld [smem:$0x3FFD];
	_ =	sdelay $0x3  }
0x98: {  	_ =	strace s2  }
0x99: {  	_ =	strace $0x8FFFFFFF  }
0x9a: {  	s20 =	sld [smem:$0x3FDB];
	_ =	sdelay $0x1  }
0x9b: {  	s6 =	simm.s32 $_scs_section_size  }
0x9c: {  	s7 =	simm.s32 $_size__tile_overlayer_lowered;
	s8 =	simm.s32 $_tile_overlayer_lowered  }
0x9d: {  	s9 =	simm.s32 $0x1BFF;
	s21 =	sshll.u32 s8, $0x1;
	s6 =	sadd.s32 s6, s20  }
0x9e: {  	s22 =	simm.s32 $0x0;
	s7 =	sshll.u32 s7, $0x1;
	s8 =	sadd.s32 s21, s6  }
0x9f: {  	[timem:s22], [sflag:s9] =	dma.local [hbm:s8], s7  }
0xa0: {  	_ =	swait.ge [sflag:s9], s7  }
0xa1: {  	s7 =	ssub.s32 $0x0, s7;
	[sflag:s9] =	ssyncset.done $0x0  }
0xa2: {  	[sflag:s9] =	ssyncadd.s32 s7;
	_ =	sdelay $0x1  }
0xa3: {  	s23 =	simm.s32 $0x1B8B  }
0xa4: {  	_ =	swait.ge [sflag:s23], $0x1  }
0xa5: {  	[sflag:s23] =	ssyncset.done $0x0  }
0xa6: {  	[sflag:s23] =	ssyncadd.s32 $0xFFFFFFFF  }
0xa7: {  	s7 =	sld [smem:$0x0]  }
0xa8: {  	s8 =	sand.u32 $0xFFFFFFFE, s1  }
0xa9: {  	p0 =	sne.s32 s1, s8  }
0xaa: {  	s8 =	sshll.u32 @p0 s8, $0xE  }
0xab: {  	s8 =	sadd.s32 @p0 $0x11B8D, s8;
	s9 =	sshll.u32 @p0 s7, $0x11  }
0xac: {  	s8 =	sor.u32 @p0 s9, s8  }
0xad: {  	[sflag:s8] =	ssyncadd.remote.s32 @p0 $0x1;
	_ =	sdelay $0x1  }
0xae: {  	s8 =	simm.s32 @p0 $0x1B8D  }
0xaf: {  	_ =	swait.eq @p0 [sflag:s8], $0x1  }
0xb0: {  	[sflag:s8] =	ssyncadd.s32 @p0 $0xFFFFFFFF  }
0xb1: {  	s9 =	sshll.u32 @!p0 s1, $0xE  }
0xb2: {  	s9 =	sor.u32 @!p0 $0x4000, s9;
	s8 =	simm.s32 @!p0 $0x1B8D  }
0xb3: {  	s7 =	sshll.u32 @!p0 s7, $0x11;
	s9 =	sadd.s32 @!p0 $0x11B8D, s9;
	_ =	swait.eq @!p0 [sflag:s8], $0x1  }
0xb4: {  	s7 =	sor.u32 @!p0 s7, s9;
	[sflag:s8] =	ssyncadd.s32 @!p0 $0xFFFFFFFF  }
0xb5: {  	s25 =	simm.s32 $0x1B8E;
	s24 =	sld [smem:$0x3FFE];
	[sflag:s7] =	ssyncadd.remote.s32 @!p0 $0x1  }
0xb6: {  	s26 =	simm.s32 $execute0_lowered;
	[smem:$0x3FD2] =	sst s25  }
0xb7: {  	s8 =	sshll.u32 s26, $0x1;
	_ =	strace $0x8000004C;
	[dreg:$0x1] =	wrdreg $0xFFFFFFFF  }
0xb8: {  	s28 =	simm.s32 $_size_execute0_lowered;
	s6 =	sadd.s32 s6, s8;
	[dreg:$0x0] =	wrdreg $0x0  }
0xb9: {  	s8 =	sshll.u32 s28, $0x1;
	[dreg:$0x2] =	wrdreg s6  }
0xba: {  	[dreg:$0x3] =	wrdreg s8  }
0xbb: {  	[dreg:$0x4] =	wrdreg $0xC0  }
0xbc: {  	_ =	task [dreg:s22], $0x5FFFF  }
0xbd: {  	[dreg:$0x1] =	wrdreg $0xFFFFFFFF  }
0xbe: {  	[dreg:$0x0] =	wrdreg $0x60  }
0xbf: {  	[dreg:$0x2] =	wrdreg s24  }
0xc0: {  	[dreg:$0x3] =	wrdreg s5  }
0xc1: {  	[dreg:$0x4] =	wrdreg s4  }
0xc2: {  	[dreg:$0x5] =	wrdreg s18  }
0xc3: {  	[dreg:$0x6] =	wrdreg $0xB  }
0xc4: {  	_ =	task.clear_ibuf [dreg:s22], $0x7FFFF;
	_ =	strace $0x9000004C  }
0xc5: {  	s29 =	simm.s32 $0xB;
	_ =	strace $0x8000004E  }
0xc6: {  	_ =	swait.ge [sflag:s29], $0x1  }
0xc7: {  	[sflag:s29] =	ssyncadd.s32 $0xFFFFFFFF  }
0xc8: {  	_ =	strace $0x9000004E  }
0xc9: {  	_ =	sfence  }
0xca: {  	s30 =	sld [smem:$0x0];
	_ =	sdelay $0x2  }
0xcb: {  	s31 =	sshll.u32 s1, $0xD;
	s1 =	sshrl.u32 s1, $0x2  }
0xcc: {  	s4 =	sand.u32 $0x4000, s31;
	s1 =	sadd.s32 s1, s30  }
0xcd: {  	s0 =	sor.u32 s4, s0;
	s1 =	sshll.u32 s1, $0x11  }
0xce: {  	s0 =	sor.u32 s1, s0  }
0xcf: {  	s0 =	sadd.s32 $0x8F2B, s0  }
0xd0: {  	[sflag:s0] =	ssyncadd.remote.s32 $0x1  }
0xd1: {  	_ =	sfence.sel $0xFFFF  }
0xd2: {  	[dreg:$0x0] =	wrdreg $0xFFFFFFFF;
	(pc) =	sbr.abs _section_cstart, $3  }
0xd3: {  	[dreg:$0x1] =	wrdreg $0xFFFFFFFF  }
0xd4: {  	_ =	task.clear_ibuf [dreg:s22], $0x2FFFF;
	_ =	strace $0x9FFFFFFF  }
0xd5: {  	(tm) =	ssettm $0x7FFFFFFF  }
tec
execute0_lowered:
.L_overlay_start_1:
0x0: {  	(tag) =	ssettag $0x1  }
0x1: {  	s0 =	rddreg [dreg:$0x0]  }
0x2: {  	s1 =	rddreg [dreg:$0x1];
	s2 =	srdreg.scid  }
0x3: {  	s8 =	stileid.u32;
	s3 =	rddreg [dreg:$0x2]  }
0x4: {  	s5 =	simm.s32 $0x0;
	s28 =	simm.s32 $0x7180;
	s4 =	smul.u32 $0x2300, s8  }
0x5: {  	s2 =	sand.u32 $0x1, s2;
	s7 =	sshll.u32 s8, $0x1;
	s8 =	smul.u32 $0x23000, s8  }
0x6: {  	s29 =	simm.s32 $0x8D80;
	s31 =	simm.s32 $0x8E00;
	s6 =	smul.u32 $0x1180, s2  }
0x7: {  	s14 =	sor.u32 s2, s7;
	s10 =	ssub.s32 $0x2, s2;
	s2 =	smul.u32 $0x11800, s2  }
0x8: {  	[smem:$0x7FF] =	sst s5;
	s17 =	sadd.s32 $0xD600, s0;
	s7 =	smul.u32 $0xB, s14  }
0x9: {  	s20 =	sadd.s32 $0x4D4000, s0;
	_ =	strace $0x8000004D;
	s9 =	smul.u32 $0x580, s14  }
0xa: {  	s18 =	sadd.s32 s8, s0;
	s15 =	sshrl.u32 s10, $0x1;
	s19 =	smul.u32 $0x118, s14  }
0xb: {  	s21 =	smul.u32 $0x1180, s14;
	s4 =	sadd.s32 s6, s4;
	s16 =	ssub.s32 s10, s15  }
0xc: {  	s2 =	sadd.s32 s2, s18;
	s4 =	sshrl.u32 s4, $0x3;
	s7 =	sadd.s32 s7, s0  }
0xd: {  	s23 =	sshrl.u32 s19, $0x3;
	s24 =	sadd.s32 $0x38, s19;
	s10 =	sadd.s32 s20, s21  }
0xe: {  	s13 =	sadd.s32 $0x70, s19;
	s26 =	sadd.s32 $0xA8, s19;
	s30 =	sadd.s32 $0xE0, s19  }
0xf: {  	s21 =	simm.s32 $0x2;
	s4 =	sadd.s32 s4, s0;
	s0 =	sadd.s32 s9, s0  }
0x10: {  	s22 =	sadd.s32 $0xE200, s7;
	s8 =	sadd.s32 s17, s23;
	s9 =	smax.u32 s16, $0x1  }
0x11: {  	s11 =	sshrl.u32 s24, $0x3;
	s25 =	sshrl.u32 s13, $0x3;
	s14 =	sshll.u32 s13, $0x4  }
0x12: {  	s15 =	sshrl.u32 s26, $0x3;
	s19 =	sshrl.u32 s30, $0x3;
	s23 =	simm.s32 $0x100  }
0x13: {  	[dreg:$0x5] =	wrdreg s22;
	s0 =	sadd.s32 $0x4F7000, s0;
	s11 =	sadd.s32 s17, s11  }
0x14: {  	s13 =	sadd.s32 s17, s25;
	s14 =	sadd.s32 s20, s14;
	s15 =	sadd.s32 s17, s15  }
0x15: {  	s17 =	sadd.s32 s17, s19;
	s19 =	sadd.s32 $0x502000, s2;
	s22 =	simm.s32 $0xE0  }
0x16: {  	s25 =	simm.s32 $0x7100;
	[dreg:$0x6] =	wrdreg s0;
	s0 =	sshll.u32 s24, $0x4  }
0x17: {  	s2 =	simm.s32 $0x0;
	s12 =	sadd.s32 s20, s0;
	s0 =	sshll.u32 s26, $0x4  }
0x18: {  	s24 =	simm.s32 $0x1;
	s16 =	sadd.s32 s20, s0;
	s0 =	sshll.u32 s30, $0x4  }
0x19: {  	s26 =	simm.s32 $0x38;
	s18 =	sadd.s32 s20, s0;
	s20 =	sadd.s32 $0x4A00, s4  }
.LBB2_1:
0x1a: {  	s0 =	sadd.s32 $0x0, s20  }
0x1b: {  	[tilespmem:s5], [sflag:$0x2] =	stream.linear.gather [hbm4b:s0+s5], $0xE0, $0x38;
	[tilespmem:$0xBA00] =	vst v63  }
0x1c: {  	_ =	swait.ge [sflag:s21], $0xE0  }
0x1d: {  	[sflag:s21] =	ssyncset.done $0x0  }
0x1e: {  	[sflag:s21] =	ssyncadd.s32 $0xFFFFFF20  }
0x1f: {  	[tilespmem:s23], [sflag:$0x1] =	stream.indirect.gather [hbm4b:s1+s22], $0x80, s5, s22, $0xb8;
	[tilespmem:$0xBA00] =	vst v63  }
0x20: {  	_ =	swait.ge [sflag:s24], $0x7000  }
0x21: {  	[sflag:s24] =	ssyncset.done $0x0  }
0x22: {  	[sflag:s24] =	ssyncadd.s32 $0xFFFF9000  }
0x23: {  	[hbm4b:s19+s5] =	stream.linear.scatter [tilespmem:s23], [sflag:$0x2], $0x7000, $0x38;
	[tilespmem:$0xBA00] =	vst v63  }
0x24: {  	s4 =	simm.s32 $0x1C;
	_ =	swait.ge [sflag:s21], $0x7000  }
0x25: {  	s30 =	simm.s32 $0x38;
	s0 =	sadd.s32 $0xE00, s19;
	[sflag:s21] =	ssyncset.done $0x0  }
.LBB2_2:
0x26: {  	s6 =	sadd.s32 s4, s20  }
0x27: {  	[sflag:s21] =	ssyncadd.s32 $0xFFFF9000;
	s4 =	smov.u32 s30;
	s7 =	sadd.s32 $0x1C, s30  }
0x28: {  	[tilespmem:s5], [sflag:$0x2] =	stream.linear.gather [hbm4b:s6+s5], $0xE0, $0x38;
	[tilespmem:$0xBA00] =	vst v63  }
0x29: {  	p0 =	sne.s32 s30, $0x214;
	_ =	swait.ge [sflag:s21], $0xE0  }
0x2a: {  	[sflag:s21] =	ssyncset.done $0x0  }
0x2b: {  	[sflag:s21] =	ssyncadd.s32 $0xFFFFFF20  }
0x2c: {  	[tilespmem:s23], [sflag:$0x1] =	stream.indirect.gather [hbm4b:s1+s22], $0x80, s5, s22, $0xb8;
	[tilespmem:$0xBA00] =	vst v63  }
0x2d: {  	_ =	swait.ge [sflag:s24], $0x7000  }
.Ltmp0:
0x2e: {  	[sflag:s24] =	ssyncset.done $0x0;
	(pc) =	sbr.rel @p0 .LBB2_2-.Ltmp0, $4  }
0x2f: {  	[sflag:s24] =	ssyncadd.s32 $0xFFFF9000  }
0x30: {  	[hbm4b:s0+s5] =	stream.linear.scatter [tilespmem:s23], [sflag:$0x2], $0x7000, $0x38;
	[tilespmem:$0xBA00] =	vst v63  }
0x31: {  	_ =	swait.ge [sflag:s21], $0x7000  }
0x32: {  	s30 =	smov.u32 s7;
	s0 =	sadd.s32 $0xE00, s0;
	[sflag:s21] =	ssyncset.done $0x0  }
0x33: {  	s4 =	sadd.s32 s4, s20;
	[sflag:s21] =	ssyncadd.s32 $0xFFFF9000  }
0x34: {  	[tilespmem:s5], [sflag:$0x2] =	stream.linear.gather [hbm4b:s4+s5], $0xE0, $0x38;
	[tilespmem:$0xBA00] =	vst v63  }
0x35: {  	_ =	swait.ge [sflag:s21], $0xE0  }
0x36: {  	[sflag:s21] =	ssyncset.done $0x0  }
0x37: {  	[sflag:s21] =	ssyncadd.s32 $0xFFFFFF20  }
0x38: {  	[tilespmem:s23], [sflag:$0x1] =	stream.indirect.gather [hbm4b:s1+s22], $0x80, s5, s22, $0xb8;
	[tilespmem:$0xBA00] =	vst v63  }
0x39: {  	_ =	swait.ge [sflag:s24], $0x7000  }
0x3a: {  	[sflag:s24] =	ssyncset.done $0x0  }
0x3b: {  	[sflag:s24] =	ssyncadd.s32 $0xFFFF9000  }
0x3c: {  	[hbm4b:s0+s5] =	stream.linear.scatter [tilespmem:s23], [sflag:$0x2], $0x7000, $0x38;
	[tilespmem:$0xBA00] =	vst v63  }
0x3d: {  	_ =	swait.ge [sflag:s21], $0x7000  }
0x3e: {  	[sflag:s21] =	ssyncset.done $0x0  }
0x3f: {  	[sflag:s21] =	ssyncadd.s32 $0xFFFF9000  }
0x40: {  	[tilespmem:s25], [sflag:$0x2] =	stream.linear.gather [hbm4b:s8+s5], $0x38, $0x38;
	[tilespmem:$0xBA00] =	vst v63  }
0x41: {  	_ =	swait.ge [sflag:s21], $0x38  }
0x42: {  	[sflag:s21] =	ssyncset.done $0x0  }
0x43: {  	[sflag:s21] =	ssyncadd.s32 $0xFFFFFFC8  }
0x44: {  	[tilespmem:s28], [sflag:$0x1] =	stream.indirect.gather [hbm4b:s3+s26], $0x80, s25, s26, $0xb8;
	[tilespmem:$0xBA00] =	vst v63  }
0x45: {  	_ =	swait.ge [sflag:s24], $0x1C00  }
0x46: {  	[sflag:s24] =	ssyncset.done $0x0  }
0x47: {  	[sflag:s24] =	ssyncadd.s32 $0xFFFFE400  }
0x48: {  	[hbm4b:s10+s5] =	stream.linear.scatter [tilespmem:s28], [sflag:$0x2], $0x1C00, $0x38;
	[tilespmem:$0xBA00] =	vst v63  }
0x49: {  	_ =	swait.ge [sflag:s21], $0x1C00  }
0x4a: {  	[sflag:s21] =	ssyncset.done $0x0  }
0x4b: {  	[sflag:s21] =	ssyncadd.s32 $0xFFFFE400  }
0x4c: {  	[tilespmem:s25], [sflag:$0x2] =	stream.linear.gather [hbm4b:s11+s5], $0x38, $0x38;
	[tilespmem:$0xBA00] =	vst v63  }
0x4d: {  	_ =	swait.ge [sflag:s21], $0x38  }
0x4e: {  	[sflag:s21] =	ssyncset.done $0x0  }
0x4f: {  	[sflag:s21] =	ssyncadd.s32 $0xFFFFFFC8  }
0x50: {  	[tilespmem:s28], [sflag:$0x1] =	stream.indirect.gather [hbm4b:s3+s26], $0x80, s25, s26, $0xb8;
	[tilespmem:$0xBA00] =	vst v63  }
0x51: {  	_ =	swait.ge [sflag:s24], $0x1C00  }
0x52: {  	[sflag:s24] =	ssyncset.done $0x0  }
0x53: {  	[sflag:s24] =	ssyncadd.s32 $0xFFFFE400  }
0x54: {  	[hbm4b:s12+s5] =	stream.linear.scatter [tilespmem:s28], [sflag:$0x2], $0x1C00, $0x38;
	[tilespmem:$0xBA00] =	vst v63  }
0x55: {  	_ =	swait.ge [sflag:s21], $0x1C00  }
0x56: {  	[sflag:s21] =	ssyncset.done $0x0  }
0x57: {  	[sflag:s21] =	ssyncadd.s32 $0xFFFFE400  }
0x58: {  	[tilespmem:s25], [sflag:$0x2] =	stream.linear.gather [hbm4b:s13+s5], $0x38, $0x38;
	[tilespmem:$0xBA00] =	vst v63  }
0x59: {  	_ =	swait.ge [sflag:s21], $0x38  }
0x5a: {  	[sflag:s21] =	ssyncset.done $0x0  }
0x5b: {  	[sflag:s21] =	ssyncadd.s32 $0xFFFFFFC8  }
0x5c: {  	[tilespmem:s28], [sflag:$0x1] =	stream.indirect.gather [hbm4b:s3+s26], $0x80, s25, s26, $0xb8;
	[tilespmem:$0xBA00] =	vst v63  }
0x5d: {  	_ =	swait.ge [sflag:s24], $0x1C00  }
0x5e: {  	[sflag:s24] =	ssyncset.done $0x0  }
0x5f: {  	[sflag:s24] =	ssyncadd.s32 $0xFFFFE400  }
0x60: {  	[hbm4b:s14+s5] =	stream.linear.scatter [tilespmem:s28], [sflag:$0x2], $0x1C00, $0x38;
	[tilespmem:$0xBA00] =	vst v63  }
0x61: {  	_ =	swait.ge [sflag:s21], $0x1C00  }
0x62: {  	[sflag:s21] =	ssyncset.done $0x0  }
0x63: {  	[sflag:s21] =	ssyncadd.s32 $0xFFFFE400  }
0x64: {  	[tilespmem:s25], [sflag:$0x2] =	stream.linear.gather [hbm4b:s15+s5], $0x38, $0x38;
	[tilespmem:$0xBA00] =	vst v63  }
0x65: {  	_ =	swait.ge [sflag:s21], $0x38  }
0x66: {  	[sflag:s21] =	ssyncset.done $0x0  }
0x67: {  	[sflag:s21] =	ssyncadd.s32 $0xFFFFFFC8  }
0x68: {  	[tilespmem:s28], [sflag:$0x1] =	stream.indirect.gather [hbm4b:s3+s26], $0x80, s25, s26, $0xb8;
	[tilespmem:$0xBA00] =	vst v63  }
0x69: {  	_ =	swait.ge [sflag:s24], $0x1C00  }
0x6a: {  	[sflag:s24] =	ssyncset.done $0x0  }
0x6b: {  	[sflag:s24] =	ssyncadd.s32 $0xFFFFE400  }
0x6c: {  	[hbm4b:s16+s5] =	stream.linear.scatter [tilespmem:s28], [sflag:$0x2], $0x1C00, $0x38;
	[tilespmem:$0xBA00] =	vst v63  }
0x6d: {  	_ =	swait.ge [sflag:s21], $0x1C00  }
0x6e: {  	[sflag:s21] =	ssyncset.done $0x0  }
0x6f: {  	[sflag:s21] =	ssyncadd.s32 $0xFFFFE400  }
0x70: {  	[tilespmem:s25], [sflag:$0x2] =	stream.linear.gather [hbm4b:s17+s5], $0x38, $0x38;
	[tilespmem:$0xBA00] =	vst v63  }
0x71: {  	_ =	swait.ge [sflag:s21], $0x38  }
0x72: {  	[sflag:s21] =	ssyncset.done $0x0  }
0x73: {  	[sflag:s21] =	ssyncadd.s32 $0xFFFFFFC8  }
0x74: {  	[tilespmem:s28], [sflag:$0x1] =	stream.indirect.gather [hbm4b:s3+s26], $0x80, s25, s26, $0xb8;
	[tilespmem:$0xBA00] =	vst v63  }
0x75: {  	_ =	swait.ge [sflag:s24], $0x1C00  }
0x76: {  	[sflag:s24] =	ssyncset.done $0x0  }
0x77: {  	[sflag:s24] =	ssyncadd.s32 $0xFFFFE400  }
0x78: {  	[hbm4b:s18+s5] =	stream.linear.scatter [tilespmem:s28], [sflag:$0x2], $0x1C00, $0x38;
	[tilespmem:$0xBA00] =	vst v63  }
0x79: {  	_ =	swait.ge [sflag:s21], $0x1C00  }
0x7a: {  	[sflag:s21] =	ssyncset.done $0x0  }
0x7b: {  	s4 =	rddreg [dreg:$0x5];
	[sflag:s21] =	ssyncadd.s32 $0xFFFFE400  }
0x7c: {  	[tilespmem:s29], [sflag:$0x2] =	stream.linear.gather [hbm4b:s4+s5], $0x58, $0x38;
	[tilespmem:$0xBA00] =	vst v63  }
0x7d: {  	_ =	swait.ge [sflag:s21], $0x58  }
0x7e: {  	[sflag:s21] =	ssyncset.done $0x0  }
0x7f: {  	[sflag:s21] =	ssyncadd.s32 $0xFFFFFFA8  }
0x80: {  	s7 =	simm.s32 $0x58;
	s6 =	rddreg [dreg:$0x3]  }
0x81: {  	[tilespmem:s31], [sflag:$0x1] =	stream.indirect.gather [hbm4b:s6+s7], $0x80, s29, s7, $0xb8;
	[tilespmem:$0xBA00] =	vst v63  }
0x82: {  	s2 =	sadd.s32 $0x1, s2;
	_ =	swait.ge [sflag:s24], $0x2C00  }
0x83: {  	p0 =	sne.s32 s2, s9;
	[sflag:s24] =	ssyncset.done $0x0  }
.Ltmp1:
0x84: {  	s30 =	rddreg [dreg:$0x6];
	[sflag:s24] =	ssyncadd.s32 $0xFFFFD400;
	(pc) =	sbr.rel @p0 .LBB2_1-.Ltmp1, $4  }
0x85: {  	[hbm4b:s30+s5] =	stream.linear.scatter [tilespmem:s31], [sflag:$0x2], $0x2C00, $0x38;
	[tilespmem:$0xBA00] =	vst v63  }
0x86: {  	_ =	swait.ge [sflag:s21], $0x2C00  }
0x87: {  	[sflag:s21] =	ssyncset.done $0x0  }
0x88: {  	[sflag:s21] =	ssyncadd.s32 $0xFFFFD400  }
0x89: {  	_ =	sfence.sel $0x180000  }
0x8a: {  	[bflag:$0x0] =	sbarrier.arrive $0xFFFF  }
0x8b: {  	_ =	strace $0x9000004D  }
0x8c: {  	s0 =	stileid.u32;
	[bflag:$0x2] =	sbarrier.arrive $0xFFFF  }
0x8d: {  	p0 =	sne.s32 s0, $0x0;
	s0 =	rddreg [dreg:$0x4]  }
0x8e: {  	s0 =	sadd.s32 @!p0 $0x100000, s0  }
0x8f: {  	[sflag:s0] =	ssyncadd.tile.s32 @!p0 $0x1;
	_ =	shalt  }
.Lfunc_end2:
_tile_overlayer_lowered:
.L_overlay_start_2:
0x90: {  	(tag) =	ssettag $0x2  }
0x91: {  	s0 =	rddreg [dreg:$0x0];
	s2 =	stileid.u32  }
0x92: {  	s1 =	rddreg [dreg:$0x1];
	p0 =	sne.s32 s2, $0x0  }
0x93: {  	s3 =	rddreg [dreg:$0x2];
	[bflag:$0x3] =	sbarrier.arrive $0xFFFF;
	s2 =	simm.s32 @!p0 $0x1C02  }
0x94: {  	[timem:s3], [sflag:s2] =	dma.local @!p0 [hbm:s0], s1  }
0x95: {  	s0 =	simm.s32 @!p0 $0x2  }
0x96: {  	_ =	swait.ge @!p0 [sflag:s0], s1  }
0x97: {  	s1 =	ssub.s32 @!p0 $0x0, s1;
	[sflag:s0] =	ssyncset.done @!p0 $0x0  }
0x98: {  	[sflag:s0] =	ssyncadd.s32 @!p0 s1  }
0x99: {  	[bflag:$0x3] =	sbarrier.arrive $0xFFFF  }
0x9a: {  	_ =	shalt  }

// kernel: kernel.19.cloned.1.call-start
scs
__scs_entry_jumppad:
0x0: {  	(pc) =	sbr.rel $0x88, $3  }
0x1: {  	(tag) =	ssettag $0x0;
	lr =	simm.s32 $0x1  }
0x2: {  	[smem:$0x3F99] =	sst lr;
	_ =	strace $0xD0000000  }
0x3: {  	_ = 	snop  }
0x4: {  	_ = 	snop  }
0x5: {  	_ = 	snop  }
0x6: {  	_ = 	snop  }
0x7: {  	_ = 	snop  }
__scs_overlays_trampoline_lowered:
0x8: {  	[smem:$0x3FA8] =	sst s0  }
0x9: {  	[smem:$0x3FA9] =	sst s1  }
0xa: {  	[smem:$0x3FAA] =	sst s2  }
0xb: {  	[smem:$0x3FAB] =	sst s3  }
0xc: {  	[smem:$0x3FAC] =	sst s4  }
0xd: {  	[smem:$0x3FAD] =	sst s5  }
0xe: {  	[smem:$0x3FAE] =	sst s6  }
0xf: {  	[smem:$0x3FAF] =	sst s7  }
0x10: {  	[smem:$0x3FB0] =	sst s8  }
0x11: {  	[smem:$0x3FB1] =	sst s9;
	s0 =	simm.s32 @!p0 $0x0  }
0x12: {  	s1 =	sld [smem:$0x3F97];
	s0 =	simm.s32 @p0 $0x1  }
0x13: {  	[smem:$0x3FB2] =	sst s0;
	s0 =	simm.s32 @!p1 $0x0  }
0x14: {  	s2 =	sld [smem:$0x3F96];
	s0 =	simm.s32 @p1 $0x1  }
0x15: {  	[smem:$0x3FB3] =	sst s0;
	s0 =	simm.s32 @!p2 $0x0  }
0x16: {  	s3 =	sld [smem:$0x3FDB];
	s0 =	simm.s32 @p2 $0x1  }
0x17: {  	s4 =	simm.s32 $0x1BF5;
	[smem:$0x3FB5] =	sst s0  }
0x18: {  	s0 =	sld [smem:$0x3F98];
	_ =	swait.ge [sflag:s4], $0x0  }
0x19: {  	s7 =	sld [smem:$0x3F99]  }
0x1a: {  	s8 =	sadd.s32 $0xFFFFE003, lr  }
0x1b: {  	s9 =	sadd.s32 $0xFFFFFEF7, lr;
	s5 =	simm.s32 $0xFFFFFFFF;
	p2 =	slt.u32 s8, $0xFFFFF086  }
0x1c: {  	p1 =	slt.u32 s9, $0xF7A;
	s5 =	simm.s32 @!p2 $0x0  }
0x1d: {  	s5 =	simm.s32 @p1 $0x1;
	p0 =	seq.s32 s7, s2  }
0x1e: {  	s7 =	smul.u32 @!p0 $0xF7A, s2;
	p2 =	seq.s32 @!p0 s5, $0x0  }
0x1f: {  	s9 =	smul.u32 $0xF7A, s1;
	s8 =	simm.s32 @!p0 $0x1BF5;
	p2 =	por !p2, p0  }
0x20: {  	[sflag:s8] =	ssyncset.s32 @!p0 $0xFFFFF086;
	s6 =	sadd.s32 @!p0 s3, s7;
	s7 =	simm.s32 @!p0 $0x108  }
0x21: {  	s3 =	sadd.s32 s3, s9;
	s6 =	sadd.s32 @!p0 $0x88, s6;
	s7 =	simm.s32 @p2 $0x1082  }
0x22: {  	[simem:s7], [sflag:s8] =	dma.local @!p0 [hbm:s6], $0xF7A  }
0x23: {  	s9 =	sor.u32 $0xD0000000, s2;
	s6 =	simm.s32 $0x108;
	_ =	swait.ge @!p0 [sflag:s8], $0x0  }
0x24: {  	s3 =	sadd.s32 $0x88, s3;
	s6 =	simm.s32 @!p1 $0x1082;
	[sflag:s4] =	ssyncset.s32 $0xFFFFF086  }
0x25: {  	[simem:s6], [sflag:s4] =	dma.local [hbm:s3], $0xF7A  }
0x26: {  	[smem:$0x3F99] =	sst s1;
	(tag) =	ssettag s2;
	_ =	strace s9  }
0x27: {  	s1 =	sld [smem:$0x3FA9]  }
0x28: {  	s2 =	sld [smem:$0x3FAA]  }
0x29: {  	s4 =	sld [smem:$0x3FAC]  }
0x2a: {  	p0 =	seq.s32 s5, $0x0;
	s5 =	sld [smem:$0x3FAD]  }
0x2b: {  	s6 =	sld [smem:$0x3FAE]  }
0x2c: {  	s7 =	sld [smem:$0x3FAF]  }
0x2d: {  	s3 =	simm.s32 $0x108;
	s8 =	sld [smem:$0x3FB0]  }
0x2e: {  	s3 =	simm.s32 @!p0 $0x1082;
	s9 =	sld [smem:$0x3FB1]  }
0x2f: {  	lr =	sadd.s32 s0, s3;
	s0 =	sld [smem:$0x3FA8]  }
0x30: {  	s3 =	sld [smem:$0x3FAB]  }
0x31: {  	[smem:$0x3FB4] =	sst s10  }
0x32: {  	s10 =	sld [smem:$0x3FB2];
	_ =	sdelay $0x3  }
0x33: {  	p0 =	seq.s32 s10, $0x1;
	s10 =	sld [smem:$0x3FB4];
	_ =	sdelay $0x3  }
0x34: {  	[smem:$0x3FB4] =	sst s10  }
0x35: {  	s10 =	sld [smem:$0x3FB3];
	_ =	sdelay $0x3  }
0x36: {  	p1 =	seq.s32 s10, $0x1;
	s10 =	sld [smem:$0x3FB4];
	_ =	sdelay $0x3  }
0x37: {  	[smem:$0x3FB4] =	sst s10  }
0x38: {  	s10 =	sld [smem:$0x3FB5]  }
0x39: {  	_ = 	snop;
	(pc) =	sbr.ind lr, $3  }
0x3a: {  	_ = 	snop  }
0x3b: {  	_ = 	snop  }
0x3c: {  	p2 =	seq.s32 s10, $0x1;
	s10 =	sld [smem:$0x3FB4]  }
0x3d: {  	_ =	shalt  }
0x3e: {  	_ =	shalt  }
0x3f: {  	_ =	shalt  }
0x40: {  	_ =	shalt  }
0x41: {  	_ =	shalt  }
0x42: {  	_ =	shalt  }
0x43: {  	_ =	shalt  }
0x44: {  	_ =	shalt  }
0x45: {  	_ =	shalt  }
0x46: {  	_ =	shalt  }
0x47: {  	_ =	shalt  }
0x48: {  	_ =	shalt  }
0x49: {  	_ =	shalt  }
0x4a: {  	_ =	shalt  }
0x4b: {  	_ =	shalt  }
0x4c: {  	_ =	shalt  }
0x4d: {  	_ =	shalt  }
0x4e: {  	_ =	shalt  }
0x4f: {  	_ =	shalt  }
0x50: {  	_ =	shalt  }
0x51: {  	_ =	shalt  }
0x52: {  	_ =	shalt  }
0x53: {  	_ =	shalt  }
0x54: {  	_ =	shalt  }
0x55: {  	_ =	shalt  }
0x56: {  	_ =	shalt  }
0x57: {  	_ =	shalt  }
0x58: {  	_ =	shalt  }
0x59: {  	_ =	shalt  }
0x5a: {  	_ =	shalt  }
0x5b: {  	_ =	shalt  }
0x5c: {  	_ =	shalt  }
0x5d: {  	_ =	shalt  }
0x5e: {  	_ =	shalt  }
0x5f: {  	_ =	shalt  }
0x60: {  	_ =	shalt  }
0x61: {  	_ =	shalt  }
0x62: {  	_ =	shalt  }
0x63: {  	_ =	shalt  }
0x64: {  	_ =	shalt  }
0x65: {  	_ =	shalt  }
0x66: {  	_ =	shalt  }
0x67: {  	_ =	shalt  }
0x68: {  	_ =	shalt  }
0x69: {  	_ =	shalt  }
0x6a: {  	_ =	shalt  }
0x6b: {  	_ =	shalt  }
0x6c: {  	_ =	shalt  }
0x6d: {  	_ =	shalt  }
0x6e: {  	_ =	shalt  }
0x6f: {  	_ =	shalt  }
0x70: {  	_ =	shalt  }
0x71: {  	_ =	shalt  }
0x72: {  	_ =	shalt  }
0x73: {  	_ =	shalt  }
0x74: {  	_ =	shalt  }
0x75: {  	_ =	shalt  }
0x76: {  	_ =	shalt  }
0x77: {  	_ =	shalt  }
0x78: {  	_ =	shalt  }
0x79: {  	_ =	shalt  }
0x7a: {  	_ =	shalt  }
0x7b: {  	_ =	shalt  }
0x7c: {  	_ =	shalt  }
0x7d: {  	_ =	shalt  }
0x7e: {  	_ =	shalt  }
0x7f: {  	_ =	shalt  }
0x80: {  	_ =	shalt  }
0x81: {  	_ =	shalt  }
0x82: {  	_ =	shalt  }
0x83: {  	_ =	shalt  }
0x84: {  	_ =	shalt  }
0x85: {  	_ =	shalt  }
0x86: {  	_ =	shalt  }
0x87: {  	_ =	shalt  }
.Lfunc_end0:
.L_simem_size_0:
called_computation.3_lowered:
.L_overlay_start_0:
0x88: {  	s2 =	sld [smem:$0x3FD9]  }
0x89: {  	s3 =	sld [smem:$0x3FFE];
	_ =	sdelay $0x1  }
0x8a: {  	s1 =	srdreg.scid  }
0x8b: {  	s0 =	sand.u32 $0x1, s1  }
0x8c: {  	s17 =	sshll.u32 s0, $0xA;
	s2 =	sadd.s32 s3, s2  }
0x8d: {  	s2 =	sadd.s32 s2, s17  }
0x8e: {  	[smem:$0x3FC0] =	sst s2  }
0x8f: {  	_ = 	snop  }
0x90: {  	s18 =	sld [smem:$0x3FC8]  }
0x91: {  	s4 =	sld [smem:$0x3FC7]  }
0x92: {  	s5 =	sld [smem:$0x3FC6]  }
0x93: {  	s6 =	sld [smem:$0x3FD0];
	(tm) =	ssettm $0x1  }
0x94: {  	s19 =	sld [smem:$0x3FFB];
	_ =	sdelay $0x3  }
0x95: {  	_ =	strace s19  }
0x96: {  	s2 =	sld [smem:$0x3FFC];
	_ =	sdelay $0x3  }
0x97: {  	_ =	strace s2  }
0x98: {  	s2 =	sld [smem:$0x3FFD];
	_ =	sdelay $0x3  }
0x99: {  	_ =	strace s2  }
0x9a: {  	_ =	strace $0x8FFFFFFF  }
0x9b: {  	s20 =	sld [smem:$0x3FDB];
	_ =	sdelay $0x1  }
0x9c: {  	s7 =	simm.s32 $_scs_section_size  }
0x9d: {  	s8 =	simm.s32 $_size__tile_overlayer_lowered;
	s9 =	simm.s32 $_tile_overlayer_lowered  }
0x9e: {  	s10 =	simm.s32 $0x1BFF;
	s21 =	sshll.u32 s9, $0x1;
	s7 =	sadd.s32 s7, s20  }
0x9f: {  	s22 =	simm.s32 $0x0;
	s8 =	sshll.u32 s8, $0x1;
	s9 =	sadd.s32 s21, s7  }
0xa0: {  	[timem:s22], [sflag:s10] =	dma.local [hbm:s9], s8  }
0xa1: {  	_ =	swait.ge [sflag:s10], s8  }
0xa2: {  	s8 =	ssub.s32 $0x0, s8;
	[sflag:s10] =	ssyncset.done $0x0  }
0xa3: {  	[sflag:s10] =	ssyncadd.s32 s8;
	_ =	sdelay $0x1  }
0xa4: {  	s23 =	simm.s32 $0x1B8B  }
0xa5: {  	_ =	swait.ge [sflag:s23], $0x1  }
0xa6: {  	[sflag:s23] =	ssyncset.done $0x0  }
0xa7: {  	[sflag:s23] =	ssyncadd.s32 $0xFFFFFFFF  }
0xa8: {  	s8 =	sld [smem:$0x0]  }
0xa9: {  	s9 =	sand.u32 $0xFFFFFFFE, s1  }
0xaa: {  	p0 =	sne.s32 s1, s9  }
0xab: {  	s9 =	sshll.u32 @p0 s9, $0xE  }
0xac: {  	s9 =	sadd.s32 @p0 $0x11B8D, s9;
	s10 =	sshll.u32 @p0 s8, $0x11  }
0xad: {  	s9 =	sor.u32 @p0 s10, s9  }
0xae: {  	[sflag:s9] =	ssyncadd.remote.s32 @p0 $0x1;
	_ =	sdelay $0x1  }
0xaf: {  	s9 =	simm.s32 @p0 $0x1B8D  }
0xb0: {  	_ =	swait.eq @p0 [sflag:s9], $0x1  }
0xb1: {  	[sflag:s9] =	ssyncadd.s32 @p0 $0xFFFFFFFF  }
0xb2: {  	s10 =	sshll.u32 @!p0 s1, $0xE  }
0xb3: {  	s10 =	sor.u32 @!p0 $0x4000, s10;
	s9 =	simm.s32 @!p0 $0x1B8D  }
0xb4: {  	s8 =	sshll.u32 @!p0 s8, $0x11;
	s10 =	sadd.s32 @!p0 $0x11B8D, s10;
	_ =	swait.eq @!p0 [sflag:s9], $0x1  }
0xb5: {  	s8 =	sor.u32 @!p0 s8, s10;
	[sflag:s9] =	ssyncadd.s32 @!p0 $0xFFFFFFFF  }
0xb6: {  	s25 =	simm.s32 $0x1B8E;
	s24 =	sld [smem:$0x3FFE];
	[sflag:s8] =	ssyncadd.remote.s32 @!p0 $0x1  }
0xb7: {  	s26 =	simm.s32 $execute0_lowered;
	[smem:$0x3FD2] =	sst s25  }
0xb8: {  	s9 =	sshll.u32 s26, $0x1;
	_ =	strace $0x8000004F;
	[dreg:$0x1] =	wrdreg $0xFFFFFFFF  }
0xb9: {  	s28 =	simm.s32 $_size_execute0_lowered;
	s7 =	sadd.s32 s7, s9;
	[dreg:$0x0] =	wrdreg $0x0  }
0xba: {  	s9 =	sshll.u32 s28, $0x1;
	[dreg:$0x2] =	wrdreg s7  }
0xbb: {  	[dreg:$0x3] =	wrdreg s9  }
0xbc: {  	[dreg:$0x4] =	wrdreg $0xC0  }
0xbd: {  	_ =	task [dreg:s22], $0x5FFFF  }
0xbe: {  	[dreg:$0x1] =	wrdreg $0xFFFFFFFF  }
0xbf: {  	[dreg:$0x0] =	wrdreg $0x60  }
0xc0: {  	[dreg:$0x2] =	wrdreg s24  }
0xc1: {  	[dreg:$0x3] =	wrdreg s6  }
0xc2: {  	[dreg:$0x4] =	wrdreg s5  }
0xc3: {  	[dreg:$0x5] =	wrdreg s4  }
0xc4: {  	[dreg:$0x6] =	wrdreg s18  }
0xc5: {  	[dreg:$0x7] =	wrdreg $0xC  }
0xc6: {  	_ =	task.clear_ibuf [dreg:s22], $0x8FFFF;
	_ =	strace $0x9000004F  }
0xc7: {  	s29 =	simm.s32 $0xC;
	_ =	strace $0x80000051  }
0xc8: {  	_ =	swait.ge [sflag:s29], $0x1  }
0xc9: {  	[sflag:s29] =	ssyncadd.s32 $0xFFFFFFFF  }
0xca: {  	_ =	strace $0x90000051  }
0xcb: {  	_ =	sfence  }
0xcc: {  	s30 =	sld [smem:$0x0];
	_ =	sdelay $0x2  }
0xcd: {  	s31 =	sshll.u32 s1, $0xD;
	s1 =	sshrl.u32 s1, $0x2  }
0xce: {  	s4 =	sand.u32 $0x4000, s31;
	s1 =	sadd.s32 s1, s30  }
0xcf: {  	s0 =	sor.u32 s4, s0;
	s1 =	sshll.u32 s1, $0x11  }
0xd0: {  	s0 =	sor.u32 s1, s0  }
0xd1: {  	s0 =	sadd.s32 $0x8F2B, s0  }
0xd2: {  	[sflag:s0] =	ssyncadd.remote.s32 $0x1  }
0xd3: {  	_ =	sfence.sel $0xFFFF  }
0xd4: {  	[dreg:$0x0] =	wrdreg $0xFFFFFFFF;
	(pc) =	sbr.abs _section_cstart, $3  }
0xd5: {  	[dreg:$0x1] =	wrdreg $0xFFFFFFFF  }
0xd6: {  	_ =	task.clear_ibuf [dreg:s22], $0x2FFFF;
	_ =	strace $0x9FFFFFFF  }
0xd7: {  	(tm) =	ssettm $0x7FFFFFFF  }
tec
execute0_lowered:
.L_overlay_start_1:
0x0: {  	(tag) =	ssettag $0x1  }
0x1: {  	s0 =	rddreg [dreg:$0x0]  }
0x2: {  	s2 =	rddreg [dreg:$0x1]  }
0x3: {  	s1 =	rddreg [dreg:$0x2]  }
0x4: {  	s4 =	srdreg.scid;
	s8 =	stileid.u32  }
0x5: {  	s3 =	rddreg [dreg:$0x3];
	s5 =	simm.s32 $0x0;
	s28 =	simm.s32 $0x7180  }
0x6: {  	s29 =	simm.s32 $0x8D80;
	s4 =	sand.u32 $0x1, s4;
	s6 =	smul.u32 $0x2300, s8  }
0x7: {  	s31 =	simm.s32 $0x8E00;
	[smem:$0x7FF] =	sst s5;
	s7 =	smul.u32 $0x1180, s4  }
0x8: {  	s11 =	sshll.u32 s8, $0x1;
	s8 =	smul.u32 $0x23000, s8;
	s9 =	ssub.s32 $0x2, s4  }
0x9: {  	s6 =	sadd.s32 s7, s6;
	s7 =	sor.u32 s4, s11;
	s4 =	smul.u32 $0x11800, s4  }
0xa: {  	s17 =	sadd.s32 $0xDC00, s0;
	s21 =	sadd.s32 $0x732000, s0;
	s12 =	smul.u32 $0x580, s7  }
0xb: {  	_ =	strace $0x80000050;
	s13 =	sshrl.u32 s9, $0x1;
	s18 =	smul.u32 $0x118, s7  }
0xc: {  	s19 =	sadd.s32 s8, s0;
	s9 =	ssub.s32 s9, s13;
	s10 =	smul.u32 $0xB, s7  }
0xd: {  	s6 =	sshrl.u32 s6, $0x3;
	s11 =	smul.u32 $0x1180, s7;
	s9 =	smax.u32 s9, $0x1  }
0xe: {  	s20 =	sadd.s32 s6, s0;
	s4 =	sadd.s32 s4, s19;
	s0 =	sadd.s32 s12, s0  }
0xf: {  	s2 =	sadd.s32 s2, s10;
	s14 =	sshrl.u32 s18, $0x3;
	s15 =	sadd.s32 $0x38, s18  }
0x10: {  	s10 =	sadd.s32 s21, s11;
	s22 =	sadd.s32 $0x70, s18;
	s24 =	sadd.s32 $0xA8, s18  }
0x11: {  	s26 =	sadd.s32 $0xE0, s18;
	s19 =	sadd.s32 $0x760000, s4;
	s20 =	sadd.s32 $0x9000, s20  }
0x12: {  	[dreg:$0x6] =	wrdreg s2;
	s0 =	sadd.s32 $0x755000, s0;
	s8 =	sadd.s32 s17, s14  }
0x13: {  	s16 =	sshrl.u32 s15, $0x3;
	s23 =	sshrl.u32 s22, $0x3;
	s2 =	sshll.u32 s22, $0x4  }
0x14: {  	s25 =	sshrl.u32 s24, $0x3;
	s30 =	sshrl.u32 s26, $0x3;
	s22 =	simm.s32 $0xE0  }
0x15: {  	[dreg:$0x7] =	wrdreg s0;
	s11 =	sadd.s32 s17, s16;
	s0 =	sshll.u32 s15, $0x4  }
0x16: {  	s13 =	sadd.s32 s17, s23;
	s14 =	sadd.s32 s21, s2;
	s15 =	sadd.s32 s17, s25  }
0x17: {  	s17 =	sadd.s32 s17, s30;
	s23 =	simm.s32 $0x100;
	s25 =	simm.s32 $0x7100  }
0x18: {  	s2 =	simm.s32 $0x0;
	s12 =	sadd.s32 s21, s0;
	s0 =	sshll.u32 s24, $0x4  }
0x19: {  	s24 =	simm.s32 $0x1;
	s16 =	sadd.s32 s21, s0;
	s0 =	sshll.u32 s26, $0x4  }
0x1a: {  	s26 =	simm.s32 $0x38;
	s18 =	sadd.s32 s21, s0;
	s21 =	simm.s32 $0x2  }
.LBB2_1:
0x1b: {  	s0 =	sadd.s32 $0x0, s20  }
0x1c: {  	[tilespmem:s5], [sflag:$0x2] =	stream.linear.gather [hbm4b:s0+s5], $0xE0, $0x38;
	[tilespmem:$0xBA00] =	vst v63  }
0x1d: {  	_ =	swait.ge [sflag:s21], $0xE0  }
0x1e: {  	[sflag:s21] =	ssyncset.done $0x0  }
0x1f: {  	[sflag:s21] =	ssyncadd.s32 $0xFFFFFF20  }
0x20: {  	[tilespmem:s23], [sflag:$0x1] =	stream.indirect.gather [hbm4b:s1+s22], $0x80, s5, s22, $0xb8;
	[tilespmem:$0xBA00] =	vst v63  }
0x21: {  	_ =	swait.ge [sflag:s24], $0x7000  }
0x22: {  	[sflag:s24] =	ssyncset.done $0x0  }
0x23: {  	[sflag:s24] =	ssyncadd.s32 $0xFFFF9000  }
0x24: {  	[hbm4b:s19+s5] =	stream.linear.scatter [tilespmem:s23], [sflag:$0x2], $0x7000, $0x38;
	[tilespmem:$0xBA00] =	vst v63  }
0x25: {  	s4 =	simm.s32 $0x1C;
	_ =	swait.ge [sflag:s21], $0x7000  }
0x26: {  	s30 =	simm.s32 $0x38;
	s0 =	sadd.s32 $0xE00, s19;
	[sflag:s21] =	ssyncset.done $0x0  }
.LBB2_2:
0x27: {  	s6 =	sadd.s32 s4, s20  }
0x28: {  	[sflag:s21] =	ssyncadd.s32 $0xFFFF9000;
	s4 =	smov.u32 s30;
	s7 =	sadd.s32 $0x1C, s30  }
0x29: {  	[tilespmem:s5], [sflag:$0x2] =	stream.linear.gather [hbm4b:s6+s5], $0xE0, $0x38;
	[tilespmem:$0xBA00] =	vst v63  }
0x2a: {  	p0 =	sne.s32 s30, $0x214;
	_ =	swait.ge [sflag:s21], $0xE0  }
0x2b: {  	[sflag:s21] =	ssyncset.done $0x0  }
0x2c: {  	[sflag:s21] =	ssyncadd.s32 $0xFFFFFF20  }
0x2d: {  	[tilespmem:s23], [sflag:$0x1] =	stream.indirect.gather [hbm4b:s1+s22], $0x80, s5, s22, $0xb8;
	[tilespmem:$0xBA00] =	vst v63  }
0x2e: {  	_ =	swait.ge [sflag:s24], $0x7000  }
.Ltmp0:
0x2f: {  	[sflag:s24] =	ssyncset.done $0x0;
	(pc) =	sbr.rel @p0 .LBB2_2-.Ltmp0, $4  }
0x30: {  	[sflag:s24] =	ssyncadd.s32 $0xFFFF9000  }
0x31: {  	[hbm4b:s0+s5] =	stream.linear.scatter [tilespmem:s23], [sflag:$0x2], $0x7000, $0x38;
	[tilespmem:$0xBA00] =	vst v63  }
0x32: {  	_ =	swait.ge [sflag:s21], $0x7000  }
0x33: {  	s30 =	smov.u32 s7;
	s0 =	sadd.s32 $0xE00, s0;
	[sflag:s21] =	ssyncset.done $0x0  }
0x34: {  	s4 =	sadd.s32 s4, s20;
	[sflag:s21] =	ssyncadd.s32 $0xFFFF9000  }
0x35: {  	[tilespmem:s5], [sflag:$0x2] =	stream.linear.gather [hbm4b:s4+s5], $0xE0, $0x38;
	[tilespmem:$0xBA00] =	vst v63  }
0x36: {  	_ =	swait.ge [sflag:s21], $0xE0  }
0x37: {  	[sflag:s21] =	ssyncset.done $0x0  }
0x38: {  	[sflag:s21] =	ssyncadd.s32 $0xFFFFFF20  }
0x39: {  	[tilespmem:s23], [sflag:$0x1] =	stream.indirect.gather [hbm4b:s1+s22], $0x80, s5, s22, $0xb8;
	[tilespmem:$0xBA00] =	vst v63  }
0x3a: {  	_ =	swait.ge [sflag:s24], $0x7000  }
0x3b: {  	[sflag:s24] =	ssyncset.done $0x0  }
0x3c: {  	[sflag:s24] =	ssyncadd.s32 $0xFFFF9000  }
0x3d: {  	[hbm4b:s0+s5] =	stream.linear.scatter [tilespmem:s23], [sflag:$0x2], $0x7000, $0x38;
	[tilespmem:$0xBA00] =	vst v63  }
0x3e: {  	_ =	swait.ge [sflag:s21], $0x7000  }
0x3f: {  	[sflag:s21] =	ssyncset.done $0x0  }
0x40: {  	[sflag:s21] =	ssyncadd.s32 $0xFFFF9000  }
0x41: {  	[tilespmem:s25], [sflag:$0x2] =	stream.linear.gather [hbm4b:s8+s5], $0x38, $0x38;
	[tilespmem:$0xBA00] =	vst v63  }
0x42: {  	_ =	swait.ge [sflag:s21], $0x38  }
0x43: {  	[sflag:s21] =	ssyncset.done $0x0  }
0x44: {  	[sflag:s21] =	ssyncadd.s32 $0xFFFFFFC8  }
0x45: {  	[tilespmem:s28], [sflag:$0x1] =	stream.indirect.gather [hbm4b:s3+s26], $0x80, s25, s26, $0xb8;
	[tilespmem:$0xBA00] =	vst v63  }
0x46: {  	_ =	swait.ge [sflag:s24], $0x1C00  }
0x47: {  	[sflag:s24] =	ssyncset.done $0x0  }
0x48: {  	[sflag:s24] =	ssyncadd.s32 $0xFFFFE400  }
0x49: {  	[hbm4b:s10+s5] =	stream.linear.scatter [tilespmem:s28], [sflag:$0x2], $0x1C00, $0x38;
	[tilespmem:$0xBA00] =	vst v63  }
0x4a: {  	_ =	swait.ge [sflag:s21], $0x1C00  }
0x4b: {  	[sflag:s21] =	ssyncset.done $0x0  }
0x4c: {  	[sflag:s21] =	ssyncadd.s32 $0xFFFFE400  }
0x4d: {  	[tilespmem:s25], [sflag:$0x2] =	stream.linear.gather [hbm4b:s11+s5], $0x38, $0x38;
	[tilespmem:$0xBA00] =	vst v63  }
0x4e: {  	_ =	swait.ge [sflag:s21], $0x38  }
0x4f: {  	[sflag:s21] =	ssyncset.done $0x0  }
0x50: {  	[sflag:s21] =	ssyncadd.s32 $0xFFFFFFC8  }
0x51: {  	[tilespmem:s28], [sflag:$0x1] =	stream.indirect.gather [hbm4b:s3+s26], $0x80, s25, s26, $0xb8;
	[tilespmem:$0xBA00] =	vst v63  }
0x52: {  	_ =	swait.ge [sflag:s24], $0x1C00  }
0x53: {  	[sflag:s24] =	ssyncset.done $0x0  }
0x54: {  	[sflag:s24] =	ssyncadd.s32 $0xFFFFE400  }
0x55: {  	[hbm4b:s12+s5] =	stream.linear.scatter [tilespmem:s28], [sflag:$0x2], $0x1C00, $0x38;
	[tilespmem:$0xBA00] =	vst v63  }
0x56: {  	_ =	swait.ge [sflag:s21], $0x1C00  }
0x57: {  	[sflag:s21] =	ssyncset.done $0x0  }
0x58: {  	[sflag:s21] =	ssyncadd.s32 $0xFFFFE400  }
0x59: {  	[tilespmem:s25], [sflag:$0x2] =	stream.linear.gather [hbm4b:s13+s5], $0x38, $0x38;
	[tilespmem:$0xBA00] =	vst v63  }
0x5a: {  	_ =	swait.ge [sflag:s21], $0x38  }
0x5b: {  	[sflag:s21] =	ssyncset.done $0x0  }
0x5c: {  	[sflag:s21] =	ssyncadd.s32 $0xFFFFFFC8  }
0x5d: {  	[tilespmem:s28], [sflag:$0x1] =	stream.indirect.gather [hbm4b:s3+s26], $0x80, s25, s26, $0xb8;
	[tilespmem:$0xBA00] =	vst v63  }
0x5e: {  	_ =	swait.ge [sflag:s24], $0x1C00  }
0x5f: {  	[sflag:s24] =	ssyncset.done $0x0  }
0x60: {  	[sflag:s24] =	ssyncadd.s32 $0xFFFFE400  }
0x61: {  	[hbm4b:s14+s5] =	stream.linear.scatter [tilespmem:s28], [sflag:$0x2], $0x1C00, $0x38;
	[tilespmem:$0xBA00] =	vst v63  }
0x62: {  	_ =	swait.ge [sflag:s21], $0x1C00  }
0x63: {  	[sflag:s21] =	ssyncset.done $0x0  }
0x64: {  	[sflag:s21] =	ssyncadd.s32 $0xFFFFE400  }
0x65: {  	[tilespmem:s25], [sflag:$0x2] =	stream.linear.gather [hbm4b:s15+s5], $0x38, $0x38;
	[tilespmem:$0xBA00] =	vst v63  }
0x66: {  	_ =	swait.ge [sflag:s21], $0x38  }
0x67: {  	[sflag:s21] =	ssyncset.done $0x0  }
0x68: {  	[sflag:s21] =	ssyncadd.s32 $0xFFFFFFC8  }
0x69: {  	[tilespmem:s28], [sflag:$0x1] =	stream.indirect.gather [hbm4b:s3+s26], $0x80, s25, s26, $0xb8;
	[tilespmem:$0xBA00] =	vst v63  }
0x6a: {  	_ =	swait.ge [sflag:s24], $0x1C00  }
0x6b: {  	[sflag:s24] =	ssyncset.done $0x0  }
0x6c: {  	[sflag:s24] =	ssyncadd.s32 $0xFFFFE400  }
0x6d: {  	[hbm4b:s16+s5] =	stream.linear.scatter [tilespmem:s28], [sflag:$0x2], $0x1C00, $0x38;
	[tilespmem:$0xBA00] =	vst v63  }
0x6e: {  	_ =	swait.ge [sflag:s21], $0x1C00  }
0x6f: {  	[sflag:s21] =	ssyncset.done $0x0  }
0x70: {  	[sflag:s21] =	ssyncadd.s32 $0xFFFFE400  }
0x71: {  	[tilespmem:s25], [sflag:$0x2] =	stream.linear.gather [hbm4b:s17+s5], $0x38, $0x38;
	[tilespmem:$0xBA00] =	vst v63  }
0x72: {  	_ =	swait.ge [sflag:s21], $0x38  }
0x73: {  	[sflag:s21] =	ssyncset.done $0x0  }
0x74: {  	[sflag:s21] =	ssyncadd.s32 $0xFFFFFFC8  }
0x75: {  	[tilespmem:s28], [sflag:$0x1] =	stream.indirect.gather [hbm4b:s3+s26], $0x80, s25, s26, $0xb8;
	[tilespmem:$0xBA00] =	vst v63  }
0x76: {  	_ =	swait.ge [sflag:s24], $0x1C00  }
0x77: {  	[sflag:s24] =	ssyncset.done $0x0  }
0x78: {  	[sflag:s24] =	ssyncadd.s32 $0xFFFFE400  }
0x79: {  	[hbm4b:s18+s5] =	stream.linear.scatter [tilespmem:s28], [sflag:$0x2], $0x1C00, $0x38;
	[tilespmem:$0xBA00] =	vst v63  }
0x7a: {  	_ =	swait.ge [sflag:s21], $0x1C00  }
0x7b: {  	[sflag:s21] =	ssyncset.done $0x0  }
0x7c: {  	s4 =	rddreg [dreg:$0x6];
	[sflag:s21] =	ssyncadd.s32 $0xFFFFE400  }
0x7d: {  	[tilespmem:s29], [sflag:$0x2] =	stream.linear.gather [hbm4b:s4+s5], $0x58, $0x38;
	[tilespmem:$0xBA00] =	vst v63  }
0x7e: {  	_ =	swait.ge [sflag:s21], $0x58  }
0x7f: {  	[sflag:s21] =	ssyncset.done $0x0  }
0x80: {  	[sflag:s21] =	ssyncadd.s32 $0xFFFFFFA8  }
0x81: {  	s7 =	simm.s32 $0x58;
	s6 =	rddreg [dreg:$0x4]  }
0x82: {  	[tilespmem:s31], [sflag:$0x1] =	stream.indirect.gather [hbm4b:s6+s7], $0x80, s29, s7, $0xb8;
	[tilespmem:$0xBA00] =	vst v63  }
0x83: {  	s2 =	sadd.s32 $0x1, s2;
	_ =	swait.ge [sflag:s24], $0x2C00  }
0x84: {  	p0 =	sne.s32 s2, s9;
	[sflag:s24] =	ssyncset.done $0x0  }
.Ltmp1:
0x85: {  	s30 =	rddreg [dreg:$0x7];
	[sflag:s24] =	ssyncadd.s32 $0xFFFFD400;
	(pc) =	sbr.rel @p0 .LBB2_1-.Ltmp1, $4  }
0x86: {  	[hbm4b:s30+s5] =	stream.linear.scatter [tilespmem:s31], [sflag:$0x2], $0x2C00, $0x38;
	[tilespmem:$0xBA00] =	vst v63  }
0x87: {  	_ =	swait.ge [sflag:s21], $0x2C00  }
0x88: {  	[sflag:s21] =	ssyncset.done $0x0  }
0x89: {  	[sflag:s21] =	ssyncadd.s32 $0xFFFFD400  }
0x8a: {  	_ =	sfence.sel $0x180000  }
0x8b: {  	[bflag:$0x0] =	sbarrier.arrive $0xFFFF  }
0x8c: {  	_ =	strace $0x90000050  }
0x8d: {  	s0 =	stileid.u32;
	[bflag:$0x2] =	sbarrier.arrive $0xFFFF  }
0x8e: {  	p0 =	sne.s32 s0, $0x0;
	s0 =	rddreg [dreg:$0x5]  }
0x8f: {  	s0 =	sadd.s32 @!p0 $0x100000, s0  }
0x90: {  	[sflag:s0] =	ssyncadd.tile.s32 @!p0 $0x1;
	_ =	shalt  }
.Lfunc_end2:
_tile_overlayer_lowered:
.L_overlay_start_2:
0x91: {  	(tag) =	ssettag $0x2  }
0x92: {  	s0 =	rddreg [dreg:$0x0];
	s2 =	stileid.u32  }
0x93: {  	s1 =	rddreg [dreg:$0x1];
	p0 =	sne.s32 s2, $0x0  }
0x94: {  	s3 =	rddreg [dreg:$0x2];
	[bflag:$0x3] =	sbarrier.arrive $0xFFFF;
	s2 =	simm.s32 @!p0 $0x1C02  }
0x95: {  	[timem:s3], [sflag:s2] =	dma.local @!p0 [hbm:s0], s1  }
0x96: {  	s0 =	simm.s32 @!p0 $0x2  }
0x97: {  	_ =	swait.ge @!p0 [sflag:s0], s1  }
0x98: {  	s1 =	ssub.s32 @!p0 $0x0, s1;
	[sflag:s0] =	ssyncset.done @!p0 $0x0  }
0x99: {  	[sflag:s0] =	ssyncadd.s32 @!p0 s1  }
0x9a: {  	[bflag:$0x3] =	sbarrier.arrive $0xFFFF  }
0x9b: {  	_ =	shalt  }

</sc_bundles>
